<compile_context>
chip_gen: v7x
topology: tpu7x:2x2x1
jax: 0.10.2.dev20260603
libtpu: 0.0.44.dev20260713+nightly
codegen_flags: <defaults>
</compile_context>

<pallas_src>
import functools

import jax
import jax.numpy as jnp
from jax import lax
from jax.experimental import pallas as pl
from jax.experimental.pallas import tpu as pltpu
from jax.experimental.pallas import tpu_sc as plsc

N = 10000
D = 128
NPAD = 10240
NTILES = 32
BLK = 128
NB_F = 112
NB_S = 46
NB_F_STAGES = ((0, 56), (56, 56))
EPAD = 16 * (NB_F + NB_S) * BLK
ROWS_PT = NPAD // 16

_mesh = plsc.VectorSubcoreMesh(core_axis_name="c", subcore_axis_name="s")


@functools.partial(
    pl.kernel,
    out_type=jax.ShapeDtypeStruct((2, NPAD), jnp.float32),
    mesh=_mesh,
    scratch_types=[
        pltpu.VMEM((NB_F, BLK), jnp.int32),
        pltpu.VMEM((BLK,), jnp.float32),
        pltpu.VMEM((ROWS_PT,), jnp.float32),
        pltpu.VMEM_SHARED((NPAD,), jnp.float32),
    ],
)
def _deg_kernel(dst_f, dst_s, out_hbm, dst_v, ones_v, zb_v, deg_sp):
    cid = lax.axis_index("c")
    sid = lax.axis_index("s")

    def fill_zeros(i, _):
        zb_v[pl.ds(i * 16, 16)] = jnp.zeros((16,), jnp.float32)
        return 0
    lax.fori_loop(0, ROWS_PT // 16, fill_zeros, 0)

    def fill_ones(i, _):
        ones_v[pl.ds(i * 16, 16)] = jnp.ones((16,), jnp.float32)
        return 0
    lax.fori_loop(0, BLK // 16, fill_ones, 0)

    pltpu.sync_copy(zb_v, deg_sp.at[pl.ds(sid * ROWS_PT, ROWS_PT)])

    def scan(dst_hbm, nb):
        pltpu.sync_copy(dst_hbm.at[sid], dst_v.at[pl.ds(0, nb)])
        plsc.subcore_barrier()

        def body(j, _):
            pltpu.sync_copy(ones_v, deg_sp.at[dst_v.at[j]], add=True)
            return 0
        lax.fori_loop(0, nb, body, 0)

    @pl.when(cid == 0)
    def _():
        scan(dst_f, NB_F)

    @pl.when(cid == 1)
    def _():
        scan(dst_s, NB_S)

    plsc.subcore_barrier()
    pltpu.sync_copy(
        deg_sp.at[pl.ds(sid * ROWS_PT, ROWS_PT)],
        out_hbm.at[cid, pl.ds(sid * ROWS_PT, ROWS_PT)],
    )


@functools.partial(
    pl.kernel,
    out_type=jax.ShapeDtypeStruct((2, NPAD, D), jnp.float32),
    mesh=_mesh,
    scratch_types=[
        pltpu.VMEM((56, BLK), jnp.int32),
        pltpu.VMEM((56, BLK), jnp.int32),
        pltpu.VMEM((2, BLK, D), jnp.float32),
        pltpu.VMEM_SHARED((NPAD, D), jnp.float32),
        pltpu.SemaphoreType.DMA, pltpu.SemaphoreType.DMA,
    ],
)
def _prop_kernel(y_hbm, src_f, dst_f, src_s, dst_s, out_hbm,
                 src_v, dst_v, rows_v, p_sp, g0, g1):
    cid = lax.axis_index("c")
    sid = lax.axis_index("s")
    gs = (g0, g1)

    def fill_zeros(i, _):
        for l in range(D // 16):
            rows_v[0, i, pl.ds(l * 16, 16)] = jnp.zeros((16,), jnp.float32)
        return 0
    lax.fori_loop(0, BLK, fill_zeros, 0)

    def zcp(k, _):
        pltpu.sync_copy(rows_v.at[0],
                        p_sp.at[pl.ds(sid * ROWS_PT + k * BLK, BLK)])
        return 0
    lax.fori_loop(0, ROWS_PT // BLK, zcp, 0)
    plsc.subcore_barrier()

    def step(l, b, prefetch):
        pltpu.make_async_copy(
            y_hbm.at[src_v.at[l]], rows_v.at[b], gs[b]).wait()
        if prefetch:
            pltpu.async_copy(
                y_hbm.at[src_v.at[l + 1]], rows_v.at[1 - b], gs[1 - b])
        pltpu.sync_copy(rows_v.at[b], p_sp.at[dst_v.at[l]], add=True)

    def run_prefetch(nb):
        pltpu.async_copy(y_hbm.at[src_v.at[0]], rows_v.at[0], gs[0])

        def body(m, _):
            step(2 * m, 0, True)
            step(2 * m + 1, 1, True)
            return 0
        lax.fori_loop(0, nb // 2 - 1, body, 0)
        step(nb - 2, 0, True)
        step(nb - 1, 1, False)

    @pl.when(cid == 0)
    def _():
        for off, nb in NB_F_STAGES:
            pltpu.sync_copy(src_f.at[sid, pl.ds(off, nb)], src_v.at[pl.ds(0, nb)])
            pltpu.sync_copy(dst_f.at[sid, pl.ds(off, nb)], dst_v.at[pl.ds(0, nb)])
            run_prefetch(nb)

    @pl.when(cid == 1)
    def _():
        pltpu.sync_copy(src_s.at[sid], src_v.at[pl.ds(0, NB_S)])
        pltpu.sync_copy(dst_s.at[sid], dst_v.at[pl.ds(0, NB_S)])
        run_prefetch(NB_S)

    plsc.subcore_barrier()
    pltpu.sync_copy(
        p_sp.at[pl.ds(sid * ROWS_PT, ROWS_PT)],
        out_hbm.at[cid, pl.ds(sid * ROWS_PT, ROWS_PT)],
    )


def _scale_body(deg_ref, x_ref, y_ref):
    deg = deg_ref[0] + deg_ref[1] + 1.0
    y_ref[...] = x_ref[...] * jax.lax.rsqrt(deg)[:, None]


def _scale(degp, xp):
    blk = 2048
    return pl.pallas_call(
        _scale_body,
        grid=(NPAD // blk,),
        in_specs=[
            pl.BlockSpec((2, blk), lambda i: (0, i)),
            pl.BlockSpec((blk, D), lambda i: (i, 0)),
        ],
        out_specs=pl.BlockSpec((blk, D), lambda i: (i, 0)),
        out_shape=jax.ShapeDtypeStruct((NPAD, D), jnp.float32),
    )(degp, xp)


def _dense_body(degp, pp, y, h, Wz, Wr, Wh, Wlz, Wlr, Wlh, Wlin,
                bz, br, bh, blz, blr, blh, blin, z_out, h_out):
    bf = jnp.bfloat16
    deg = degp[0] + degp[1] + 1.0
    dinv = jax.lax.rsqrt(deg)[:, None]
    A = (dinv * (pp[0] + pp[1] + y[...])).astype(bf)
    hh = h[...]
    hb = hh.astype(bf)

    def mm(a, b):
        return jnp.dot(a, b.astype(bf), preferred_element_type=jnp.float32)

    wlz = Wlz[...]
    wlr = Wlr[...]
    wlh = Wlh[...]
    convz = (mm(A, Wz[...]) + bz[...]).astype(bf)
    Z = jax.nn.sigmoid(mm(convz, wlz[:D]) + mm(hb, wlz[D:]) + blz[...])
    convr = (mm(A, Wr[...]) + br[...]).astype(bf)
    Rg = jax.nn.sigmoid(mm(convr, wlr[:D]) + mm(hb, wlr[D:]) + blr[...])
    convh = (mm(A, Wh[...]) + bh[...]).astype(bf)
    Ht = jnp.tanh(mm(convh, wlh[:D]) + mm((hh * Rg).astype(bf), wlh[D:]) + blh[...])
    H = Z * hh + (1.0 - Z) * Ht
    h_out[...] = H
    z_out[...] = mm(jax.nn.relu(H).astype(bf), Wlin[...]) + blin[...]


def _dense(degp, pparts, y, hp, W_z, W_r, W_h, Wl_z, Wl_r, Wl_h, W_lin,
           b_z, b_r, b_h, bl_z, bl_r, bl_h, b_lin):
    blk = 512
    full = lambda shape: pl.BlockSpec(shape, lambda i: tuple(0 for _ in shape))
    return pl.pallas_call(
        _dense_body,
        grid=(NPAD // blk,),
        in_specs=[
            pl.BlockSpec((2, blk), lambda i: (0, i)),
            pl.BlockSpec((2, blk, D), lambda i: (0, i, 0)),
            pl.BlockSpec((blk, D), lambda i: (i, 0)),
            pl.BlockSpec((blk, D), lambda i: (i, 0)),
            full((D, D)), full((D, D)), full((D, D)),
            full((2 * D, D)), full((2 * D, D)), full((2 * D, D)),
            full((D, D)),
            full((1, D)), full((1, D)), full((1, D)),
            full((1, D)), full((1, D)), full((1, D)), full((1, D)),
        ],
        out_specs=[
            pl.BlockSpec((blk, D), lambda i: (i, 0)),
            pl.BlockSpec((blk, D), lambda i: (i, 0)),
        ],
        out_shape=[
            jax.ShapeDtypeStruct((NPAD, D), jnp.float32),
            jax.ShapeDtypeStruct((NPAD, D), jnp.float32),
        ],
    )(degp, pparts, y, hp, W_z, W_r, W_h, Wl_z, Wl_r, Wl_h, W_lin,
      b_z.reshape(1, D), b_r.reshape(1, D), b_h.reshape(1, D),
      bl_z.reshape(1, D), bl_r.reshape(1, D), bl_h.reshape(1, D),
      b_lin.reshape(1, D))


def kernel(node_feat, src, dst, h, W_z, b_z, Wl_z, bl_z, W_r, b_r, Wl_r, bl_r,
           W_h, b_h, Wl_h, bl_h, W_lin, b_lin):
    pad_e = EPAD - src.shape[0]
    srcp = jnp.concatenate([src, jnp.full((pad_e,), N, jnp.int32)])
    dstp = jnp.concatenate([dst, jnp.full((pad_e,), N, jnp.int32)])
    ef = 16 * NB_F * BLK
    src_f = srcp[:ef].reshape(16, NB_F, BLK)
    src_s = srcp[ef:].reshape(16, NB_S, BLK)
    dst_f = dstp[:ef].reshape(16, NB_F, BLK)
    dst_s = dstp[ef:].reshape(16, NB_S, BLK)
    degp = _deg_kernel(dst_f, dst_s)
    y = _scale(degp, node_feat)
    pparts = _prop_kernel(y, src_f, dst_f, src_s, dst_s)
    z_pad, H_pad = _dense(degp, pparts, y, h, W_z, W_r, W_h, Wl_z, Wl_r,
                          Wl_h, W_lin, b_z, b_r, b_h, bl_z, bl_r, bl_h, b_lin)
    return (z_pad[:N], H_pad[:N])

# --- scband reference (transcript-rebuilt; emitter-appended) ---
"""Pipeline reference for scband-recurrent-gcn-56684978372851 (READ-ONLY COPY).

The authoritative reference and input builder live on the scoring server;
editing this copy changes nothing except your own understanding.
"""

import jax, jax.numpy as jnp
import numpy as np

N = 10000
E = 320000
D_IN = 128
D_OUT = 128


def setup_inputs(seed: int = 0) -> dict:
    key = jax.random.key(seed)
    ks = jax.random.split(key, 20)
    node_feat = jax.random.normal(ks[0], (N, D_IN), dtype=jnp.float32)
    h = jax.random.normal(ks[1], (N, D_OUT), dtype=jnp.float32)
    src = jax.random.randint(ks[2], (E,), 0, N, dtype=jnp.int32)
    dst = jax.random.randint(ks[3], (E,), 0, N, dtype=jnp.int32)
    s_in = 1.0 / np.sqrt(D_IN)
    s_cat = 1.0 / np.sqrt(2 * D_OUT)
    s_out = 1.0 / np.sqrt(D_OUT)
    inp = {
        'node_feat': node_feat, 'src': src, 'dst': dst, 'h': h,
        'W_z': jax.random.normal(ks[4], (D_IN, D_OUT), dtype=jnp.float32) * s_in,
        'b_z': jnp.zeros((D_OUT,), dtype=jnp.float32),
        'Wl_z': jax.random.normal(ks[5], (2 * D_OUT, D_OUT), dtype=jnp.float32) * s_cat,
        'bl_z': jnp.zeros((D_OUT,), dtype=jnp.float32),
        'W_r': jax.random.normal(ks[6], (D_IN, D_OUT), dtype=jnp.float32) * s_in,
        'b_r': jnp.zeros((D_OUT,), dtype=jnp.float32),
        'Wl_r': jax.random.normal(ks[7], (2 * D_OUT, D_OUT), dtype=jnp.float32) * s_cat,
        'bl_r': jnp.zeros((D_OUT,), dtype=jnp.float32),
        'W_h': jax.random.normal(ks[8], (D_IN, D_OUT), dtype=jnp.float32) * s_in,
        'b_h': jnp.zeros((D_OUT,), dtype=jnp.float32),
        'Wl_h': jax.random.normal(ks[9], (2 * D_OUT, D_OUT), dtype=jnp.float32) * s_cat,
        'bl_h': jnp.zeros((D_OUT,), dtype=jnp.float32),
        'W_lin': jax.random.normal(ks[10], (D_OUT, D_OUT), dtype=jnp.float32) * s_out,
        'b_lin': jnp.zeros((D_OUT,), dtype=jnp.float32),
    }
    return inp


def _gcn_conv(x, W, b, src, dst):
    # GCNConv: linear transform, add self-loops, symmetric normalization, scatter-add to dst
    x_lin = x @ W
    loop = jnp.arange(N, dtype=src.dtype)
    s = jnp.concatenate([src, loop])
    d = jnp.concatenate([dst, loop])
    ew = jnp.ones((s.shape[0],), dtype=x.dtype)
    deg = jax.ops.segment_sum(ew, d, num_segments=N)
    dinv = jnp.where(deg > 0, deg ** -0.5, 0.0)
    norm = dinv[s] * dinv[d]
    msg = x_lin[s] * norm[:, None]
    out = jax.ops.segment_sum(msg, d, num_segments=N)
    return out + b


def reference(node_feat, src, dst, h, W_z, b_z, Wl_z, bl_z, W_r, b_r, Wl_r, bl_r, W_h, b_h, Wl_h, bl_h, W_lin, b_lin):
    # TGCN cell (GRU with GCNConv gates)
    Z = jax.nn.sigmoid(jnp.concatenate([_gcn_conv(node_feat, W_z, b_z, src, dst), h], axis=1) @ Wl_z + bl_z)
    R = jax.nn.sigmoid(jnp.concatenate([_gcn_conv(node_feat, W_r, b_r, src, dst), h], axis=1) @ Wl_r + bl_r)
    H_tilde = jnp.tanh(jnp.concatenate([_gcn_conv(node_feat, W_h, b_h, src, dst), h * R], axis=1) @ Wl_h + bl_h)
    H = Z * h + (1.0 - Z) * H_tilde
    # RecurrentGCN head
    z = jax.nn.relu(H) @ W_lin + b_lin
    return (z, H)

if __name__ == "__main__":
    import jax
    _d = setup_inputs()
    print(jax.jit(kernel)(*tuple(_d.values())))

</pallas_src>

<mosaic_0001>
#map = affine_map<(d0, d1) -> (0, 0, 0)>
#map1 = affine_map<(d0, d1) -> (0, 0)>
module attributes {stable_mosaic.version = 14 : i64} {
  func.func @_deg_kernel(%arg0: i32, %arg1: i32, %arg2: memref<16x112x128xi32, #tpu.memory_space<hbm>>, %arg3: memref<16x46x128xi32, #tpu.memory_space<hbm>>, %arg4: memref<2x10240xf32, #tpu.memory_space<hbm>>, %arg5: memref<112x128xi32, #tpu.memory_space<vmem>>, %arg6: memref<128xf32, #tpu.memory_space<vmem>>, %arg7: memref<640xf32, #tpu.memory_space<vmem>>, %arg8: memref<10240xf32, #tpu.memory_space<vmem_shared>>) attributes {dimension_semantics = [#tpu.dimension_semantics<core_parallel>, #tpu.dimension_semantics<subcore_parallel>], iteration_bounds = array<i64: 2, 16>, scalar_prefetch = 0 : i64, scratch_operands = 4 : i64, tpu.core_type = #tpu.core_type<sc_vector_subcore>, window_params = [{transform_indices = #map}, {transform_indices = #map}, {transform_indices = #map1}]} {
    %scan3A = arith.constant 0 : i32
    %scan3A_0 = arith.constant 0 : i32
    %scan3A_1 = arith.constant 40 : i32
    %scan3A_2 = arith.addi %scan3A_0, %scan3A_1 : i32
    %scan3A_3 = arith.constant 1 : i32
    %scan3A_4 = scf.for %scan3A_25 = %scan3A_0 to %scan3A_2 step %scan3A_3 iter_args(%scan3A_26 = %scan3A) -> (i32)  : i32 {
      %broadcast_in_dim3A = arith.constant 0.000000e+00 : f32
      %broadcast_in_dim3A_27 = vector.broadcast %broadcast_in_dim3A : f32 to vector<16xf32>
      %mul3A_28 = arith.constant 16 : i32
      %mul3A_29 = arith.muli %scan3A_25, %mul3A_28 : i32
      %swap3A = arith.index_cast %mul3A_29 : i32 to index
      %swap3A_30 = tpu.vector_load %arg7[%swap3A] {strides = array<i32>} : memref<640xf32, #tpu.memory_space<vmem>>, vector<16xf32>,
      %swap3A_31 = vector.shape_cast %swap3A_30 : vector<16xf32> to vector<16xf32>
      %swap3A_32 = vector.shape_cast %broadcast_in_dim3A_27 : vector<16xf32> to vector<16xf32>
      tpu.vector_store %arg7[%swap3A], %swap3A_32 {strides = array<i32>} : memref<640xf32, #tpu.memory_space<vmem>>, vector<16xf32>,
      %scan3A_33 = arith.constant 0 : i32
      scf.yield %scan3A_33 : i32
    }
    %scan3A_5 = arith.constant 40 : i32
    %scan3A_6 = arith.constant 0 : i32
    %scan3A_7 = arith.constant 0 : i32
    %scan3A_8 = arith.constant 8 : i32
    %scan3A_9 = arith.addi %scan3A_7, %scan3A_8 : i32
    %scan3A_10 = arith.constant 1 : i32
    %scan3A_11 = scf.for %scan3A_25 = %scan3A_7 to %scan3A_9 step %scan3A_10 iter_args(%scan3A_26 = %scan3A_6) -> (i32)  : i32 {
      %broadcast_in_dim3A = arith.constant 1.000000e+00 : f32
      %broadcast_in_dim3A_27 = vector.broadcast %broadcast_in_dim3A : f32 to vector<16xf32>
      %mul3A_28 = arith.constant 16 : i32
      %mul3A_29 = arith.muli %scan3A_25, %mul3A_28 : i32
      %swap3A = arith.index_cast %mul3A_29 : i32 to index
      %swap3A_30 = tpu.vector_load %arg6[%swap3A] {strides = array<i32>} : memref<128xf32, #tpu.memory_space<vmem>>, vector<16xf32>,
      %swap3A_31 = vector.shape_cast %swap3A_30 : vector<16xf32> to vector<16xf32>
      %swap3A_32 = vector.shape_cast %broadcast_in_dim3A_27 : vector<16xf32> to vector<16xf32>
      tpu.vector_store %arg6[%swap3A], %swap3A_32 {strides = array<i32>} : memref<128xf32, #tpu.memory_space<vmem>>, vector<16xf32>,
      %scan3A_33 = arith.constant 0 : i32
      scf.yield %scan3A_33 : i32
    }
    %scan3A_12 = arith.constant 8 : i32
    %mul3A = arith.constant 640 : i32
    %mul3A_13 = arith.muli %arg1, %mul3A : i32
    "tpu.region"() ({
      %run_scoped3A = tpu.sem_alloc : memref<!tpu.dma_semaphore, #tpu.memory_space<semaphore_mem>>
      %dma_start3A = tpu.memref_slice %arg8[%mul3A_13] : memref<10240xf32, #tpu.memory_space<vmem_shared>> -> memref<640xf32, #tpu.memory_space<vmem_shared>>
      %dma_start3A_25 = tpu.memref_slice %arg8[%mul3A_13] : memref<10240xf32, #tpu.memory_space<vmem_shared>> -> memref<640xf32, #tpu.memory_space<vmem_shared>>
      tpu.enqueue_dma source(%arg7 : memref<640xf32, #tpu.memory_space<vmem>>) target(%dma_start3A_25 : memref<640xf32, #tpu.memory_space<vmem_shared>>) target_semaphore(%run_scoped3A : memref<!tpu.dma_semaphore, #tpu.memory_space<semaphore_mem>>)
      %dma_wait3A = tpu.memref_slice %arg8[%mul3A_13] : memref<10240xf32, #tpu.memory_space<vmem_shared>> -> memref<640xf32, #tpu.memory_space<vmem_shared>>
      %dma_wait3A_26 = tpu.memref_slice %arg8[%mul3A_13] : memref<10240xf32, #tpu.memory_space<vmem_shared>> -> memref<640xf32, #tpu.memory_space<vmem_shared>>
      tpu.wait_dma2 semaphore(%run_scoped3A : memref<!tpu.dma_semaphore, #tpu.memory_space<semaphore_mem>>) src(%arg7 : memref<640xf32, #tpu.memory_space<vmem>>) dst(%dma_wait3A_26 : memref<640xf32, #tpu.memory_space<vmem_shared>>)
      tpu.yield
    }) : () -> ()
    %eq3A = arith.constant 0 : i32
    %eq3A_14 = arith.cmpi eq, %arg0, %eq3A : i32
    %convert_element_type3A = arith.extui %eq3A_14 : i1 to i32
    %cond3A = arith.constant 0 : i32
    %cond3A_15 = arith.cmpi ne, %convert_element_type3A, %cond3A : i32
    scf.if %cond3A_15 {
      "tpu.region"() ({
        %run_scoped3A = tpu.sem_alloc : memref<!tpu.dma_semaphore, #tpu.memory_space<semaphore_mem>>
        %dma_start3A = arith.constant 0 : i32
        %dma_start3A_33 = arith.constant 0 : i32
        %dma_start3A_34 = tpu.memref_slice %arg5[%dma_start3A, %dma_start3A_33] : memref<112x128xi32, #tpu.memory_space<vmem>> -> memref<112x128xi32, #tpu.memory_space<vmem>>
        %dma_start3A_35 = arith.constant 0 : i32
        %dma_start3A_36 = arith.constant 0 : i32
        %dma_start3A_37 = tpu.memref_slice %arg2[%arg1, %dma_start3A_35, %dma_start3A_36] : memref<16x112x128xi32, #tpu.memory_space<hbm>> -> memref<1x112x128xi32, #tpu.memory_space<hbm>>
        %dma_start3A_38 = tpu.memref_squeeze %dma_start3A_37 : memref<1x112x128xi32, #tpu.memory_space<hbm>> -> memref<112x128xi32, #tpu.memory_space<hbm>>
        %dma_start3A_39 = arith.constant 0 : i32
        %dma_start3A_40 = arith.constant 0 : i32
        %dma_start3A_41 = tpu.memref_slice %arg5[%dma_start3A_39, %dma_start3A_40] : memref<112x128xi32, #tpu.memory_space<vmem>> -> memref<112x128xi32, #tpu.memory_space<vmem>>
        %dma_start3A_42 = arith.constant 0 : i32
        %dma_start3A_43 = arith.constant 0 : i32
        %dma_start3A_44 = tpu.memref_slice %arg2[%arg1, %dma_start3A_42, %dma_start3A_43] : memref<16x112x128xi32, #tpu.memory_space<hbm>> -> memref<1x112x128xi32, #tpu.memory_space<hbm>>
        %dma_start3A_45 = tpu.memref_squeeze %dma_start3A_44 : memref<1x112x128xi32, #tpu.memory_space<hbm>> -> memref<112x128xi32, #tpu.memory_space<hbm>>
        tpu.enqueue_dma source(%dma_start3A_45 : memref<112x128xi32, #tpu.memory_space<hbm>>) target(%dma_start3A_41 : memref<112x128xi32, #tpu.memory_space<vmem>>) target_semaphore(%run_scoped3A : memref<!tpu.dma_semaphore, #tpu.memory_space<semaphore_mem>>)
        %dma_wait3A = arith.constant 0 : i32
        %dma_wait3A_46 = arith.constant 0 : i32
        %dma_wait3A_47 = tpu.memref_slice %arg5[%dma_wait3A, %dma_wait3A_46] : memref<112x128xi32, #tpu.memory_space<vmem>> -> memref<112x128xi32, #tpu.memory_space<vmem>>
        %dma_wait3A_48 = arith.constant 0 : i32
        %dma_wait3A_49 = arith.constant 0 : i32
        %dma_wait3A_50 = tpu.memref_slice %arg2[%arg1, %dma_wait3A_48, %dma_wait3A_49] : memref<16x112x128xi32, #tpu.memory_space<hbm>> -> memref<1x112x128xi32, #tpu.memory_space<hbm>>
        %dma_wait3A_51 = tpu.memref_squeeze %dma_wait3A_50 : memref<1x112x128xi32, #tpu.memory_space<hbm>> -> memref<112x128xi32, #tpu.memory_space<hbm>>
        %dma_wait3A_52 = arith.constant 0 : i32
        %dma_wait3A_53 = arith.constant 0 : i32
        %dma_wait3A_54 = tpu.memref_slice %arg5[%dma_wait3A_52, %dma_wait3A_53] : memref<112x128xi32, #tpu.memory_space<vmem>> -> memref<112x128xi32, #tpu.memory_space<vmem>>
        %dma_wait3A_55 = arith.constant 0 : i32
        %dma_wait3A_56 = arith.constant 0 : i32
        %dma_wait3A_57 = tpu.memref_slice %arg2[%arg1, %dma_wait3A_55, %dma_wait3A_56] : memref<16x112x128xi32, #tpu.memory_space<hbm>> -> memref<1x112x128xi32, #tpu.memory_space<hbm>>
        %dma_wait3A_58 = tpu.memref_squeeze %dma_wait3A_57 : memref<1x112x128xi32, #tpu.memory_space<hbm>> -> memref<112x128xi32, #tpu.memory_space<hbm>>
        tpu.wait_dma2 semaphore(%run_scoped3A : memref<!tpu.dma_semaphore, #tpu.memory_space<semaphore_mem>>) src(%dma_wait3A_58 : memref<112x128xi32, #tpu.memory_space<hbm>>) dst(%dma_wait3A_54 : memref<112x128xi32, #tpu.memory_space<vmem>>)
        tpu.yield
      }) : () -> ()
      %barrier3A_25 = arith.constant 0 : index
      tpu.barrier barrier_id(%barrier3A_25)
      %scan3A_26 = arith.constant 0 : i32
      %scan3A_27 = arith.constant 0 : i32
      %scan3A_28 = arith.constant 112 : i32
      %scan3A_29 = arith.addi %scan3A_27, %scan3A_28 : i32
      %scan3A_30 = arith.constant 1 : i32
      %scan3A_31 = scf.for %scan3A_33 = %scan3A_27 to %scan3A_29 step %scan3A_30 iter_args(%scan3A_34 = %scan3A_26) -> (i32)  : i32 {
        "tpu.region"() ({
          %run_scoped3A = tpu.sem_alloc : memref<!tpu.dma_semaphore, #tpu.memory_space<semaphore_mem>>
          %dma_start3A = arith.constant 0 : i32
          %dma_start3A_36 = tpu.memref_slice %arg5[%scan3A_33, %dma_start3A] : memref<112x128xi32, #tpu.memory_space<vmem>> -> memref<1x128xi32, #tpu.memory_space<vmem>>
          %dma_start3A_37 = tpu.memref_squeeze %dma_start3A_36 : memref<1x128xi32, #tpu.memory_space<vmem>> -> memref<128xi32, #tpu.memory_space<vmem>>
          %dma_start3A_38 = arith.constant 0 : i32
          %dma_start3A_39 = tpu.memref_slice %arg8[%dma_start3A_38] : memref<10240xf32, #tpu.memory_space<vmem_shared>> -> memref<10240xf32, #tpu.memory_space<vmem_shared>>
          tpu.enqueue_indirect_dma source(%arg6 : memref<128xf32, #tpu.memory_space<vmem>>) target(%dma_start3A_39 : memref<10240xf32, #tpu.memory_space<vmem_shared>>) offsets(%dma_start3A_37 : memref<128xi32, #tpu.memory_space<vmem>>) semaphore(%run_scoped3A : memref<!tpu.dma_semaphore, #tpu.memory_space<semaphore_mem>>) {add = true}
          %dma_wait3A = arith.constant 0 : i32
          %dma_wait3A_40 = tpu.memref_slice %arg5[%scan3A_33, %dma_wait3A] : memref<112x128xi32, #tpu.memory_space<vmem>> -> memref<1x128xi32, #tpu.memory_space<vmem>>
          %dma_wait3A_41 = tpu.memref_squeeze %dma_wait3A_40 : memref<1x128xi32, #tpu.memory_space<vmem>> -> memref<128xi32, #tpu.memory_space<vmem>>
          %dma_wait3A_42 = arith.constant 0 : i32
          %dma_wait3A_43 = tpu.memref_slice %arg8[%dma_wait3A_42] : memref<10240xf32, #tpu.memory_space<vmem_shared>> -> memref<10240xf32, #tpu.memory_space<vmem_shared>>
          tpu.wait_indirect_dma semaphore(%run_scoped3A : memref<!tpu.dma_semaphore, #tpu.memory_space<semaphore_mem>>) src(%arg6 : memref<128xf32, #tpu.memory_space<vmem>>) dst(%dma_wait3A_43 : memref<10240xf32, #tpu.memory_space<vmem_shared>>)
          tpu.yield
        }) : () -> ()
        %scan3A_35 = arith.constant 0 : i32
        scf.yield %scan3A_35 : i32
      }
      %scan3A_32 = arith.constant 112 : i32
    } else {
    }
    %eq3A_16 = arith.constant 1 : i32
    %eq3A_17 = arith.cmpi eq, %arg0, %eq3A_16 : i32
    %convert_element_type3A_18 = arith.extui %eq3A_17 : i1 to i32
    %cond3A_19 = arith.constant 0 : i32
    %cond3A_20 = arith.cmpi ne, %convert_element_type3A_18, %cond3A_19 : i32
    scf.if %cond3A_20 {
      "tpu.region"() ({
        %run_scoped3A = tpu.sem_alloc : memref<!tpu.dma_semaphore, #tpu.memory_space<semaphore_mem>>
        %dma_start3A = arith.constant 0 : i32
        %dma_start3A_33 = arith.constant 0 : i32
        %dma_start3A_34 = tpu.memref_slice %arg5[%dma_start3A, %dma_start3A_33] : memref<112x128xi32, #tpu.memory_space<vmem>> -> memref<46x128xi32, #tpu.memory_space<vmem>>
        %dma_start3A_35 = arith.constant 0 : i32
        %dma_start3A_36 = arith.constant 0 : i32
        %dma_start3A_37 = tpu.memref_slice %arg3[%arg1, %dma_start3A_35, %dma_start3A_36] : memref<16x46x128xi32, #tpu.memory_space<hbm>> -> memref<1x46x128xi32, #tpu.memory_space<hbm>>
        %dma_start3A_38 = tpu.memref_squeeze %dma_start3A_37 : memref<1x46x128xi32, #tpu.memory_space<hbm>> -> memref<46x128xi32, #tpu.memory_space<hbm>>
        %dma_start3A_39 = arith.constant 0 : i32
        %dma_start3A_40 = arith.constant 0 : i32
        %dma_start3A_41 = tpu.memref_slice %arg5[%dma_start3A_39, %dma_start3A_40] : memref<112x128xi32, #tpu.memory_space<vmem>> -> memref<46x128xi32, #tpu.memory_space<vmem>>
        %dma_start3A_42 = arith.constant 0 : i32
        %dma_start3A_43 = arith.constant 0 : i32
        %dma_start3A_44 = tpu.memref_slice %arg3[%arg1, %dma_start3A_42, %dma_start3A_43] : memref<16x46x128xi32, #tpu.memory_space<hbm>> -> memref<1x46x128xi32, #tpu.memory_space<hbm>>
        %dma_start3A_45 = tpu.memref_squeeze %dma_start3A_44 : memref<1x46x128xi32, #tpu.memory_space<hbm>> -> memref<46x128xi32, #tpu.memory_space<hbm>>
        tpu.enqueue_dma source(%dma_start3A_45 : memref<46x128xi32, #tpu.memory_space<hbm>>) target(%dma_start3A_41 : memref<46x128xi32, #tpu.memory_space<vmem>>) target_semaphore(%run_scoped3A : memref<!tpu.dma_semaphore, #tpu.memory_space<semaphore_mem>>)
        %dma_wait3A = arith.constant 0 : i32
        %dma_wait3A_46 = arith.constant 0 : i32
        %dma_wait3A_47 = tpu.memref_slice %arg5[%dma_wait3A, %dma_wait3A_46] : memref<112x128xi32, #tpu.memory_space<vmem>> -> memref<46x128xi32, #tpu.memory_space<vmem>>
        %dma_wait3A_48 = arith.constant 0 : i32
        %dma_wait3A_49 = arith.constant 0 : i32
        %dma_wait3A_50 = tpu.memref_slice %arg3[%arg1, %dma_wait3A_48, %dma_wait3A_49] : memref<16x46x128xi32, #tpu.memory_space<hbm>> -> memref<1x46x128xi32, #tpu.memory_space<hbm>>
        %dma_wait3A_51 = tpu.memref_squeeze %dma_wait3A_50 : memref<1x46x128xi32, #tpu.memory_space<hbm>> -> memref<46x128xi32, #tpu.memory_space<hbm>>
        %dma_wait3A_52 = arith.constant 0 : i32
        %dma_wait3A_53 = arith.constant 0 : i32
        %dma_wait3A_54 = tpu.memref_slice %arg5[%dma_wait3A_52, %dma_wait3A_53] : memref<112x128xi32, #tpu.memory_space<vmem>> -> memref<46x128xi32, #tpu.memory_space<vmem>>
        %dma_wait3A_55 = arith.constant 0 : i32
        %dma_wait3A_56 = arith.constant 0 : i32
        %dma_wait3A_57 = tpu.memref_slice %arg3[%arg1, %dma_wait3A_55, %dma_wait3A_56] : memref<16x46x128xi32, #tpu.memory_space<hbm>> -> memref<1x46x128xi32, #tpu.memory_space<hbm>>
        %dma_wait3A_58 = tpu.memref_squeeze %dma_wait3A_57 : memref<1x46x128xi32, #tpu.memory_space<hbm>> -> memref<46x128xi32, #tpu.memory_space<hbm>>
        tpu.wait_dma2 semaphore(%run_scoped3A : memref<!tpu.dma_semaphore, #tpu.memory_space<semaphore_mem>>) src(%dma_wait3A_58 : memref<46x128xi32, #tpu.memory_space<hbm>>) dst(%dma_wait3A_54 : memref<46x128xi32, #tpu.memory_space<vmem>>)
        tpu.yield
      }) : () -> ()
      %barrier3A_25 = arith.constant 0 : index
      tpu.barrier barrier_id(%barrier3A_25)
      %scan3A_26 = arith.constant 0 : i32
      %scan3A_27 = arith.constant 0 : i32
      %scan3A_28 = arith.constant 46 : i32
      %scan3A_29 = arith.addi %scan3A_27, %scan3A_28 : i32
      %scan3A_30 = arith.constant 1 : i32
      %scan3A_31 = scf.for %scan3A_33 = %scan3A_27 to %scan3A_29 step %scan3A_30 iter_args(%scan3A_34 = %scan3A_26) -> (i32)  : i32 {
        "tpu.region"() ({
          %run_scoped3A = tpu.sem_alloc : memref<!tpu.dma_semaphore, #tpu.memory_space<semaphore_mem>>
          %dma_start3A = arith.constant 0 : i32
          %dma_start3A_36 = tpu.memref_slice %arg5[%scan3A_33, %dma_start3A] : memref<112x128xi32, #tpu.memory_space<vmem>> -> memref<1x128xi32, #tpu.memory_space<vmem>>
          %dma_start3A_37 = tpu.memref_squeeze %dma_start3A_36 : memref<1x128xi32, #tpu.memory_space<vmem>> -> memref<128xi32, #tpu.memory_space<vmem>>
          %dma_start3A_38 = arith.constant 0 : i32
          %dma_start3A_39 = tpu.memref_slice %arg8[%dma_start3A_38] : memref<10240xf32, #tpu.memory_space<vmem_shared>> -> memref<10240xf32, #tpu.memory_space<vmem_shared>>
          tpu.enqueue_indirect_dma source(%arg6 : memref<128xf32, #tpu.memory_space<vmem>>) target(%dma_start3A_39 : memref<10240xf32, #tpu.memory_space<vmem_shared>>) offsets(%dma_start3A_37 : memref<128xi32, #tpu.memory_space<vmem>>) semaphore(%run_scoped3A : memref<!tpu.dma_semaphore, #tpu.memory_space<semaphore_mem>>) {add = true}
          %dma_wait3A = arith.constant 0 : i32
          %dma_wait3A_40 = tpu.memref_slice %arg5[%scan3A_33, %dma_wait3A] : memref<112x128xi32, #tpu.memory_space<vmem>> -> memref<1x128xi32, #tpu.memory_space<vmem>>
          %dma_wait3A_41 = tpu.memref_squeeze %dma_wait3A_40 : memref<1x128xi32, #tpu.memory_space<vmem>> -> memref<128xi32, #tpu.memory_space<vmem>>
          %dma_wait3A_42 = arith.constant 0 : i32
          %dma_wait3A_43 = tpu.memref_slice %arg8[%dma_wait3A_42] : memref<10240xf32, #tpu.memory_space<vmem_shared>> -> memref<10240xf32, #tpu.memory_space<vmem_shared>>
          tpu.wait_indirect_dma semaphore(%run_scoped3A : memref<!tpu.dma_semaphore, #tpu.memory_space<semaphore_mem>>) src(%arg6 : memref<128xf32, #tpu.memory_space<vmem>>) dst(%dma_wait3A_43 : memref<10240xf32, #tpu.memory_space<vmem_shared>>)
          tpu.yield
        }) : () -> ()
        %scan3A_35 = arith.constant 0 : i32
        scf.yield %scan3A_35 : i32
      }
      %scan3A_32 = arith.constant 46 : i32
    } else {
    }
    %barrier3A = arith.constant 0 : index
    tpu.barrier barrier_id(%barrier3A)
    %mul3A_21 = arith.constant 640 : i32
    %mul3A_22 = arith.muli %arg1, %mul3A_21 : i32
    %mul3A_23 = arith.constant 640 : i32
    %mul3A_24 = arith.muli %arg1, %mul3A_23 : i32
    "tpu.region"() ({
      %run_scoped3A = tpu.sem_alloc : memref<!tpu.dma_semaphore, #tpu.memory_space<semaphore_mem>>
      %dma_start3A = tpu.memref_slice %arg4[%arg0, %mul3A_24] : memref<2x10240xf32, #tpu.memory_space<hbm>> -> memref<1x640xf32, #tpu.memory_space<hbm>>
      %dma_start3A_25 = tpu.memref_squeeze %dma_start3A : memref<1x640xf32, #tpu.memory_space<hbm>> -> memref<640xf32, #tpu.memory_space<hbm>>
      %dma_start3A_26 = tpu.memref_slice %arg8[%mul3A_22] : memref<10240xf32, #tpu.memory_space<vmem_shared>> -> memref<640xf32, #tpu.memory_space<vmem_shared>>
      tpu.enqueue_dma source(%dma_start3A_26 : memref<640xf32, #tpu.memory_space<vmem_shared>>) target(%dma_start3A_25 : memref<640xf32, #tpu.memory_space<hbm>>) target_semaphore(%run_scoped3A : memref<!tpu.dma_semaphore, #tpu.memory_space<semaphore_mem>>)
      %dma_wait3A = tpu.memref_slice %arg4[%arg0, %mul3A_24] : memref<2x10240xf32, #tpu.memory_space<hbm>> -> memref<1x640xf32, #tpu.memory_space<hbm>>
      %dma_wait3A_27 = tpu.memref_squeeze %dma_wait3A : memref<1x640xf32, #tpu.memory_space<hbm>> -> memref<640xf32, #tpu.memory_space<hbm>>
      %dma_wait3A_28 = tpu.memref_slice %arg8[%mul3A_22] : memref<10240xf32, #tpu.memory_space<vmem_shared>> -> memref<640xf32, #tpu.memory_space<vmem_shared>>
      tpu.wait_dma2 semaphore(%run_scoped3A : memref<!tpu.dma_semaphore, #tpu.memory_space<semaphore_mem>>) src(%dma_wait3A_28 : memref<640xf32, #tpu.memory_space<vmem_shared>>) dst(%dma_wait3A_27 : memref<640xf32, #tpu.memory_space<hbm>>)
      tpu.yield
    }) : () -> ()
    return
  }
}

#map = affine_map<(d0, d1) -> (0, 0)>
#map1 = affine_map<(d0, d1) -> (0, 0, 0)>
module attributes {stable_mosaic.version = 14 : i64} {
  func.func @_prop_kernel(%arg0: i32, %arg1: i32, %arg2: memref<10240x128xf32, #tpu.memory_space<hbm>>, %arg3: memref<16x112x128xi32, #tpu.memory_space<hbm>>, %arg4: memref<16x112x128xi32, #tpu.memory_space<hbm>>, %arg5: memref<16x46x128xi32, #tpu.memory_space<hbm>>, %arg6: memref<16x46x128xi32, #tpu.memory_space<hbm>>, %arg7: memref<2x10240x128xf32, #tpu.memory_space<hbm>>, %arg8: memref<56x128xi32, #tpu.memory_space<vmem>>, %arg9: memref<56x128xi32, #tpu.memory_space<vmem>>, %arg10: memref<2x128x128xf32, #tpu.memory_space<vmem>>, %arg11: memref<10240x128xf32, #tpu.memory_space<vmem_shared>>, %arg12: memref<!tpu.dma_semaphore, #tpu.memory_space<semaphore_mem>>, %arg13: memref<!tpu.dma_semaphore, #tpu.memory_space<semaphore_mem>>) attributes {dimension_semantics = [#tpu.dimension_semantics<core_parallel>, #tpu.dimension_semantics<subcore_parallel>], iteration_bounds = array<i64: 2, 16>, scalar_prefetch = 0 : i64, scratch_operands = 6 : i64, tpu.core_type = #tpu.core_type<sc_vector_subcore>, window_params = [{transform_indices = #map}, {transform_indices = #map1}, {transform_indices = #map1}, {transform_indices = #map1}, {transform_indices = #map1}, {transform_indices = #map1}]} {
    %scan3A = arith.constant 0 : i32
    %scan3A_0 = arith.constant 0 : i32
    %scan3A_1 = arith.constant 128 : i32
    %scan3A_2 = arith.addi %scan3A_0, %scan3A_1 : i32
    %scan3A_3 = arith.constant 1 : i32
    %scan3A_4 = scf.for %scan3A_24 = %scan3A_0 to %scan3A_2 step %scan3A_3 iter_args(%scan3A_25 = %scan3A) -> (i32)  : i32 {
      %broadcast_in_dim3A = arith.constant 0.000000e+00 : f32
      %broadcast_in_dim3A_26 = vector.broadcast %broadcast_in_dim3A : f32 to vector<16xf32>
      %swap3A = arith.constant 0 : i32
      %swap3A_27 = arith.index_cast %swap3A : i32 to index
      %swap3A_28 = arith.index_cast %scan3A_24 : i32 to index
      %swap3A_29 = arith.constant 0 : index
      %swap3A_30 = tpu.vector_load %arg10[%swap3A_27, %swap3A_28, %swap3A_29] {strides = array<i32>} : memref<2x128x128xf32, #tpu.memory_space<vmem>>, vector<1x1x16xf32>,
      %swap3A_31 = vector.shape_cast %swap3A_30 : vector<1x1x16xf32> to vector<16xf32>
      %swap3A_32 = vector.shape_cast %broadcast_in_dim3A_26 : vector<16xf32> to vector<1x1x16xf32>
      tpu.vector_store %arg10[%swap3A_27, %swap3A_28, %swap3A_29], %swap3A_32 {strides = array<i32>} : memref<2x128x128xf32, #tpu.memory_space<vmem>>, vector<1x1x16xf32>,
      %broadcast_in_dim3A_33 = arith.constant 0.000000e+00 : f32
      %broadcast_in_dim3A_34 = vector.broadcast %broadcast_in_dim3A_33 : f32 to vector<16xf32>
      %swap3A_35 = arith.constant 0 : i32
      %swap3A_36 = arith.index_cast %swap3A_35 : i32 to index
      %swap3A_37 = arith.index_cast %scan3A_24 : i32 to index
      %swap3A_38 = arith.constant 16 : index
      %swap3A_39 = tpu.vector_load %arg10[%swap3A_36, %swap3A_37, %swap3A_38] {strides = array<i32>} : memref<2x128x128xf32, #tpu.memory_space<vmem>>, vector<1x1x16xf32>,
      %swap3A_40 = vector.shape_cast %swap3A_39 : vector<1x1x16xf32> to vector<16xf32>
      %swap3A_41 = vector.shape_cast %broadcast_in_dim3A_34 : vector<16xf32> to vector<1x1x16xf32>
      tpu.vector_store %arg10[%swap3A_36, %swap3A_37, %swap3A_38], %swap3A_41 {strides = array<i32>} : memref<2x128x128xf32, #tpu.memory_space<vmem>>, vector<1x1x16xf32>,
      %broadcast_in_dim3A_42 = arith.constant 0.000000e+00 : f32
      %broadcast_in_dim3A_43 = vector.broadcast %broadcast_in_dim3A_42 : f32 to vector<16xf32>
      %swap3A_44 = arith.constant 0 : i32
      %swap3A_45 = arith.index_cast %swap3A_44 : i32 to index
      %swap3A_46 = arith.index_cast %scan3A_24 : i32 to index
      %swap3A_47 = arith.constant 32 : index
      %swap3A_48 = tpu.vector_load %arg10[%swap3A_45, %swap3A_46, %swap3A_47] {strides = array<i32>} : memref<2x128x128xf32, #tpu.memory_space<vmem>>, vector<1x1x16xf32>,
      %swap3A_49 = vector.shape_cast %swap3A_48 : vector<1x1x16xf32> to vector<16xf32>
      %swap3A_50 = vector.shape_cast %broadcast_in_dim3A_43 : vector<16xf32> to vector<1x1x16xf32>
      tpu.vector_store %arg10[%swap3A_45, %swap3A_46, %swap3A_47], %swap3A_50 {strides = array<i32>} : memref<2x128x128xf32, #tpu.memory_space<vmem>>, vector<1x1x16xf32>,
      %broadcast_in_dim3A_51 = arith.constant 0.000000e+00 : f32
      %broadcast_in_dim3A_52 = vector.broadcast %broadcast_in_dim3A_51 : f32 to vector<16xf32>
      %swap3A_53 = arith.constant 0 : i32
      %swap3A_54 = arith.index_cast %swap3A_53 : i32 to index
      %swap3A_55 = arith.index_cast %scan3A_24 : i32 to index
      %swap3A_56 = arith.constant 48 : index
      %swap3A_57 = tpu.vector_load %arg10[%swap3A_54, %swap3A_55, %swap3A_56] {strides = array<i32>} : memref<2x128x128xf32, #tpu.memory_space<vmem>>, vector<1x1x16xf32>,
      %swap3A_58 = vector.shape_cast %swap3A_57 : vector<1x1x16xf32> to vector<16xf32>
      %swap3A_59 = vector.shape_cast %broadcast_in_dim3A_52 : vector<16xf32> to vector<1x1x16xf32>
      tpu.vector_store %arg10[%swap3A_54, %swap3A_55, %swap3A_56], %swap3A_59 {strides = array<i32>} : memref<2x128x128xf32, #tpu.memory_space<vmem>>, vector<1x1x16xf32>,
      %broadcast_in_dim3A_60 = arith.constant 0.000000e+00 : f32
      %broadcast_in_dim3A_61 = vector.broadcast %broadcast_in_dim3A_60 : f32 to vector<16xf32>
      %swap3A_62 = arith.constant 0 : i32
      %swap3A_63 = arith.index_cast %swap3A_62 : i32 to index
      %swap3A_64 = arith.index_cast %scan3A_24 : i32 to index
      %swap3A_65 = arith.constant 64 : index
      %swap3A_66 = tpu.vector_load %arg10[%swap3A_63, %swap3A_64, %swap3A_65] {strides = array<i32>} : memref<2x128x128xf32, #tpu.memory_space<vmem>>, vector<1x1x16xf32>,
      %swap3A_67 = vector.shape_cast %swap3A_66 : vector<1x1x16xf32> to vector<16xf32>
      %swap3A_68 = vector.shape_cast %broadcast_in_dim3A_61 : vector<16xf32> to vector<1x1x16xf32>
      tpu.vector_store %arg10[%swap3A_63, %swap3A_64, %swap3A_65], %swap3A_68 {strides = array<i32>} : memref<2x128x128xf32, #tpu.memory_space<vmem>>, vector<1x1x16xf32>,
      %broadcast_in_dim3A_69 = arith.constant 0.000000e+00 : f32
      %broadcast_in_dim3A_70 = vector.broadcast %broadcast_in_dim3A_69 : f32 to vector<16xf32>
      %swap3A_71 = arith.constant 0 : i32
      %swap3A_72 = arith.index_cast %swap3A_71 : i32 to index
      %swap3A_73 = arith.index_cast %scan3A_24 : i32 to index
      %swap3A_74 = arith.constant 80 : index
      %swap3A_75 = tpu.vector_load %arg10[%swap3A_72, %swap3A_73, %swap3A_74] {strides = array<i32>} : memref<2x128x128xf32, #tpu.memory_space<vmem>>, vector<1x1x16xf32>,
      %swap3A_76 = vector.shape_cast %swap3A_75 : vector<1x1x16xf32> to vector<16xf32>
      %swap3A_77 = vector.shape_cast %broadcast_in_dim3A_70 : vector<16xf32> to vector<1x1x16xf32>
      tpu.vector_store %arg10[%swap3A_72, %swap3A_73, %swap3A_74], %swap3A_77 {strides = array<i32>} : memref<2x128x128xf32, #tpu.memory_space<vmem>>, vector<1x1x16xf32>,
      %broadcast_in_dim3A_78 = arith.constant 0.000000e+00 : f32
      %broadcast_in_dim3A_79 = vector.broadcast %broadcast_in_dim3A_78 : f32 to vector<16xf32>
      %swap3A_80 = arith.constant 0 : i32
      %swap3A_81 = arith.index_cast %swap3A_80 : i32 to index
      %swap3A_82 = arith.index_cast %scan3A_24 : i32 to index
      %swap3A_83 = arith.constant 96 : index
      %swap3A_84 = tpu.vector_load %arg10[%swap3A_81, %swap3A_82, %swap3A_83] {strides = array<i32>} : memref<2x128x128xf32, #tpu.memory_space<vmem>>, vector<1x1x16xf32>,
      %swap3A_85 = vector.shape_cast %swap3A_84 : vector<1x1x16xf32> to vector<16xf32>
      %swap3A_86 = vector.shape_cast %broadcast_in_dim3A_79 : vector<16xf32> to vector<1x1x16xf32>
      tpu.vector_store %arg10[%swap3A_81, %swap3A_82, %swap3A_83], %swap3A_86 {strides = array<i32>} : memref<2x128x128xf32, #tpu.memory_space<vmem>>, vector<1x1x16xf32>,
      %broadcast_in_dim3A_87 = arith.constant 0.000000e+00 : f32
      %broadcast_in_dim3A_88 = vector.broadcast %broadcast_in_dim3A_87 : f32 to vector<16xf32>
      %swap3A_89 = arith.constant 0 : i32
      %swap3A_90 = arith.index_cast %swap3A_89 : i32 to index
      %swap3A_91 = arith.index_cast %scan3A_24 : i32 to index
      %swap3A_92 = arith.constant 112 : index
      %swap3A_93 = tpu.vector_load %arg10[%swap3A_90, %swap3A_91, %swap3A_92] {strides = array<i32>} : memref<2x128x128xf32, #tpu.memory_space<vmem>>, vector<1x1x16xf32>,
      %swap3A_94 = vector.shape_cast %swap3A_93 : vector<1x1x16xf32> to vector<16xf32>
      %swap3A_95 = vector.shape_cast %broadcast_in_dim3A_88 : vector<16xf32> to vector<1x1x16xf32>
      tpu.vector_store %arg10[%swap3A_90, %swap3A_91, %swap3A_92], %swap3A_95 {strides = array<i32>} : memref<2x128x128xf32, #tpu.memory_space<vmem>>, vector<1x1x16xf32>,
      %scan3A_96 = arith.constant 0 : i32
      scf.yield %scan3A_96 : i32
    }
    %scan3A_5 = arith.constant 128 : i32
    %scan3A_6 = arith.constant 0 : i32
    %scan3A_7 = arith.constant 0 : i32
    %scan3A_8 = arith.constant 5 : i32
    %scan3A_9 = arith.addi %scan3A_7, %scan3A_8 : i32
    %scan3A_10 = arith.constant 1 : i32
    %scan3A_11 = scf.for %scan3A_24 = %scan3A_7 to %scan3A_9 step %scan3A_10 iter_args(%scan3A_25 = %scan3A_6) -> (i32)  : i32 {
      %mul3A_26 = arith.constant 640 : i32
      %mul3A_27 = arith.muli %arg1, %mul3A_26 : i32
      %mul3A_28 = arith.constant 128 : i32
      %mul3A_29 = arith.muli %scan3A_24, %mul3A_28 : i32
      %add3A = arith.addi %mul3A_27, %mul3A_29 : i32
      %run_scoped3A = arith.constant 0 : i32
      "tpu.region"() ({
        %run_scoped3A_31 = tpu.sem_alloc : memref<!tpu.dma_semaphore, #tpu.memory_space<semaphore_mem>>
        %dma_start3A = arith.constant 0 : i32
        %dma_start3A_32 = arith.constant 0 : i32
        %dma_start3A_33 = tpu.memref_slice %arg10[%run_scoped3A, %dma_start3A, %dma_start3A_32] : memref<2x128x128xf32, #tpu.memory_space<vmem>> -> memref<1x128x128xf32, #tpu.memory_space<vmem>>
        %dma_start3A_34 = tpu.memref_squeeze %dma_start3A_33 : memref<1x128x128xf32, #tpu.memory_space<vmem>> -> memref<128x128xf32, #tpu.memory_space<vmem>>
        %dma_start3A_35 = arith.constant 0 : i32
        %dma_start3A_36 = tpu.memref_slice %arg11[%add3A, %dma_start3A_35] : memref<10240x128xf32, #tpu.memory_space<vmem_shared>> -> memref<128x128xf32, #tpu.memory_space<vmem_shared>>
        %dma_start3A_37 = arith.constant 0 : i32
        %dma_start3A_38 = tpu.memref_slice %arg11[%add3A, %dma_start3A_37] : memref<10240x128xf32, #tpu.memory_space<vmem_shared>> -> memref<128x128xf32, #tpu.memory_space<vmem_shared>>
        %dma_start3A_39 = arith.constant 0 : i32
        %dma_start3A_40 = arith.constant 0 : i32
        %dma_start3A_41 = tpu.memref_slice %arg10[%run_scoped3A, %dma_start3A_39, %dma_start3A_40] : memref<2x128x128xf32, #tpu.memory_space<vmem>> -> memref<1x128x128xf32, #tpu.memory_space<vmem>>
        %dma_start3A_42 = tpu.memref_squeeze %dma_start3A_41 : memref<1x128x128xf32, #tpu.memory_space<vmem>> -> memref<128x128xf32, #tpu.memory_space<vmem>>
        tpu.enqueue_dma source(%dma_start3A_42 : memref<128x128xf32, #tpu.memory_space<vmem>>) target(%dma_start3A_38 : memref<128x128xf32, #tpu.memory_space<vmem_shared>>) target_semaphore(%run_scoped3A_31 : memref<!tpu.dma_semaphore, #tpu.memory_space<semaphore_mem>>)
        %dma_wait3A = arith.constant 0 : i32
        %dma_wait3A_43 = arith.constant 0 : i32
        %dma_wait3A_44 = tpu.memref_slice %arg10[%run_scoped3A, %dma_wait3A, %dma_wait3A_43] : memref<2x128x128xf32, #tpu.memory_space<vmem>> -> memref<1x128x128xf32, #tpu.memory_space<vmem>>
        %dma_wait3A_45 = tpu.memref_squeeze %dma_wait3A_44 : memref<1x128x128xf32, #tpu.memory_space<vmem>> -> memref<128x128xf32, #tpu.memory_space<vmem>>
        %dma_wait3A_46 = arith.constant 0 : i32
        %dma_wait3A_47 = tpu.memref_slice %arg11[%add3A, %dma_wait3A_46] : memref<10240x128xf32, #tpu.memory_space<vmem_shared>> -> memref<128x128xf32, #tpu.memory_space<vmem_shared>>
        %dma_wait3A_48 = arith.constant 0 : i32
        %dma_wait3A_49 = tpu.memref_slice %arg11[%add3A, %dma_wait3A_48] : memref<10240x128xf32, #tpu.memory_space<vmem_shared>> -> memref<128x128xf32, #tpu.memory_space<vmem_shared>>
        %dma_wait3A_50 = arith.constant 0 : i32
        %dma_wait3A_51 = arith.constant 0 : i32
        %dma_wait3A_52 = tpu.memref_slice %arg10[%run_scoped3A, %dma_wait3A_50, %dma_wait3A_51] : memref<2x128x128xf32, #tpu.memory_space<vmem>> -> memref<1x128x128xf32, #tpu.memory_space<vmem>>
        %dma_wait3A_53 = tpu.memref_squeeze %dma_wait3A_52 : memref<1x128x128xf32, #tpu.memory_space<vmem>> -> memref<128x128xf32, #tpu.memory_space<vmem>>
        tpu.wait_dma2 semaphore(%run_scoped3A_31 : memref<!tpu.dma_semaphore, #tpu.memory_space<semaphore_mem>>) src(%dma_wait3A_53 : memref<128x128xf32, #tpu.memory_space<vmem>>) dst(%dma_wait3A_49 : memref<128x128xf32, #tpu.memory_space<vmem_shared>>)
        tpu.yield
      }) : () -> ()
      %scan3A_30 = arith.constant 0 : i32
      scf.yield %scan3A_30 : i32
    }
    %scan3A_12 = arith.constant 5 : i32
    %barrier3A = arith.constant 0 : index
    tpu.barrier barrier_id(%barrier3A)
    %eq3A = arith.constant 0 : i32
    %eq3A_13 = arith.cmpi eq, %arg0, %eq3A : i32
    %convert_element_type3A = arith.extui %eq3A_13 : i1 to i32
    %cond3A = arith.constant 0 : i32
    %cond3A_14 = arith.cmpi ne, %convert_element_type3A, %cond3A : i32
    scf.if %cond3A_14 {
      "tpu.region"() ({
        %run_scoped3A_139 = tpu.sem_alloc : memref<!tpu.dma_semaphore, #tpu.memory_space<semaphore_mem>>
        %dma_start3A_140 = arith.constant 0 : i32
        %dma_start3A_141 = arith.constant 0 : i32
        %dma_start3A_142 = tpu.memref_slice %arg8[%dma_start3A_140, %dma_start3A_141] : memref<56x128xi32, #tpu.memory_space<vmem>> -> memref<56x128xi32, #tpu.memory_space<vmem>>
        %dma_start3A_143 = arith.constant 0 : i32
        %dma_start3A_144 = arith.constant 0 : i32
        %dma_start3A_145 = tpu.memref_slice %arg3[%arg1, %dma_start3A_143, %dma_start3A_144] : memref<16x112x128xi32, #tpu.memory_space<hbm>> -> memref<1x56x128xi32, #tpu.memory_space<hbm>>
        %dma_start3A_146 = tpu.memref_squeeze %dma_start3A_145 : memref<1x56x128xi32, #tpu.memory_space<hbm>> -> memref<56x128xi32, #tpu.memory_space<hbm>>
        %dma_start3A_147 = arith.constant 0 : i32
        %dma_start3A_148 = arith.constant 0 : i32
        %dma_start3A_149 = tpu.memref_slice %arg8[%dma_start3A_147, %dma_start3A_148] : memref<56x128xi32, #tpu.memory_space<vmem>> -> memref<56x128xi32, #tpu.memory_space<vmem>>
        %dma_start3A_150 = arith.constant 0 : i32
        %dma_start3A_151 = arith.constant 0 : i32
        %dma_start3A_152 = tpu.memref_slice %arg3[%arg1, %dma_start3A_150, %dma_start3A_151] : memref<16x112x128xi32, #tpu.memory_space<hbm>> -> memref<1x56x128xi32, #tpu.memory_space<hbm>>
        %dma_start3A_153 = tpu.memref_squeeze %dma_start3A_152 : memref<1x56x128xi32, #tpu.memory_space<hbm>> -> memref<56x128xi32, #tpu.memory_space<hbm>>
        tpu.enqueue_dma source(%dma_start3A_153 : memref<56x128xi32, #tpu.memory_space<hbm>>) target(%dma_start3A_149 : memref<56x128xi32, #tpu.memory_space<vmem>>) target_semaphore(%run_scoped3A_139 : memref<!tpu.dma_semaphore, #tpu.memory_space<semaphore_mem>>)
        %dma_wait3A_154 = arith.constant 0 : i32
        %dma_wait3A_155 = arith.constant 0 : i32
        %dma_wait3A_156 = tpu.memref_slice %arg8[%dma_wait3A_154, %dma_wait3A_155] : memref<56x128xi32, #tpu.memory_space<vmem>> -> memref<56x128xi32, #tpu.memory_space<vmem>>
        %dma_wait3A_157 = arith.constant 0 : i32
        %dma_wait3A_158 = arith.constant 0 : i32
        %dma_wait3A_159 = tpu.memref_slice %arg3[%arg1, %dma_wait3A_157, %dma_wait3A_158] : memref<16x112x128xi32, #tpu.memory_space<hbm>> -> memref<1x56x128xi32, #tpu.memory_space<hbm>>
        %dma_wait3A_160 = tpu.memref_squeeze %dma_wait3A_159 : memref<1x56x128xi32, #tpu.memory_space<hbm>> -> memref<56x128xi32, #tpu.memory_space<hbm>>
        %dma_wait3A_161 = arith.constant 0 : i32
        %dma_wait3A_162 = arith.constant 0 : i32
        %dma_wait3A_163 = tpu.memref_slice %arg8[%dma_wait3A_161, %dma_wait3A_162] : memref<56x128xi32, #tpu.memory_space<vmem>> -> memref<56x128xi32, #tpu.memory_space<vmem>>
        %dma_wait3A_164 = arith.constant 0 : i32
        %dma_wait3A_165 = arith.constant 0 : i32
        %dma_wait3A_166 = tpu.memref_slice %arg3[%arg1, %dma_wait3A_164, %dma_wait3A_165] : memref<16x112x128xi32, #tpu.memory_space<hbm>> -> memref<1x56x128xi32, #tpu.memory_space<hbm>>
        %dma_wait3A_167 = tpu.memref_squeeze %dma_wait3A_166 : memref<1x56x128xi32, #tpu.memory_space<hbm>> -> memref<56x128xi32, #tpu.memory_space<hbm>>
        tpu.wait_dma2 semaphore(%run_scoped3A_139 : memref<!tpu.dma_semaphore, #tpu.memory_space<semaphore_mem>>) src(%dma_wait3A_167 : memref<56x128xi32, #tpu.memory_space<hbm>>) dst(%dma_wait3A_163 : memref<56x128xi32, #tpu.memory_space<vmem>>)
        tpu.yield
      }) : () -> ()
      "tpu.region"() ({
        %run_scoped3A_139 = tpu.sem_alloc : memref<!tpu.dma_semaphore, #tpu.memory_space<semaphore_mem>>
        %dma_start3A_140 = arith.constant 0 : i32
        %dma_start3A_141 = arith.constant 0 : i32
        %dma_start3A_142 = tpu.memref_slice %arg9[%dma_start3A_140, %dma_start3A_141] : memref<56x128xi32, #tpu.memory_space<vmem>> -> memref<56x128xi32, #tpu.memory_space<vmem>>
        %dma_start3A_143 = arith.constant 0 : i32
        %dma_start3A_144 = arith.constant 0 : i32
        %dma_start3A_145 = tpu.memref_slice %arg4[%arg1, %dma_start3A_143, %dma_start3A_144] : memref<16x112x128xi32, #tpu.memory_space<hbm>> -> memref<1x56x128xi32, #tpu.memory_space<hbm>>
        %dma_start3A_146 = tpu.memref_squeeze %dma_start3A_145 : memref<1x56x128xi32, #tpu.memory_space<hbm>> -> memref<56x128xi32, #tpu.memory_space<hbm>>
        %dma_start3A_147 = arith.constant 0 : i32
        %dma_start3A_148 = arith.constant 0 : i32
        %dma_start3A_149 = tpu.memref_slice %arg9[%dma_start3A_147, %dma_start3A_148] : memref<56x128xi32, #tpu.memory_space<vmem>> -> memref<56x128xi32, #tpu.memory_space<vmem>>
        %dma_start3A_150 = arith.constant 0 : i32
        %dma_start3A_151 = arith.constant 0 : i32
        %dma_start3A_152 = tpu.memref_slice %arg4[%arg1, %dma_start3A_150, %dma_start3A_151] : memref<16x112x128xi32, #tpu.memory_space<hbm>> -> memref<1x56x128xi32, #tpu.memory_space<hbm>>
        %dma_start3A_153 = tpu.memref_squeeze %dma_start3A_152 : memref<1x56x128xi32, #tpu.memory_space<hbm>> -> memref<56x128xi32, #tpu.memory_space<hbm>>
        tpu.enqueue_dma source(%dma_start3A_153 : memref<56x128xi32, #tpu.memory_space<hbm>>) target(%dma_start3A_149 : memref<56x128xi32, #tpu.memory_space<vmem>>) target_semaphore(%run_scoped3A_139 : memref<!tpu.dma_semaphore, #tpu.memory_space<semaphore_mem>>)
        %dma_wait3A_154 = arith.constant 0 : i32
        %dma_wait3A_155 = arith.constant 0 : i32
        %dma_wait3A_156 = tpu.memref_slice %arg9[%dma_wait3A_154, %dma_wait3A_155] : memref<56x128xi32, #tpu.memory_space<vmem>> -> memref<56x128xi32, #tpu.memory_space<vmem>>
        %dma_wait3A_157 = arith.constant 0 : i32
        %dma_wait3A_158 = arith.constant 0 : i32
        %dma_wait3A_159 = tpu.memref_slice %arg4[%arg1, %dma_wait3A_157, %dma_wait3A_158] : memref<16x112x128xi32, #tpu.memory_space<hbm>> -> memref<1x56x128xi32, #tpu.memory_space<hbm>>
        %dma_wait3A_160 = tpu.memref_squeeze %dma_wait3A_159 : memref<1x56x128xi32, #tpu.memory_space<hbm>> -> memref<56x128xi32, #tpu.memory_space<hbm>>
        %dma_wait3A_161 = arith.constant 0 : i32
        %dma_wait3A_162 = arith.constant 0 : i32
        %dma_wait3A_163 = tpu.memref_slice %arg9[%dma_wait3A_161, %dma_wait3A_162] : memref<56x128xi32, #tpu.memory_space<vmem>> -> memref<56x128xi32, #tpu.memory_space<vmem>>
        %dma_wait3A_164 = arith.constant 0 : i32
        %dma_wait3A_165 = arith.constant 0 : i32
        %dma_wait3A_166 = tpu.memref_slice %arg4[%arg1, %dma_wait3A_164, %dma_wait3A_165] : memref<16x112x128xi32, #tpu.memory_space<hbm>> -> memref<1x56x128xi32, #tpu.memory_space<hbm>>
        %dma_wait3A_167 = tpu.memref_squeeze %dma_wait3A_166 : memref<1x56x128xi32, #tpu.memory_space<hbm>> -> memref<56x128xi32, #tpu.memory_space<hbm>>
        tpu.wait_dma2 semaphore(%run_scoped3A_139 : memref<!tpu.dma_semaphore, #tpu.memory_space<semaphore_mem>>) src(%dma_wait3A_167 : memref<56x128xi32, #tpu.memory_space<hbm>>) dst(%dma_wait3A_163 : memref<56x128xi32, #tpu.memory_space<vmem>>)
        tpu.yield
      }) : () -> ()
      %dma_start3A = arith.constant 0 : i32
      %dma_start3A_24 = arith.constant 0 : i32
      %dma_start3A_25 = arith.constant 0 : i32
      %dma_start3A_26 = arith.constant 0 : i32
      %dma_start3A_27 = tpu.memref_slice %arg10[%dma_start3A_24, %dma_start3A_25, %dma_start3A_26] : memref<2x128x128xf32, #tpu.memory_space<vmem>> -> memref<1x128x128xf32, #tpu.memory_space<vmem>>
      %dma_start3A_28 = tpu.memref_squeeze %dma_start3A_27 : memref<1x128x128xf32, #tpu.memory_space<vmem>> -> memref<128x128xf32, #tpu.memory_space<vmem>>
      %dma_start3A_29 = arith.constant 0 : i32
      %dma_start3A_30 = tpu.memref_slice %arg8[%dma_start3A, %dma_start3A_29] : memref<56x128xi32, #tpu.memory_space<vmem>> -> memref<1x128xi32, #tpu.memory_space<vmem>>
      %dma_start3A_31 = tpu.memref_squeeze %dma_start3A_30 : memref<1x128xi32, #tpu.memory_space<vmem>> -> memref<128xi32, #tpu.memory_space<vmem>>
      %dma_start3A_32 = arith.constant 0 : i32
      %dma_start3A_33 = arith.constant 0 : i32
      %dma_start3A_34 = tpu.memref_slice %arg2[%dma_start3A_32, %dma_start3A_33] : memref<10240x128xf32, #tpu.memory_space<hbm>> -> memref<10240x128xf32, #tpu.memory_space<hbm>>
      tpu.enqueue_indirect_dma source(%dma_start3A_34 : memref<10240x128xf32, #tpu.memory_space<hbm>>) target(%dma_start3A_28 : memref<128x128xf32, #tpu.memory_space<vmem>>) offsets(%dma_start3A_31 : memref<128xi32, #tpu.memory_space<vmem>>) semaphore(%arg12 : memref<!tpu.dma_semaphore, #tpu.memory_space<semaphore_mem>>)
      %scan3A_35 = arith.constant 0 : i32
      %scan3A_36 = arith.constant 0 : i32
      %scan3A_37 = arith.constant 27 : i32
      %scan3A_38 = arith.addi %scan3A_36, %scan3A_37 : i32
      %scan3A_39 = arith.constant 1 : i32
      %scan3A_40 = scf.for %scan3A_139 = %scan3A_36 to %scan3A_38 step %scan3A_39 iter_args(%scan3A_140 = %scan3A_35) -> (i32)  : i32 {
        %mul3A_141 = arith.constant 2 : i32
        %mul3A_142 = arith.muli %mul3A_141, %scan3A_139 : i32
        %dma_wait3A_143 = arith.constant 0 : i32
        %dma_wait3A_144 = arith.constant 0 : i32
        %dma_wait3A_145 = arith.constant 0 : i32
        %dma_wait3A_146 = tpu.memref_slice %arg10[%dma_wait3A_143, %dma_wait3A_144, %dma_wait3A_145] : memref<2x128x128xf32, #tpu.memory_space<vmem>> -> memref<1x128x128xf32, #tpu.memory_space<vmem>>
        %dma_wait3A_147 = tpu.memref_squeeze %dma_wait3A_146 : memref<1x128x128xf32, #tpu.memory_space<vmem>> -> memref<128x128xf32, #tpu.memory_space<vmem>>
        %dma_wait3A_148 = arith.constant 0 : i32
        %dma_wait3A_149 = tpu.memref_slice %arg8[%mul3A_142, %dma_wait3A_148] : memref<56x128xi32, #tpu.memory_space<vmem>> -> memref<1x128xi32, #tpu.memory_space<vmem>>
        %dma_wait3A_150 = tpu.memref_squeeze %dma_wait3A_149 : memref<1x128xi32, #tpu.memory_space<vmem>> -> memref<128xi32, #tpu.memory_space<vmem>>
        %dma_wait3A_151 = arith.constant 0 : i32
        %dma_wait3A_152 = arith.constant 0 : i32
        %dma_wait3A_153 = tpu.memref_slice %arg2[%dma_wait3A_151, %dma_wait3A_152] : memref<10240x128xf32, #tpu.memory_space<hbm>> -> memref<10240x128xf32, #tpu.memory_space<hbm>>
        tpu.wait_indirect_dma semaphore(%arg12 : memref<!tpu.dma_semaphore, #tpu.memory_space<semaphore_mem>>) src(%dma_wait3A_153 : memref<10240x128xf32, #tpu.memory_space<hbm>>) dst(%dma_wait3A_147 : memref<128x128xf32, #tpu.memory_space<vmem>>)
        %add3A = arith.constant 1 : i32
        %add3A_154 = arith.addi %mul3A_142, %add3A : i32
        %dma_start3A_155 = arith.constant 1 : i32
        %dma_start3A_156 = arith.constant 0 : i32
        %dma_start3A_157 = arith.constant 0 : i32
        %dma_start3A_158 = tpu.memref_slice %arg10[%dma_start3A_155, %dma_start3A_156, %dma_start3A_157] : memref<2x128x128xf32, #tpu.memory_space<vmem>> -> memref<1x128x128xf32, #tpu.memory_space<vmem>>
        %dma_start3A_159 = tpu.memref_squeeze %dma_start3A_158 : memref<1x128x128xf32, #tpu.memory_space<vmem>> -> memref<128x128xf32, #tpu.memory_space<vmem>>
        %dma_start3A_160 = arith.constant 0 : i32
        %dma_start3A_161 = tpu.memref_slice %arg8[%add3A_154, %dma_start3A_160] : memref<56x128xi32, #tpu.memory_space<vmem>> -> memref<1x128xi32, #tpu.memory_space<vmem>>
        %dma_start3A_162 = tpu.memref_squeeze %dma_start3A_161 : memref<1x128xi32, #tpu.memory_space<vmem>> -> memref<128xi32, #tpu.memory_space<vmem>>
        %dma_start3A_163 = arith.constant 0 : i32
        %dma_start3A_164 = arith.constant 0 : i32
        %dma_start3A_165 = tpu.memref_slice %arg2[%dma_start3A_163, %dma_start3A_164] : memref<10240x128xf32, #tpu.memory_space<hbm>> -> memref<10240x128xf32, #tpu.memory_space<hbm>>
        tpu.enqueue_indirect_dma source(%dma_start3A_165 : memref<10240x128xf32, #tpu.memory_space<hbm>>) target(%dma_start3A_159 : memref<128x128xf32, #tpu.memory_space<vmem>>) offsets(%dma_start3A_162 : memref<128xi32, #tpu.memory_space<vmem>>) semaphore(%arg13 : memref<!tpu.dma_semaphore, #tpu.memory_space<semaphore_mem>>)
        %run_scoped3A_166 = arith.constant 0 : i32
        "tpu.region"() ({
          %run_scoped3A_197 = tpu.sem_alloc : memref<!tpu.dma_semaphore, #tpu.memory_space<semaphore_mem>>
          %dma_start3A_198 = arith.constant 0 : i32
          %dma_start3A_199 = arith.constant 0 : i32
          %dma_start3A_200 = tpu.memref_slice %arg10[%run_scoped3A_166, %dma_start3A_198, %dma_start3A_199] : memref<2x128x128xf32, #tpu.memory_space<vmem>> -> memref<1x128x128xf32, #tpu.memory_space<vmem>>
          %dma_start3A_201 = tpu.memref_squeeze %dma_start3A_200 : memref<1x128x128xf32, #tpu.memory_space<vmem>> -> memref<128x128xf32, #tpu.memory_space<vmem>>
          %dma_start3A_202 = arith.constant 0 : i32
          %dma_start3A_203 = tpu.memref_slice %arg9[%mul3A_142, %dma_start3A_202] : memref<56x128xi32, #tpu.memory_space<vmem>> -> memref<1x128xi32, #tpu.memory_space<vmem>>
          %dma_start3A_204 = tpu.memref_squeeze %dma_start3A_203 : memref<1x128xi32, #tpu.memory_space<vmem>> -> memref<128xi32, #tpu.memory_space<vmem>>
          %dma_start3A_205 = arith.constant 0 : i32
          %dma_start3A_206 = arith.constant 0 : i32
          %dma_start3A_207 = tpu.memref_slice %arg11[%dma_start3A_205, %dma_start3A_206] : memref<10240x128xf32, #tpu.memory_space<vmem_shared>> -> memref<10240x128xf32, #tpu.memory_space<vmem_shared>>
          tpu.enqueue_indirect_dma source(%dma_start3A_201 : memref<128x128xf32, #tpu.memory_space<vmem>>) target(%dma_start3A_207 : memref<10240x128xf32, #tpu.memory_space<vmem_shared>>) offsets(%dma_start3A_204 : memref<128xi32, #tpu.memory_space<vmem>>) semaphore(%run_scoped3A_197 : memref<!tpu.dma_semaphore, #tpu.memory_space<semaphore_mem>>) {add = true}
          %dma_wait3A_208 = arith.constant 0 : i32
          %dma_wait3A_209 = arith.constant 0 : i32
          %dma_wait3A_210 = tpu.memref_slice %arg10[%run_scoped3A_166, %dma_wait3A_208, %dma_wait3A_209] : memref<2x128x128xf32, #tpu.memory_space<vmem>> -> memref<1x128x128xf32, #tpu.memory_space<vmem>>
          %dma_wait3A_211 = tpu.memref_squeeze %dma_wait3A_210 : memref<1x128x128xf32, #tpu.memory_space<vmem>> -> memref<128x128xf32, #tpu.memory_space<vmem>>
          %dma_wait3A_212 = arith.constant 0 : i32
          %dma_wait3A_213 = tpu.memref_slice %arg9[%mul3A_142, %dma_wait3A_212] : memref<56x128xi32, #tpu.memory_space<vmem>> -> memref<1x128xi32, #tpu.memory_space<vmem>>
          %dma_wait3A_214 = tpu.memref_squeeze %dma_wait3A_213 : memref<1x128xi32, #tpu.memory_space<vmem>> -> memref<128xi32, #tpu.memory_space<vmem>>
          %dma_wait3A_215 = arith.constant 0 : i32
          %dma_wait3A_216 = arith.constant 0 : i32
          %dma_wait3A_217 = tpu.memref_slice %arg11[%dma_wait3A_215, %dma_wait3A_216] : memref<10240x128xf32, #tpu.memory_space<vmem_shared>> -> memref<10240x128xf32, #tpu.memory_space<vmem_shared>>
          tpu.wait_indirect_dma semaphore(%run_scoped3A_197 : memref<!tpu.dma_semaphore, #tpu.memory_space<semaphore_mem>>) src(%dma_wait3A_211 : memref<128x128xf32, #tpu.memory_space<vmem>>) dst(%dma_wait3A_217 : memref<10240x128xf32, #tpu.memory_space<vmem_shared>>)
          tpu.yield
        }) : () -> ()
        %mul3A_167 = arith.constant 2 : i32
        %mul3A_168 = arith.muli %mul3A_167, %scan3A_139 : i32
        %add3A_169 = arith.constant 1 : i32
        %add3A_170 = arith.addi %mul3A_168, %add3A_169 : i32
        %dma_wait3A_171 = arith.constant 1 : i32
        %dma_wait3A_172 = arith.constant 0 : i32
        %dma_wait3A_173 = arith.constant 0 : i32
        %dma_wait3A_174 = tpu.memref_slice %arg10[%dma_wait3A_171, %dma_wait3A_172, %dma_wait3A_173] : memref<2x128x128xf32, #tpu.memory_space<vmem>> -> memref<1x128x128xf32, #tpu.memory_space<vmem>>
        %dma_wait3A_175 = tpu.memref_squeeze %dma_wait3A_174 : memref<1x128x128xf32, #tpu.memory_space<vmem>> -> memref<128x128xf32, #tpu.memory_space<vmem>>
        %dma_wait3A_176 = arith.constant 0 : i32
        %dma_wait3A_177 = tpu.memref_slice %arg8[%add3A_170, %dma_wait3A_176] : memref<56x128xi32, #tpu.memory_space<vmem>> -> memref<1x128xi32, #tpu.memory_space<vmem>>
        %dma_wait3A_178 = tpu.memref_squeeze %dma_wait3A_177 : memref<1x128xi32, #tpu.memory_space<vmem>> -> memref<128xi32, #tpu.memory_space<vmem>>
        %dma_wait3A_179 = arith.constant 0 : i32
        %dma_wait3A_180 = arith.constant 0 : i32
        %dma_wait3A_181 = tpu.memref_slice %arg2[%dma_wait3A_179, %dma_wait3A_180] : memref<10240x128xf32, #tpu.memory_space<hbm>> -> memref<10240x128xf32, #tpu.memory_space<hbm>>
        tpu.wait_indirect_dma semaphore(%arg13 : memref<!tpu.dma_semaphore, #tpu.memory_space<semaphore_mem>>) src(%dma_wait3A_181 : memref<10240x128xf32, #tpu.memory_space<hbm>>) dst(%dma_wait3A_175 : memref<128x128xf32, #tpu.memory_space<vmem>>)
        %add3A_182 = arith.constant 1 : i32
        %add3A_183 = arith.addi %add3A_170, %add3A_182 : i32
        %dma_start3A_184 = arith.constant 0 : i32
        %dma_start3A_185 = arith.constant 0 : i32
        %dma_start3A_186 = arith.constant 0 : i32
        %dma_start3A_187 = tpu.memref_slice %arg10[%dma_start3A_184, %dma_start3A_185, %dma_start3A_186] : memref<2x128x128xf32, #tpu.memory_space<vmem>> -> memref<1x128x128xf32, #tpu.memory_space<vmem>>
        %dma_start3A_188 = tpu.memref_squeeze %dma_start3A_187 : memref<1x128x128xf32, #tpu.memory_space<vmem>> -> memref<128x128xf32, #tpu.memory_space<vmem>>
        %dma_start3A_189 = arith.constant 0 : i32
        %dma_start3A_190 = tpu.memref_slice %arg8[%add3A_183, %dma_start3A_189] : memref<56x128xi32, #tpu.memory_space<vmem>> -> memref<1x128xi32, #tpu.memory_space<vmem>>
        %dma_start3A_191 = tpu.memref_squeeze %dma_start3A_190 : memref<1x128xi32, #tpu.memory_space<vmem>> -> memref<128xi32, #tpu.memory_space<vmem>>
        %dma_start3A_192 = arith.constant 0 : i32
        %dma_start3A_193 = arith.constant 0 : i32
        %dma_start3A_194 = tpu.memref_slice %arg2[%dma_start3A_192, %dma_start3A_193] : memref<10240x128xf32, #tpu.memory_space<hbm>> -> memref<10240x128xf32, #tpu.memory_space<hbm>>
        tpu.enqueue_indirect_dma source(%dma_start3A_194 : memref<10240x128xf32, #tpu.memory_space<hbm>>) target(%dma_start3A_188 : memref<128x128xf32, #tpu.memory_space<vmem>>) offsets(%dma_start3A_191 : memref<128xi32, #tpu.memory_space<vmem>>) semaphore(%arg12 : memref<!tpu.dma_semaphore, #tpu.memory_space<semaphore_mem>>)
        %run_scoped3A_195 = arith.constant 1 : i32
        "tpu.region"() ({
          %run_scoped3A_197 = tpu.sem_alloc : memref<!tpu.dma_semaphore, #tpu.memory_space<semaphore_mem>>
          %dma_start3A_198 = arith.constant 0 : i32
          %dma_start3A_199 = arith.constant 0 : i32
          %dma_start3A_200 = tpu.memref_slice %arg10[%run_scoped3A_195, %dma_start3A_198, %dma_start3A_199] : memref<2x128x128xf32, #tpu.memory_space<vmem>> -> memref<1x128x128xf32, #tpu.memory_space<vmem>>
          %dma_start3A_201 = tpu.memref_squeeze %dma_start3A_200 : memref<1x128x128xf32, #tpu.memory_space<vmem>> -> memref<128x128xf32, #tpu.memory_space<vmem>>
          %dma_start3A_202 = arith.constant 0 : i32
          %dma_start3A_203 = tpu.memref_slice %arg9[%add3A_170, %dma_start3A_202] : memref<56x128xi32, #tpu.memory_space<vmem>> -> memref<1x128xi32, #tpu.memory_space<vmem>>
          %dma_start3A_204 = tpu.memref_squeeze %dma_start3A_203 : memref<1x128xi32, #tpu.memory_space<vmem>> -> memref<128xi32, #tpu.memory_space<vmem>>
          %dma_start3A_205 = arith.constant 0 : i32
          %dma_start3A_206 = arith.constant 0 : i32
          %dma_start3A_207 = tpu.memref_slice %arg11[%dma_start3A_205, %dma_start3A_206] : memref<10240x128xf32, #tpu.memory_space<vmem_shared>> -> memref<10240x128xf32, #tpu.memory_space<vmem_shared>>
          tpu.enqueue_indirect_dma source(%dma_start3A_201 : memref<128x128xf32, #tpu.memory_space<vmem>>) target(%dma_start3A_207 : memref<10240x128xf32, #tpu.memory_space<vmem_shared>>) offsets(%dma_start3A_204 : memref<128xi32, #tpu.memory_space<vmem>>) semaphore(%run_scoped3A_197 : memref<!tpu.dma_semaphore, #tpu.memory_space<semaphore_mem>>) {add = true}
          %dma_wait3A_208 = arith.constant 0 : i32
          %dma_wait3A_209 = arith.constant 0 : i32
          %dma_wait3A_210 = tpu.memref_slice %arg10[%run_scoped3A_195, %dma_wait3A_208, %dma_wait3A_209] : memref<2x128x128xf32, #tpu.memory_space<vmem>> -> memref<1x128x128xf32, #tpu.memory_space<vmem>>
          %dma_wait3A_211 = tpu.memref_squeeze %dma_wait3A_210 : memref<1x128x128xf32, #tpu.memory_space<vmem>> -> memref<128x128xf32, #tpu.memory_space<vmem>>
          %dma_wait3A_212 = arith.constant 0 : i32
          %dma_wait3A_213 = tpu.memref_slice %arg9[%add3A_170, %dma_wait3A_212] : memref<56x128xi32, #tpu.memory_space<vmem>> -> memref<1x128xi32, #tpu.memory_space<vmem>>
          %dma_wait3A_214 = tpu.memref_squeeze %dma_wait3A_213 : memref<1x128xi32, #tpu.memory_space<vmem>> -> memref<128xi32, #tpu.memory_space<vmem>>
          %dma_wait3A_215 = arith.constant 0 : i32
          %dma_wait3A_216 = arith.constant 0 : i32
          %dma_wait3A_217 = tpu.memref_slice %arg11[%dma_wait3A_215, %dma_wait3A_216] : memref<10240x128xf32, #tpu.memory_space<vmem_shared>> -> memref<10240x128xf32, #tpu.memory_space<vmem_shared>>
          tpu.wait_indirect_dma semaphore(%run_scoped3A_197 : memref<!tpu.dma_semaphore, #tpu.memory_space<semaphore_mem>>) src(%dma_wait3A_211 : memref<128x128xf32, #tpu.memory_space<vmem>>) dst(%dma_wait3A_217 : memref<10240x128xf32, #tpu.memory_space<vmem_shared>>)
          tpu.yield
        }) : () -> ()
        %scan3A_196 = arith.constant 0 : i32
        scf.yield %scan3A_196 : i32
      }
      %scan3A_41 = arith.constant 27 : i32
      %dma_wait3A = arith.constant 54 : i32
      %dma_wait3A_42 = arith.constant 0 : i32
      %dma_wait3A_43 = arith.constant 0 : i32
      %dma_wait3A_44 = arith.constant 0 : i32
      %dma_wait3A_45 = tpu.memref_slice %arg10[%dma_wait3A_42, %dma_wait3A_43, %dma_wait3A_44] : memref<2x128x128xf32, #tpu.memory_space<vmem>> -> memref<1x128x128xf32, #tpu.memory_space<vmem>>
      %dma_wait3A_46 = tpu.memref_squeeze %dma_wait3A_45 : memref<1x128x128xf32, #tpu.memory_space<vmem>> -> memref<128x128xf32, #tpu.memory_space<vmem>>
      %dma_wait3A_47 = arith.constant 0 : i32
      %dma_wait3A_48 = tpu.memref_slice %arg8[%dma_wait3A, %dma_wait3A_47] : memref<56x128xi32, #tpu.memory_space<vmem>> -> memref<1x128xi32, #tpu.memory_space<vmem>>
      %dma_wait3A_49 = tpu.memref_squeeze %dma_wait3A_48 : memref<1x128xi32, #tpu.memory_space<vmem>> -> memref<128xi32, #tpu.memory_space<vmem>>
      %dma_wait3A_50 = arith.constant 0 : i32
      %dma_wait3A_51 = arith.constant 0 : i32
      %dma_wait3A_52 = tpu.memref_slice %arg2[%dma_wait3A_50, %dma_wait3A_51] : memref<10240x128xf32, #tpu.memory_space<hbm>> -> memref<10240x128xf32, #tpu.memory_space<hbm>>
      tpu.wait_indirect_dma semaphore(%arg12 : memref<!tpu.dma_semaphore, #tpu.memory_space<semaphore_mem>>) src(%dma_wait3A_52 : memref<10240x128xf32, #tpu.memory_space<hbm>>) dst(%dma_wait3A_46 : memref<128x128xf32, #tpu.memory_space<vmem>>)
      %dma_start3A_53 = arith.constant 55 : i32
      %dma_start3A_54 = arith.constant 1 : i32
      %dma_start3A_55 = arith.constant 0 : i32
      %dma_start3A_56 = arith.constant 0 : i32
      %dma_start3A_57 = tpu.memref_slice %arg10[%dma_start3A_54, %dma_start3A_55, %dma_start3A_56] : memref<2x128x128xf32, #tpu.memory_space<vmem>> -> memref<1x128x128xf32, #tpu.memory_space<vmem>>
      %dma_start3A_58 = tpu.memref_squeeze %dma_start3A_57 : memref<1x128x128xf32, #tpu.memory_space<vmem>> -> memref<128x128xf32, #tpu.memory_space<vmem>>
      %dma_start3A_59 = arith.constant 0 : i32
      %dma_start3A_60 = tpu.memref_slice %arg8[%dma_start3A_53, %dma_start3A_59] : memref<56x128xi32, #tpu.memory_space<vmem>> -> memref<1x128xi32, #tpu.memory_space<vmem>>
      %dma_start3A_61 = tpu.memref_squeeze %dma_start3A_60 : memref<1x128xi32, #tpu.memory_space<vmem>> -> memref<128xi32, #tpu.memory_space<vmem>>
      %dma_start3A_62 = arith.constant 0 : i32
      %dma_start3A_63 = arith.constant 0 : i32
      %dma_start3A_64 = tpu.memref_slice %arg2[%dma_start3A_62, %dma_start3A_63] : memref<10240x128xf32, #tpu.memory_space<hbm>> -> memref<10240x128xf32, #tpu.memory_space<hbm>>
      tpu.enqueue_indirect_dma source(%dma_start3A_64 : memref<10240x128xf32, #tpu.memory_space<hbm>>) target(%dma_start3A_58 : memref<128x128xf32, #tpu.memory_space<vmem>>) offsets(%dma_start3A_61 : memref<128xi32, #tpu.memory_space<vmem>>) semaphore(%arg13 : memref<!tpu.dma_semaphore, #tpu.memory_space<semaphore_mem>>)
      %run_scoped3A = arith.constant 0 : i32
      %run_scoped3A_65 = arith.constant 54 : i32
      "tpu.region"() ({
        %run_scoped3A_139 = tpu.sem_alloc : memref<!tpu.dma_semaphore, #tpu.memory_space<semaphore_mem>>
        %dma_start3A_140 = arith.constant 0 : i32
        %dma_start3A_141 = arith.constant 0 : i32
        %dma_start3A_142 = tpu.memref_slice %arg10[%run_scoped3A, %dma_start3A_140, %dma_start3A_141] : memref<2x128x128xf32, #tpu.memory_space<vmem>> -> memref<1x128x128xf32, #tpu.memory_space<vmem>>
        %dma_start3A_143 = tpu.memref_squeeze %dma_start3A_142 : memref<1x128x128xf32, #tpu.memory_space<vmem>> -> memref<128x128xf32, #tpu.memory_space<vmem>>
        %dma_start3A_144 = arith.constant 0 : i32
        %dma_start3A_145 = tpu.memref_slice %arg9[%run_scoped3A_65, %dma_start3A_144] : memref<56x128xi32, #tpu.memory_space<vmem>> -> memref<1x128xi32, #tpu.memory_space<vmem>>
        %dma_start3A_146 = tpu.memref_squeeze %dma_start3A_145 : memref<1x128xi32, #tpu.memory_space<vmem>> -> memref<128xi32, #tpu.memory_space<vmem>>
        %dma_start3A_147 = arith.constant 0 : i32
        %dma_start3A_148 = arith.constant 0 : i32
        %dma_start3A_149 = tpu.memref_slice %arg11[%dma_start3A_147, %dma_start3A_148] : memref<10240x128xf32, #tpu.memory_space<vmem_shared>> -> memref<10240x128xf32, #tpu.memory_space<vmem_shared>>
        tpu.enqueue_indirect_dma source(%dma_start3A_143 : memref<128x128xf32, #tpu.memory_space<vmem>>) target(%dma_start3A_149 : memref<10240x128xf32, #tpu.memory_space<vmem_shared>>) offsets(%dma_start3A_146 : memref<128xi32, #tpu.memory_space<vmem>>) semaphore(%run_scoped3A_139 : memref<!tpu.dma_semaphore, #tpu.memory_space<semaphore_mem>>) {add = true}
        %dma_wait3A_150 = arith.constant 0 : i32
        %dma_wait3A_151 = arith.constant 0 : i32
        %dma_wait3A_152 = tpu.memref_slice %arg10[%run_scoped3A, %dma_wait3A_150, %dma_wait3A_151] : memref<2x128x128xf32, #tpu.memory_space<vmem>> -> memref<1x128x128xf32, #tpu.memory_space<vmem>>
        %dma_wait3A_153 = tpu.memref_squeeze %dma_wait3A_152 : memref<1x128x128xf32, #tpu.memory_space<vmem>> -> memref<128x128xf32, #tpu.memory_space<vmem>>
        %dma_wait3A_154 = arith.constant 0 : i32
        %dma_wait3A_155 = tpu.memref_slice %arg9[%run_scoped3A_65, %dma_wait3A_154] : memref<56x128xi32, #tpu.memory_space<vmem>> -> memref<1x128xi32, #tpu.memory_space<vmem>>
        %dma_wait3A_156 = tpu.memref_squeeze %dma_wait3A_155 : memref<1x128xi32, #tpu.memory_space<vmem>> -> memref<128xi32, #tpu.memory_space<vmem>>
        %dma_wait3A_157 = arith.constant 0 : i32
        %dma_wait3A_158 = arith.constant 0 : i32
        %dma_wait3A_159 = tpu.memref_slice %arg11[%dma_wait3A_157, %dma_wait3A_158] : memref<10240x128xf32, #tpu.memory_space<vmem_shared>> -> memref<10240x128xf32, #tpu.memory_space<vmem_shared>>
        tpu.wait_indirect_dma semaphore(%run_scoped3A_139 : memref<!tpu.dma_semaphore, #tpu.memory_space<semaphore_mem>>) src(%dma_wait3A_153 : memref<128x128xf32, #tpu.memory_space<vmem>>) dst(%dma_wait3A_159 : memref<10240x128xf32, #tpu.memory_space<vmem_shared>>)
        tpu.yield
      }) : () -> ()
      %dma_wait3A_66 = arith.constant 55 : i32
      %dma_wait3A_67 = arith.constant 1 : i32
      %dma_wait3A_68 = arith.constant 0 : i32
      %dma_wait3A_69 = arith.constant 0 : i32
      %dma_wait3A_70 = tpu.memref_slice %arg10[%dma_wait3A_67, %dma_wait3A_68, %dma_wait3A_69] : memref<2x128x128xf32, #tpu.memory_space<vmem>> -> memref<1x128x128xf32, #tpu.memory_space<vmem>>
      %dma_wait3A_71 = tpu.memref_squeeze %dma_wait3A_70 : memref<1x128x128xf32, #tpu.memory_space<vmem>> -> memref<128x128xf32, #tpu.memory_space<vmem>>
      %dma_wait3A_72 = arith.constant 0 : i32
      %dma_wait3A_73 = tpu.memref_slice %arg8[%dma_wait3A_66, %dma_wait3A_72] : memref<56x128xi32, #tpu.memory_space<vmem>> -> memref<1x128xi32, #tpu.memory_space<vmem>>
      %dma_wait3A_74 = tpu.memref_squeeze %dma_wait3A_73 : memref<1x128xi32, #tpu.memory_space<vmem>> -> memref<128xi32, #tpu.memory_space<vmem>>
      %dma_wait3A_75 = arith.constant 0 : i32
      %dma_wait3A_76 = arith.constant 0 : i32
      %dma_wait3A_77 = tpu.memref_slice %arg2[%dma_wait3A_75, %dma_wait3A_76] : memref<10240x128xf32, #tpu.memory_space<hbm>> -> memref<10240x128xf32, #tpu.memory_space<hbm>>
      tpu.wait_indirect_dma semaphore(%arg13 : memref<!tpu.dma_semaphore, #tpu.memory_space<semaphore_mem>>) src(%dma_wait3A_77 : memref<10240x128xf32, #tpu.memory_space<hbm>>) dst(%dma_wait3A_71 : memref<128x128xf32, #tpu.memory_space<vmem>>)
      %run_scoped3A_78 = arith.constant 1 : i32
      %run_scoped3A_79 = arith.constant 55 : i32
      "tpu.region"() ({
        %run_scoped3A_139 = tpu.sem_alloc : memref<!tpu.dma_semaphore, #tpu.memory_space<semaphore_mem>>
        %dma_start3A_140 = arith.constant 0 : i32
        %dma_start3A_141 = arith.constant 0 : i32
        %dma_start3A_142 = tpu.memref_slice %arg10[%run_scoped3A_78, %dma_start3A_140, %dma_start3A_141] : memref<2x128x128xf32, #tpu.memory_space<vmem>> -> memref<1x128x128xf32, #tpu.memory_space<vmem>>
        %dma_start3A_143 = tpu.memref_squeeze %dma_start3A_142 : memref<1x128x128xf32, #tpu.memory_space<vmem>> -> memref<128x128xf32, #tpu.memory_space<vmem>>
        %dma_start3A_144 = arith.constant 0 : i32
        %dma_start3A_145 = tpu.memref_slice %arg9[%run_scoped3A_79, %dma_start3A_144] : memref<56x128xi32, #tpu.memory_space<vmem>> -> memref<1x128xi32, #tpu.memory_space<vmem>>
        %dma_start3A_146 = tpu.memref_squeeze %dma_start3A_145 : memref<1x128xi32, #tpu.memory_space<vmem>> -> memref<128xi32, #tpu.memory_space<vmem>>
        %dma_start3A_147 = arith.constant 0 : i32
        %dma_start3A_148 = arith.constant 0 : i32
        %dma_start3A_149 = tpu.memref_slice %arg11[%dma_start3A_147, %dma_start3A_148] : memref<10240x128xf32, #tpu.memory_space<vmem_shared>> -> memref<10240x128xf32, #tpu.memory_space<vmem_shared>>
        tpu.enqueue_indirect_dma source(%dma_start3A_143 : memref<128x128xf32, #tpu.memory_space<vmem>>) target(%dma_start3A_149 : memref<10240x128xf32, #tpu.memory_space<vmem_shared>>) offsets(%dma_start3A_146 : memref<128xi32, #tpu.memory_space<vmem>>) semaphore(%run_scoped3A_139 : memref<!tpu.dma_semaphore, #tpu.memory_space<semaphore_mem>>) {add = true}
        %dma_wait3A_150 = arith.constant 0 : i32
        %dma_wait3A_151 = arith.constant 0 : i32
        %dma_wait3A_152 = tpu.memref_slice %arg10[%run_scoped3A_78, %dma_wait3A_150, %dma_wait3A_151] : memref<2x128x128xf32, #tpu.memory_space<vmem>> -> memref<1x128x128xf32, #tpu.memory_space<vmem>>
        %dma_wait3A_153 = tpu.memref_squeeze %dma_wait3A_152 : memref<1x128x128xf32, #tpu.memory_space<vmem>> -> memref<128x128xf32, #tpu.memory_space<vmem>>
        %dma_wait3A_154 = arith.constant 0 : i32
        %dma_wait3A_155 = tpu.memref_slice %arg9[%run_scoped3A_79, %dma_wait3A_154] : memref<56x128xi32, #tpu.memory_space<vmem>> -> memref<1x128xi32, #tpu.memory_space<vmem>>
        %dma_wait3A_156 = tpu.memref_squeeze %dma_wait3A_155 : memref<1x128xi32, #tpu.memory_space<vmem>> -> memref<128xi32, #tpu.memory_space<vmem>>
        %dma_wait3A_157 = arith.constant 0 : i32
        %dma_wait3A_158 = arith.constant 0 : i32
        %dma_wait3A_159 = tpu.memref_slice %arg11[%dma_wait3A_157, %dma_wait3A_158] : memref<10240x128xf32, #tpu.memory_space<vmem_shared>> -> memref<10240x128xf32, #tpu.memory_space<vmem_shared>>
        tpu.wait_indirect_dma semaphore(%run_scoped3A_139 : memref<!tpu.dma_semaphore, #tpu.memory_space<semaphore_mem>>) src(%dma_wait3A_153 : memref<128x128xf32, #tpu.memory_space<vmem>>) dst(%dma_wait3A_159 : memref<10240x128xf32, #tpu.memory_space<vmem_shared>>)
        tpu.yield
      }) : () -> ()
      "tpu.region"() ({
        %run_scoped3A_139 = tpu.sem_alloc : memref<!tpu.dma_semaphore, #tpu.memory_space<semaphore_mem>>
        %dma_start3A_140 = arith.constant 0 : i32
        %dma_start3A_141 = arith.constant 0 : i32
        %dma_start3A_142 = tpu.memref_slice %arg8[%dma_start3A_140, %dma_start3A_141] : memref<56x128xi32, #tpu.memory_space<vmem>> -> memref<56x128xi32, #tpu.memory_space<vmem>>
        %dma_start3A_143 = arith.constant 56 : i32
        %dma_start3A_144 = arith.constant 0 : i32
        %dma_start3A_145 = tpu.memref_slice %arg3[%arg1, %dma_start3A_143, %dma_start3A_144] : memref<16x112x128xi32, #tpu.memory_space<hbm>> -> memref<1x56x128xi32, #tpu.memory_space<hbm>>
        %dma_start3A_146 = tpu.memref_squeeze %dma_start3A_145 : memref<1x56x128xi32, #tpu.memory_space<hbm>> -> memref<56x128xi32, #tpu.memory_space<hbm>>
        %dma_start3A_147 = arith.constant 0 : i32
        %dma_start3A_148 = arith.constant 0 : i32
        %dma_start3A_149 = tpu.memref_slice %arg8[%dma_start3A_147, %dma_start3A_148] : memref<56x128xi32, #tpu.memory_space<vmem>> -> memref<56x128xi32, #tpu.memory_space<vmem>>
        %dma_start3A_150 = arith.constant 56 : i32
        %dma_start3A_151 = arith.constant 0 : i32
        %dma_start3A_152 = tpu.memref_slice %arg3[%arg1, %dma_start3A_150, %dma_start3A_151] : memref<16x112x128xi32, #tpu.memory_space<hbm>> -> memref<1x56x128xi32, #tpu.memory_space<hbm>>
        %dma_start3A_153 = tpu.memref_squeeze %dma_start3A_152 : memref<1x56x128xi32, #tpu.memory_space<hbm>> -> memref<56x128xi32, #tpu.memory_space<hbm>>
        tpu.enqueue_dma source(%dma_start3A_153 : memref<56x128xi32, #tpu.memory_space<hbm>>) target(%dma_start3A_149 : memref<56x128xi32, #tpu.memory_space<vmem>>) target_semaphore(%run_scoped3A_139 : memref<!tpu.dma_semaphore, #tpu.memory_space<semaphore_mem>>)
        %dma_wait3A_154 = arith.constant 0 : i32
        %dma_wait3A_155 = arith.constant 0 : i32
        %dma_wait3A_156 = tpu.memref_slice %arg8[%dma_wait3A_154, %dma_wait3A_155] : memref<56x128xi32, #tpu.memory_space<vmem>> -> memref<56x128xi32, #tpu.memory_space<vmem>>
        %dma_wait3A_157 = arith.constant 56 : i32
        %dma_wait3A_158 = arith.constant 0 : i32
        %dma_wait3A_159 = tpu.memref_slice %arg3[%arg1, %dma_wait3A_157, %dma_wait3A_158] : memref<16x112x128xi32, #tpu.memory_space<hbm>> -> memref<1x56x128xi32, #tpu.memory_space<hbm>>
        %dma_wait3A_160 = tpu.memref_squeeze %dma_wait3A_159 : memref<1x56x128xi32, #tpu.memory_space<hbm>> -> memref<56x128xi32, #tpu.memory_space<hbm>>
        %dma_wait3A_161 = arith.constant 0 : i32
        %dma_wait3A_162 = arith.constant 0 : i32
        %dma_wait3A_163 = tpu.memref_slice %arg8[%dma_wait3A_161, %dma_wait3A_162] : memref<56x128xi32, #tpu.memory_space<vmem>> -> memref<56x128xi32, #tpu.memory_space<vmem>>
        %dma_wait3A_164 = arith.constant 56 : i32
        %dma_wait3A_165 = arith.constant 0 : i32
        %dma_wait3A_166 = tpu.memref_slice %arg3[%arg1, %dma_wait3A_164, %dma_wait3A_165] : memref<16x112x128xi32, #tpu.memory_space<hbm>> -> memref<1x56x128xi32, #tpu.memory_space<hbm>>
        %dma_wait3A_167 = tpu.memref_squeeze %dma_wait3A_166 : memref<1x56x128xi32, #tpu.memory_space<hbm>> -> memref<56x128xi32, #tpu.memory_space<hbm>>
        tpu.wait_dma2 semaphore(%run_scoped3A_139 : memref<!tpu.dma_semaphore, #tpu.memory_space<semaphore_mem>>) src(%dma_wait3A_167 : memref<56x128xi32, #tpu.memory_space<hbm>>) dst(%dma_wait3A_163 : memref<56x128xi32, #tpu.memory_space<vmem>>)
        tpu.yield
      }) : () -> ()
      "tpu.region"() ({
        %run_scoped3A_139 = tpu.sem_alloc : memref<!tpu.dma_semaphore, #tpu.memory_space<semaphore_mem>>
        %dma_start3A_140 = arith.constant 0 : i32
        %dma_start3A_141 = arith.constant 0 : i32
        %dma_start3A_142 = tpu.memref_slice %arg9[%dma_start3A_140, %dma_start3A_141] : memref<56x128xi32, #tpu.memory_space<vmem>> -> memref<56x128xi32, #tpu.memory_space<vmem>>
        %dma_start3A_143 = arith.constant 56 : i32
        %dma_start3A_144 = arith.constant 0 : i32
        %dma_start3A_145 = tpu.memref_slice %arg4[%arg1, %dma_start3A_143, %dma_start3A_144] : memref<16x112x128xi32, #tpu.memory_space<hbm>> -> memref<1x56x128xi32, #tpu.memory_space<hbm>>
        %dma_start3A_146 = tpu.memref_squeeze %dma_start3A_145 : memref<1x56x128xi32, #tpu.memory_space<hbm>> -> memref<56x128xi32, #tpu.memory_space<hbm>>
        %dma_start3A_147 = arith.constant 0 : i32
        %dma_start3A_148 = arith.constant 0 : i32
        %dma_start3A_149 = tpu.memref_slice %arg9[%dma_start3A_147, %dma_start3A_148] : memref<56x128xi32, #tpu.memory_space<vmem>> -> memref<56x128xi32, #tpu.memory_space<vmem>>
        %dma_start3A_150 = arith.constant 56 : i32
        %dma_start3A_151 = arith.constant 0 : i32
        %dma_start3A_152 = tpu.memref_slice %arg4[%arg1, %dma_start3A_150, %dma_start3A_151] : memref<16x112x128xi32, #tpu.memory_space<hbm>> -> memref<1x56x128xi32, #tpu.memory_space<hbm>>
        %dma_start3A_153 = tpu.memref_squeeze %dma_start3A_152 : memref<1x56x128xi32, #tpu.memory_space<hbm>> -> memref<56x128xi32, #tpu.memory_space<hbm>>
        tpu.enqueue_dma source(%dma_start3A_153 : memref<56x128xi32, #tpu.memory_space<hbm>>) target(%dma_start3A_149 : memref<56x128xi32, #tpu.memory_space<vmem>>) target_semaphore(%run_scoped3A_139 : memref<!tpu.dma_semaphore, #tpu.memory_space<semaphore_mem>>)
        %dma_wait3A_154 = arith.constant 0 : i32
        %dma_wait3A_155 = arith.constant 0 : i32
        %dma_wait3A_156 = tpu.memref_slice %arg9[%dma_wait3A_154, %dma_wait3A_155] : memref<56x128xi32, #tpu.memory_space<vmem>> -> memref<56x128xi32, #tpu.memory_space<vmem>>
        %dma_wait3A_157 = arith.constant 56 : i32
        %dma_wait3A_158 = arith.constant 0 : i32
        %dma_wait3A_159 = tpu.memref_slice %arg4[%arg1, %dma_wait3A_157, %dma_wait3A_158] : memref<16x112x128xi32, #tpu.memory_space<hbm>> -> memref<1x56x128xi32, #tpu.memory_space<hbm>>
        %dma_wait3A_160 = tpu.memref_squeeze %dma_wait3A_159 : memref<1x56x128xi32, #tpu.memory_space<hbm>> -> memref<56x128xi32, #tpu.memory_space<hbm>>
        %dma_wait3A_161 = arith.constant 0 : i32
        %dma_wait3A_162 = arith.constant 0 : i32
        %dma_wait3A_163 = tpu.memref_slice %arg9[%dma_wait3A_161, %dma_wait3A_162] : memref<56x128xi32, #tpu.memory_space<vmem>> -> memref<56x128xi32, #tpu.memory_space<vmem>>
        %dma_wait3A_164 = arith.constant 56 : i32
        %dma_wait3A_165 = arith.constant 0 : i32
        %dma_wait3A_166 = tpu.memref_slice %arg4[%arg1, %dma_wait3A_164, %dma_wait3A_165] : memref<16x112x128xi32, #tpu.memory_space<hbm>> -> memref<1x56x128xi32, #tpu.memory_space<hbm>>
        %dma_wait3A_167 = tpu.memref_squeeze %dma_wait3A_166 : memref<1x56x128xi32, #tpu.memory_space<hbm>> -> memref<56x128xi32, #tpu.memory_space<hbm>>
        tpu.wait_dma2 semaphore(%run_scoped3A_139 : memref<!tpu.dma_semaphore, #tpu.memory_space<semaphore_mem>>) src(%dma_wait3A_167 : memref<56x128xi32, #tpu.memory_space<hbm>>) dst(%dma_wait3A_163 : memref<56x128xi32, #tpu.memory_space<vmem>>)
        tpu.yield
      }) : () -> ()
      %dma_start3A_80 = arith.constant 0 : i32
      %dma_start3A_81 = arith.constant 0 : i32
      %dma_start3A_82 = arith.constant 0 : i32
      %dma_start3A_83 = arith.constant 0 : i32
      %dma_start3A_84 = tpu.memref_slice %arg10[%dma_start3A_81, %dma_start3A_82, %dma_start3A_83] : memref<2x128x128xf32, #tpu.memory_space<vmem>> -> memref<1x128x128xf32, #tpu.memory_space<vmem>>
      %dma_start3A_85 = tpu.memref_squeeze %dma_start3A_84 : memref<1x128x128xf32, #tpu.memory_space<vmem>> -> memref<128x128xf32, #tpu.memory_space<vmem>>
      %dma_start3A_86 = arith.constant 0 : i32
      %dma_start3A_87 = tpu.memref_slice %arg8[%dma_start3A_80, %dma_start3A_86] : memref<56x128xi32, #tpu.memory_space<vmem>> -> memref<1x128xi32, #tpu.memory_space<vmem>>
      %dma_start3A_88 = tpu.memref_squeeze %dma_start3A_87 : memref<1x128xi32, #tpu.memory_space<vmem>> -> memref<128xi32, #tpu.memory_space<vmem>>
      %dma_start3A_89 = arith.constant 0 : i32
      %dma_start3A_90 = arith.constant 0 : i32
      %dma_start3A_91 = tpu.memref_slice %arg2[%dma_start3A_89, %dma_start3A_90] : memref<10240x128xf32, #tpu.memory_space<hbm>> -> memref<10240x128xf32, #tpu.memory_space<hbm>>
      tpu.enqueue_indirect_dma source(%dma_start3A_91 : memref<10240x128xf32, #tpu.memory_space<hbm>>) target(%dma_start3A_85 : memref<128x128xf32, #tpu.memory_space<vmem>>) offsets(%dma_start3A_88 : memref<128xi32, #tpu.memory_space<vmem>>) semaphore(%arg12 : memref<!tpu.dma_semaphore, #tpu.memory_space<semaphore_mem>>)
      %scan3A_92 = arith.constant 0 : i32
      %scan3A_93 = arith.constant 0 : i32
      %scan3A_94 = arith.constant 27 : i32
      %scan3A_95 = arith.addi %scan3A_93, %scan3A_94 : i32
      %scan3A_96 = arith.constant 1 : i32
      %scan3A_97 = scf.for %scan3A_139 = %scan3A_93 to %scan3A_95 step %scan3A_96 iter_args(%scan3A_140 = %scan3A_92) -> (i32)  : i32 {
        %mul3A_141 = arith.constant 2 : i32
        %mul3A_142 = arith.muli %mul3A_141, %scan3A_139 : i32
        %dma_wait3A_143 = arith.constant 0 : i32
        %dma_wait3A_144 = arith.constant 0 : i32
        %dma_wait3A_145 = arith.constant 0 : i32
        %dma_wait3A_146 = tpu.memref_slice %arg10[%dma_wait3A_143, %dma_wait3A_144, %dma_wait3A_145] : memref<2x128x128xf32, #tpu.memory_space<vmem>> -> memref<1x128x128xf32, #tpu.memory_space<vmem>>
        %dma_wait3A_147 = tpu.memref_squeeze %dma_wait3A_146 : memref<1x128x128xf32, #tpu.memory_space<vmem>> -> memref<128x128xf32, #tpu.memory_space<vmem>>
        %dma_wait3A_148 = arith.constant 0 : i32
        %dma_wait3A_149 = tpu.memref_slice %arg8[%mul3A_142, %dma_wait3A_148] : memref<56x128xi32, #tpu.memory_space<vmem>> -> memref<1x128xi32, #tpu.memory_space<vmem>>
        %dma_wait3A_150 = tpu.memref_squeeze %dma_wait3A_149 : memref<1x128xi32, #tpu.memory_space<vmem>> -> memref<128xi32, #tpu.memory_space<vmem>>
        %dma_wait3A_151 = arith.constant 0 : i32
        %dma_wait3A_152 = arith.constant 0 : i32
        %dma_wait3A_153 = tpu.memref_slice %arg2[%dma_wait3A_151, %dma_wait3A_152] : memref<10240x128xf32, #tpu.memory_space<hbm>> -> memref<10240x128xf32, #tpu.memory_space<hbm>>
        tpu.wait_indirect_dma semaphore(%arg12 : memref<!tpu.dma_semaphore, #tpu.memory_space<semaphore_mem>>) src(%dma_wait3A_153 : memref<10240x128xf32, #tpu.memory_space<hbm>>) dst(%dma_wait3A_147 : memref<128x128xf32, #tpu.memory_space<vmem>>)
        %add3A = arith.constant 1 : i32
        %add3A_154 = arith.addi %mul3A_142, %add3A : i32
        %dma_start3A_155 = arith.constant 1 : i32
        %dma_start3A_156 = arith.constant 0 : i32
        %dma_start3A_157 = arith.constant 0 : i32
        %dma_start3A_158 = tpu.memref_slice %arg10[%dma_start3A_155, %dma_start3A_156, %dma_start3A_157] : memref<2x128x128xf32, #tpu.memory_space<vmem>> -> memref<1x128x128xf32, #tpu.memory_space<vmem>>
        %dma_start3A_159 = tpu.memref_squeeze %dma_start3A_158 : memref<1x128x128xf32, #tpu.memory_space<vmem>> -> memref<128x128xf32, #tpu.memory_space<vmem>>
        %dma_start3A_160 = arith.constant 0 : i32
        %dma_start3A_161 = tpu.memref_slice %arg8[%add3A_154, %dma_start3A_160] : memref<56x128xi32, #tpu.memory_space<vmem>> -> memref<1x128xi32, #tpu.memory_space<vmem>>
        %dma_start3A_162 = tpu.memref_squeeze %dma_start3A_161 : memref<1x128xi32, #tpu.memory_space<vmem>> -> memref<128xi32, #tpu.memory_space<vmem>>
        %dma_start3A_163 = arith.constant 0 : i32
        %dma_start3A_164 = arith.constant 0 : i32
        %dma_start3A_165 = tpu.memref_slice %arg2[%dma_start3A_163, %dma_start3A_164] : memref<10240x128xf32, #tpu.memory_space<hbm>> -> memref<10240x128xf32, #tpu.memory_space<hbm>>
        tpu.enqueue_indirect_dma source(%dma_start3A_165 : memref<10240x128xf32, #tpu.memory_space<hbm>>) target(%dma_start3A_159 : memref<128x128xf32, #tpu.memory_space<vmem>>) offsets(%dma_start3A_162 : memref<128xi32, #tpu.memory_space<vmem>>) semaphore(%arg13 : memref<!tpu.dma_semaphore, #tpu.memory_space<semaphore_mem>>)
        %run_scoped3A_166 = arith.constant 0 : i32
        "tpu.region"() ({
          %run_scoped3A_197 = tpu.sem_alloc : memref<!tpu.dma_semaphore, #tpu.memory_space<semaphore_mem>>
          %dma_start3A_198 = arith.constant 0 : i32
          %dma_start3A_199 = arith.constant 0 : i32
          %dma_start3A_200 = tpu.memref_slice %arg10[%run_scoped3A_166, %dma_start3A_198, %dma_start3A_199] : memref<2x128x128xf32, #tpu.memory_space<vmem>> -> memref<1x128x128xf32, #tpu.memory_space<vmem>>
          %dma_start3A_201 = tpu.memref_squeeze %dma_start3A_200 : memref<1x128x128xf32, #tpu.memory_space<vmem>> -> memref<128x128xf32, #tpu.memory_space<vmem>>
          %dma_start3A_202 = arith.constant 0 : i32
          %dma_start3A_203 = tpu.memref_slice %arg9[%mul3A_142, %dma_start3A_202] : memref<56x128xi32, #tpu.memory_space<vmem>> -> memref<1x128xi32, #tpu.memory_space<vmem>>
          %dma_start3A_204 = tpu.memref_squeeze %dma_start3A_203 : memref<1x128xi32, #tpu.memory_space<vmem>> -> memref<128xi32, #tpu.memory_space<vmem>>
          %dma_start3A_205 = arith.constant 0 : i32
          %dma_start3A_206 = arith.constant 0 : i32
          %dma_start3A_207 = tpu.memref_slice %arg11[%dma_start3A_205, %dma_start3A_206] : memref<10240x128xf32, #tpu.memory_space<vmem_shared>> -> memref<10240x128xf32, #tpu.memory_space<vmem_shared>>
          tpu.enqueue_indirect_dma source(%dma_start3A_201 : memref<128x128xf32, #tpu.memory_space<vmem>>) target(%dma_start3A_207 : memref<10240x128xf32, #tpu.memory_space<vmem_shared>>) offsets(%dma_start3A_204 : memref<128xi32, #tpu.memory_space<vmem>>) semaphore(%run_scoped3A_197 : memref<!tpu.dma_semaphore, #tpu.memory_space<semaphore_mem>>) {add = true}
          %dma_wait3A_208 = arith.constant 0 : i32
          %dma_wait3A_209 = arith.constant 0 : i32
          %dma_wait3A_210 = tpu.memref_slice %arg10[%run_scoped3A_166, %dma_wait3A_208, %dma_wait3A_209] : memref<2x128x128xf32, #tpu.memory_space<vmem>> -> memref<1x128x128xf32, #tpu.memory_space<vmem>>
          %dma_wait3A_211 = tpu.memref_squeeze %dma_wait3A_210 : memref<1x128x128xf32, #tpu.memory_space<vmem>> -> memref<128x128xf32, #tpu.memory_space<vmem>>
          %dma_wait3A_212 = arith.constant 0 : i32
          %dma_wait3A_213 = tpu.memref_slice %arg9[%mul3A_142, %dma_wait3A_212] : memref<56x128xi32, #tpu.memory_space<vmem>> -> memref<1x128xi32, #tpu.memory_space<vmem>>
          %dma_wait3A_214 = tpu.memref_squeeze %dma_wait3A_213 : memref<1x128xi32, #tpu.memory_space<vmem>> -> memref<128xi32, #tpu.memory_space<vmem>>
          %dma_wait3A_215 = arith.constant 0 : i32
          %dma_wait3A_216 = arith.constant 0 : i32
          %dma_wait3A_217 = tpu.memref_slice %arg11[%dma_wait3A_215, %dma_wait3A_216] : memref<10240x128xf32, #tpu.memory_space<vmem_shared>> -> memref<10240x128xf32, #tpu.memory_space<vmem_shared>>
          tpu.wait_indirect_dma semaphore(%run_scoped3A_197 : memref<!tpu.dma_semaphore, #tpu.memory_space<semaphore_mem>>) src(%dma_wait3A_211 : memref<128x128xf32, #tpu.memory_space<vmem>>) dst(%dma_wait3A_217 : memref<10240x128xf32, #tpu.memory_space<vmem_shared>>)
          tpu.yield
        }) : () -> ()
        %mul3A_167 = arith.constant 2 : i32
        %mul3A_168 = arith.muli %mul3A_167, %scan3A_139 : i32
        %add3A_169 = arith.constant 1 : i32
        %add3A_170 = arith.addi %mul3A_168, %add3A_169 : i32
        %dma_wait3A_171 = arith.constant 1 : i32
        %dma_wait3A_172 = arith.constant 0 : i32
        %dma_wait3A_173 = arith.constant 0 : i32
        %dma_wait3A_174 = tpu.memref_slice %arg10[%dma_wait3A_171, %dma_wait3A_172, %dma_wait3A_173] : memref<2x128x128xf32, #tpu.memory_space<vmem>> -> memref<1x128x128xf32, #tpu.memory_space<vmem>>
        %dma_wait3A_175 = tpu.memref_squeeze %dma_wait3A_174 : memref<1x128x128xf32, #tpu.memory_space<vmem>> -> memref<128x128xf32, #tpu.memory_space<vmem>>
        %dma_wait3A_176 = arith.constant 0 : i32
        %dma_wait3A_177 = tpu.memref_slice %arg8[%add3A_170, %dma_wait3A_176] : memref<56x128xi32, #tpu.memory_space<vmem>> -> memref<1x128xi32, #tpu.memory_space<vmem>>
        %dma_wait3A_178 = tpu.memref_squeeze %dma_wait3A_177 : memref<1x128xi32, #tpu.memory_space<vmem>> -> memref<128xi32, #tpu.memory_space<vmem>>
        %dma_wait3A_179 = arith.constant 0 : i32
        %dma_wait3A_180 = arith.constant 0 : i32
        %dma_wait3A_181 = tpu.memref_slice %arg2[%dma_wait3A_179, %dma_wait3A_180] : memref<10240x128xf32, #tpu.memory_space<hbm>> -> memref<10240x128xf32, #tpu.memory_space<hbm>>
        tpu.wait_indirect_dma semaphore(%arg13 : memref<!tpu.dma_semaphore, #tpu.memory_space<semaphore_mem>>) src(%dma_wait3A_181 : memref<10240x128xf32, #tpu.memory_space<hbm>>) dst(%dma_wait3A_175 : memref<128x128xf32, #tpu.memory_space<vmem>>)
        %add3A_182 = arith.constant 1 : i32
        %add3A_183 = arith.addi %add3A_170, %add3A_182 : i32
        %dma_start3A_184 = arith.constant 0 : i32
        %dma_start3A_185 = arith.constant 0 : i32
        %dma_start3A_186 = arith.constant 0 : i32
        %dma_start3A_187 = tpu.memref_slice %arg10[%dma_start3A_184, %dma_start3A_185, %dma_start3A_186] : memref<2x128x128xf32, #tpu.memory_space<vmem>> -> memref<1x128x128xf32, #tpu.memory_space<vmem>>
        %dma_start3A_188 = tpu.memref_squeeze %dma_start3A_187 : memref<1x128x128xf32, #tpu.memory_space<vmem>> -> memref<128x128xf32, #tpu.memory_space<vmem>>
        %dma_start3A_189 = arith.constant 0 : i32
        %dma_start3A_190 = tpu.memref_slice %arg8[%add3A_183, %dma_start3A_189] : memref<56x128xi32, #tpu.memory_space<vmem>> -> memref<1x128xi32, #tpu.memory_space<vmem>>
        %dma_start3A_191 = tpu.memref_squeeze %dma_start3A_190 : memref<1x128xi32, #tpu.memory_space<vmem>> -> memref<128xi32, #tpu.memory_space<vmem>>
        %dma_start3A_192 = arith.constant 0 : i32
        %dma_start3A_193 = arith.constant 0 : i32
        %dma_start3A_194 = tpu.memref_slice %arg2[%dma_start3A_192, %dma_start3A_193] : memref<10240x128xf32, #tpu.memory_space<hbm>> -> memref<10240x128xf32, #tpu.memory_space<hbm>>
        tpu.enqueue_indirect_dma source(%dma_start3A_194 : memref<10240x128xf32, #tpu.memory_space<hbm>>) target(%dma_start3A_188 : memref<128x128xf32, #tpu.memory_space<vmem>>) offsets(%dma_start3A_191 : memref<128xi32, #tpu.memory_space<vmem>>) semaphore(%arg12 : memref<!tpu.dma_semaphore, #tpu.memory_space<semaphore_mem>>)
        %run_scoped3A_195 = arith.constant 1 : i32
        "tpu.region"() ({
          %run_scoped3A_197 = tpu.sem_alloc : memref<!tpu.dma_semaphore, #tpu.memory_space<semaphore_mem>>
          %dma_start3A_198 = arith.constant 0 : i32
          %dma_start3A_199 = arith.constant 0 : i32
          %dma_start3A_200 = tpu.memref_slice %arg10[%run_scoped3A_195, %dma_start3A_198, %dma_start3A_199] : memref<2x128x128xf32, #tpu.memory_space<vmem>> -> memref<1x128x128xf32, #tpu.memory_space<vmem>>
          %dma_start3A_201 = tpu.memref_squeeze %dma_start3A_200 : memref<1x128x128xf32, #tpu.memory_space<vmem>> -> memref<128x128xf32, #tpu.memory_space<vmem>>
          %dma_start3A_202 = arith.constant 0 : i32
          %dma_start3A_203 = tpu.memref_slice %arg9[%add3A_170, %dma_start3A_202] : memref<56x128xi32, #tpu.memory_space<vmem>> -> memref<1x128xi32, #tpu.memory_space<vmem>>
          %dma_start3A_204 = tpu.memref_squeeze %dma_start3A_203 : memref<1x128xi32, #tpu.memory_space<vmem>> -> memref<128xi32, #tpu.memory_space<vmem>>
          %dma_start3A_205 = arith.constant 0 : i32
          %dma_start3A_206 = arith.constant 0 : i32
          %dma_start3A_207 = tpu.memref_slice %arg11[%dma_start3A_205, %dma_start3A_206] : memref<10240x128xf32, #tpu.memory_space<vmem_shared>> -> memref<10240x128xf32, #tpu.memory_space<vmem_shared>>
          tpu.enqueue_indirect_dma source(%dma_start3A_201 : memref<128x128xf32, #tpu.memory_space<vmem>>) target(%dma_start3A_207 : memref<10240x128xf32, #tpu.memory_space<vmem_shared>>) offsets(%dma_start3A_204 : memref<128xi32, #tpu.memory_space<vmem>>) semaphore(%run_scoped3A_197 : memref<!tpu.dma_semaphore, #tpu.memory_space<semaphore_mem>>) {add = true}
          %dma_wait3A_208 = arith.constant 0 : i32
          %dma_wait3A_209 = arith.constant 0 : i32
          %dma_wait3A_210 = tpu.memref_slice %arg10[%run_scoped3A_195, %dma_wait3A_208, %dma_wait3A_209] : memref<2x128x128xf32, #tpu.memory_space<vmem>> -> memref<1x128x128xf32, #tpu.memory_space<vmem>>
          %dma_wait3A_211 = tpu.memref_squeeze %dma_wait3A_210 : memref<1x128x128xf32, #tpu.memory_space<vmem>> -> memref<128x128xf32, #tpu.memory_space<vmem>>
          %dma_wait3A_212 = arith.constant 0 : i32
          %dma_wait3A_213 = tpu.memref_slice %arg9[%add3A_170, %dma_wait3A_212] : memref<56x128xi32, #tpu.memory_space<vmem>> -> memref<1x128xi32, #tpu.memory_space<vmem>>
          %dma_wait3A_214 = tpu.memref_squeeze %dma_wait3A_213 : memref<1x128xi32, #tpu.memory_space<vmem>> -> memref<128xi32, #tpu.memory_space<vmem>>
          %dma_wait3A_215 = arith.constant 0 : i32
          %dma_wait3A_216 = arith.constant 0 : i32
          %dma_wait3A_217 = tpu.memref_slice %arg11[%dma_wait3A_215, %dma_wait3A_216] : memref<10240x128xf32, #tpu.memory_space<vmem_shared>> -> memref<10240x128xf32, #tpu.memory_space<vmem_shared>>
          tpu.wait_indirect_dma semaphore(%run_scoped3A_197 : memref<!tpu.dma_semaphore, #tpu.memory_space<semaphore_mem>>) src(%dma_wait3A_211 : memref<128x128xf32, #tpu.memory_space<vmem>>) dst(%dma_wait3A_217 : memref<10240x128xf32, #tpu.memory_space<vmem_shared>>)
          tpu.yield
        }) : () -> ()
        %scan3A_196 = arith.constant 0 : i32
        scf.yield %scan3A_196 : i32
      }
      %scan3A_98 = arith.constant 27 : i32
      %dma_wait3A_99 = arith.constant 54 : i32
      %dma_wait3A_100 = arith.constant 0 : i32
      %dma_wait3A_101 = arith.constant 0 : i32
      %dma_wait3A_102 = arith.constant 0 : i32
      %dma_wait3A_103 = tpu.memref_slice %arg10[%dma_wait3A_100, %dma_wait3A_101, %dma_wait3A_102] : memref<2x128x128xf32, #tpu.memory_space<vmem>> -> memref<1x128x128xf32, #tpu.memory_space<vmem>>
      %dma_wait3A_104 = tpu.memref_squeeze %dma_wait3A_103 : memref<1x128x128xf32, #tpu.memory_space<vmem>> -> memref<128x128xf32, #tpu.memory_space<vmem>>
      %dma_wait3A_105 = arith.constant 0 : i32
      %dma_wait3A_106 = tpu.memref_slice %arg8[%dma_wait3A_99, %dma_wait3A_105] : memref<56x128xi32, #tpu.memory_space<vmem>> -> memref<1x128xi32, #tpu.memory_space<vmem>>
      %dma_wait3A_107 = tpu.memref_squeeze %dma_wait3A_106 : memref<1x128xi32, #tpu.memory_space<vmem>> -> memref<128xi32, #tpu.memory_space<vmem>>
      %dma_wait3A_108 = arith.constant 0 : i32
      %dma_wait3A_109 = arith.constant 0 : i32
      %dma_wait3A_110 = tpu.memref_slice %arg2[%dma_wait3A_108, %dma_wait3A_109] : memref<10240x128xf32, #tpu.memory_space<hbm>> -> memref<10240x128xf32, #tpu.memory_space<hbm>>
      tpu.wait_indirect_dma semaphore(%arg12 : memref<!tpu.dma_semaphore, #tpu.memory_space<semaphore_mem>>) src(%dma_wait3A_110 : memref<10240x128xf32, #tpu.memory_space<hbm>>) dst(%dma_wait3A_104 : memref<128x128xf32, #tpu.memory_space<vmem>>)
      %dma_start3A_111 = arith.constant 55 : i32
      %dma_start3A_112 = arith.constant 1 : i32
      %dma_start3A_113 = arith.constant 0 : i32
      %dma_start3A_114 = arith.constant 0 : i32
      %dma_start3A_115 = tpu.memref_slice %arg10[%dma_start3A_112, %dma_start3A_113, %dma_start3A_114] : memref<2x128x128xf32, #tpu.memory_space<vmem>> -> memref<1x128x128xf32, #tpu.memory_space<vmem>>
      %dma_start3A_116 = tpu.memref_squeeze %dma_start3A_115 : memref<1x128x128xf32, #tpu.memory_space<vmem>> -> memref<128x128xf32, #tpu.memory_space<vmem>>
      %dma_start3A_117 = arith.constant 0 : i32
      %dma_start3A_118 = tpu.memref_slice %arg8[%dma_start3A_111, %dma_start3A_117] : memref<56x128xi32, #tpu.memory_space<vmem>> -> memref<1x128xi32, #tpu.memory_space<vmem>>
      %dma_start3A_119 = tpu.memref_squeeze %dma_start3A_118 : memref<1x128xi32, #tpu.memory_space<vmem>> -> memref<128xi32, #tpu.memory_space<vmem>>
      %dma_start3A_120 = arith.constant 0 : i32
      %dma_start3A_121 = arith.constant 0 : i32
      %dma_start3A_122 = tpu.memref_slice %arg2[%dma_start3A_120, %dma_start3A_121] : memref<10240x128xf32, #tpu.memory_space<hbm>> -> memref<10240x128xf32, #tpu.memory_space<hbm>>
      tpu.enqueue_indirect_dma source(%dma_start3A_122 : memref<10240x128xf32, #tpu.memory_space<hbm>>) target(%dma_start3A_116 : memref<128x128xf32, #tpu.memory_space<vmem>>) offsets(%dma_start3A_119 : memref<128xi32, #tpu.memory_space<vmem>>) semaphore(%arg13 : memref<!tpu.dma_semaphore, #tpu.memory_space<semaphore_mem>>)
      %run_scoped3A_123 = arith.constant 0 : i32
      %run_scoped3A_124 = arith.constant 54 : i32
      "tpu.region"() ({
        %run_scoped3A_139 = tpu.sem_alloc : memref<!tpu.dma_semaphore, #tpu.memory_space<semaphore_mem>>
        %dma_start3A_140 = arith.constant 0 : i32
        %dma_start3A_141 = arith.constant 0 : i32
        %dma_start3A_142 = tpu.memref_slice %arg10[%run_scoped3A_123, %dma_start3A_140, %dma_start3A_141] : memref<2x128x128xf32, #tpu.memory_space<vmem>> -> memref<1x128x128xf32, #tpu.memory_space<vmem>>
        %dma_start3A_143 = tpu.memref_squeeze %dma_start3A_142 : memref<1x128x128xf32, #tpu.memory_space<vmem>> -> memref<128x128xf32, #tpu.memory_space<vmem>>
        %dma_start3A_144 = arith.constant 0 : i32
        %dma_start3A_145 = tpu.memref_slice %arg9[%run_scoped3A_124, %dma_start3A_144] : memref<56x128xi32, #tpu.memory_space<vmem>> -> memref<1x128xi32, #tpu.memory_space<vmem>>
        %dma_start3A_146 = tpu.memref_squeeze %dma_start3A_145 : memref<1x128xi32, #tpu.memory_space<vmem>> -> memref<128xi32, #tpu.memory_space<vmem>>
        %dma_start3A_147 = arith.constant 0 : i32
        %dma_start3A_148 = arith.constant 0 : i32
        %dma_start3A_149 = tpu.memref_slice %arg11[%dma_start3A_147, %dma_start3A_148] : memref<10240x128xf32, #tpu.memory_space<vmem_shared>> -> memref<10240x128xf32, #tpu.memory_space<vmem_shared>>
        tpu.enqueue_indirect_dma source(%dma_start3A_143 : memref<128x128xf32, #tpu.memory_space<vmem>>) target(%dma_start3A_149 : memref<10240x128xf32, #tpu.memory_space<vmem_shared>>) offsets(%dma_start3A_146 : memref<128xi32, #tpu.memory_space<vmem>>) semaphore(%run_scoped3A_139 : memref<!tpu.dma_semaphore, #tpu.memory_space<semaphore_mem>>) {add = true}
        %dma_wait3A_150 = arith.constant 0 : i32
        %dma_wait3A_151 = arith.constant 0 : i32
        %dma_wait3A_152 = tpu.memref_slice %arg10[%run_scoped3A_123, %dma_wait3A_150, %dma_wait3A_151] : memref<2x128x128xf32, #tpu.memory_space<vmem>> -> memref<1x128x128xf32, #tpu.memory_space<vmem>>
        %dma_wait3A_153 = tpu.memref_squeeze %dma_wait3A_152 : memref<1x128x128xf32, #tpu.memory_space<vmem>> -> memref<128x128xf32, #tpu.memory_space<vmem>>
        %dma_wait3A_154 = arith.constant 0 : i32
        %dma_wait3A_155 = tpu.memref_slice %arg9[%run_scoped3A_124, %dma_wait3A_154] : memref<56x128xi32, #tpu.memory_space<vmem>> -> memref<1x128xi32, #tpu.memory_space<vmem>>
        %dma_wait3A_156 = tpu.memref_squeeze %dma_wait3A_155 : memref<1x128xi32, #tpu.memory_space<vmem>> -> memref<128xi32, #tpu.memory_space<vmem>>
        %dma_wait3A_157 = arith.constant 0 : i32
        %dma_wait3A_158 = arith.constant 0 : i32
        %dma_wait3A_159 = tpu.memref_slice %arg11[%dma_wait3A_157, %dma_wait3A_158] : memref<10240x128xf32, #tpu.memory_space<vmem_shared>> -> memref<10240x128xf32, #tpu.memory_space<vmem_shared>>
        tpu.wait_indirect_dma semaphore(%run_scoped3A_139 : memref<!tpu.dma_semaphore, #tpu.memory_space<semaphore_mem>>) src(%dma_wait3A_153 : memref<128x128xf32, #tpu.memory_space<vmem>>) dst(%dma_wait3A_159 : memref<10240x128xf32, #tpu.memory_space<vmem_shared>>)
        tpu.yield
      }) : () -> ()
      %dma_wait3A_125 = arith.constant 55 : i32
      %dma_wait3A_126 = arith.constant 1 : i32
      %dma_wait3A_127 = arith.constant 0 : i32
      %dma_wait3A_128 = arith.constant 0 : i32
      %dma_wait3A_129 = tpu.memref_slice %arg10[%dma_wait3A_126, %dma_wait3A_127, %dma_wait3A_128] : memref<2x128x128xf32, #tpu.memory_space<vmem>> -> memref<1x128x128xf32, #tpu.memory_space<vmem>>
      %dma_wait3A_130 = tpu.memref_squeeze %dma_wait3A_129 : memref<1x128x128xf32, #tpu.memory_space<vmem>> -> memref<128x128xf32, #tpu.memory_space<vmem>>
      %dma_wait3A_131 = arith.constant 0 : i32
      %dma_wait3A_132 = tpu.memref_slice %arg8[%dma_wait3A_125, %dma_wait3A_131] : memref<56x128xi32, #tpu.memory_space<vmem>> -> memref<1x128xi32, #tpu.memory_space<vmem>>
      %dma_wait3A_133 = tpu.memref_squeeze %dma_wait3A_132 : memref<1x128xi32, #tpu.memory_space<vmem>> -> memref<128xi32, #tpu.memory_space<vmem>>
      %dma_wait3A_134 = arith.constant 0 : i32
      %dma_wait3A_135 = arith.constant 0 : i32
      %dma_wait3A_136 = tpu.memref_slice %arg2[%dma_wait3A_134, %dma_wait3A_135] : memref<10240x128xf32, #tpu.memory_space<hbm>> -> memref<10240x128xf32, #tpu.memory_space<hbm>>
      tpu.wait_indirect_dma semaphore(%arg13 : memref<!tpu.dma_semaphore, #tpu.memory_space<semaphore_mem>>) src(%dma_wait3A_136 : memref<10240x128xf32, #tpu.memory_space<hbm>>) dst(%dma_wait3A_130 : memref<128x128xf32, #tpu.memory_space<vmem>>)
      %run_scoped3A_137 = arith.constant 1 : i32
      %run_scoped3A_138 = arith.constant 55 : i32
      "tpu.region"() ({
        %run_scoped3A_139 = tpu.sem_alloc : memref<!tpu.dma_semaphore, #tpu.memory_space<semaphore_mem>>
        %dma_start3A_140 = arith.constant 0 : i32
        %dma_start3A_141 = arith.constant 0 : i32
        %dma_start3A_142 = tpu.memref_slice %arg10[%run_scoped3A_137, %dma_start3A_140, %dma_start3A_141] : memref<2x128x128xf32, #tpu.memory_space<vmem>> -> memref<1x128x128xf32, #tpu.memory_space<vmem>>
        %dma_start3A_143 = tpu.memref_squeeze %dma_start3A_142 : memref<1x128x128xf32, #tpu.memory_space<vmem>> -> memref<128x128xf32, #tpu.memory_space<vmem>>
        %dma_start3A_144 = arith.constant 0 : i32
        %dma_start3A_145 = tpu.memref_slice %arg9[%run_scoped3A_138, %dma_start3A_144] : memref<56x128xi32, #tpu.memory_space<vmem>> -> memref<1x128xi32, #tpu.memory_space<vmem>>
        %dma_start3A_146 = tpu.memref_squeeze %dma_start3A_145 : memref<1x128xi32, #tpu.memory_space<vmem>> -> memref<128xi32, #tpu.memory_space<vmem>>
        %dma_start3A_147 = arith.constant 0 : i32
        %dma_start3A_148 = arith.constant 0 : i32
        %dma_start3A_149 = tpu.memref_slice %arg11[%dma_start3A_147, %dma_start3A_148] : memref<10240x128xf32, #tpu.memory_space<vmem_shared>> -> memref<10240x128xf32, #tpu.memory_space<vmem_shared>>
        tpu.enqueue_indirect_dma source(%dma_start3A_143 : memref<128x128xf32, #tpu.memory_space<vmem>>) target(%dma_start3A_149 : memref<10240x128xf32, #tpu.memory_space<vmem_shared>>) offsets(%dma_start3A_146 : memref<128xi32, #tpu.memory_space<vmem>>) semaphore(%run_scoped3A_139 : memref<!tpu.dma_semaphore, #tpu.memory_space<semaphore_mem>>) {add = true}
        %dma_wait3A_150 = arith.constant 0 : i32
        %dma_wait3A_151 = arith.constant 0 : i32
        %dma_wait3A_152 = tpu.memref_slice %arg10[%run_scoped3A_137, %dma_wait3A_150, %dma_wait3A_151] : memref<2x128x128xf32, #tpu.memory_space<vmem>> -> memref<1x128x128xf32, #tpu.memory_space<vmem>>
        %dma_wait3A_153 = tpu.memref_squeeze %dma_wait3A_152 : memref<1x128x128xf32, #tpu.memory_space<vmem>> -> memref<128x128xf32, #tpu.memory_space<vmem>>
        %dma_wait3A_154 = arith.constant 0 : i32
        %dma_wait3A_155 = tpu.memref_slice %arg9[%run_scoped3A_138, %dma_wait3A_154] : memref<56x128xi32, #tpu.memory_space<vmem>> -> memref<1x128xi32, #tpu.memory_space<vmem>>
        %dma_wait3A_156 = tpu.memref_squeeze %dma_wait3A_155 : memref<1x128xi32, #tpu.memory_space<vmem>> -> memref<128xi32, #tpu.memory_space<vmem>>
        %dma_wait3A_157 = arith.constant 0 : i32
        %dma_wait3A_158 = arith.constant 0 : i32
        %dma_wait3A_159 = tpu.memref_slice %arg11[%dma_wait3A_157, %dma_wait3A_158] : memref<10240x128xf32, #tpu.memory_space<vmem_shared>> -> memref<10240x128xf32, #tpu.memory_space<vmem_shared>>
        tpu.wait_indirect_dma semaphore(%run_scoped3A_139 : memref<!tpu.dma_semaphore, #tpu.memory_space<semaphore_mem>>) src(%dma_wait3A_153 : memref<128x128xf32, #tpu.memory_space<vmem>>) dst(%dma_wait3A_159 : memref<10240x128xf32, #tpu.memory_space<vmem_shared>>)
        tpu.yield
      }) : () -> ()
    } else {
    }
    %eq3A_15 = arith.constant 1 : i32
    %eq3A_16 = arith.cmpi eq, %arg0, %eq3A_15 : i32
    %convert_element_type3A_17 = arith.extui %eq3A_16 : i1 to i32
    %cond3A_18 = arith.constant 0 : i32
    %cond3A_19 = arith.cmpi ne, %convert_element_type3A_17, %cond3A_18 : i32
    scf.if %cond3A_19 {
      "tpu.region"() ({
        %run_scoped3A_80 = tpu.sem_alloc : memref<!tpu.dma_semaphore, #tpu.memory_space<semaphore_mem>>
        %dma_start3A_81 = arith.constant 0 : i32
        %dma_start3A_82 = arith.constant 0 : i32
        %dma_start3A_83 = tpu.memref_slice %arg8[%dma_start3A_81, %dma_start3A_82] : memref<56x128xi32, #tpu.memory_space<vmem>> -> memref<46x128xi32, #tpu.memory_space<vmem>>
        %dma_start3A_84 = arith.constant 0 : i32
        %dma_start3A_85 = arith.constant 0 : i32
        %dma_start3A_86 = tpu.memref_slice %arg5[%arg1, %dma_start3A_84, %dma_start3A_85] : memref<16x46x128xi32, #tpu.memory_space<hbm>> -> memref<1x46x128xi32, #tpu.memory_space<hbm>>
        %dma_start3A_87 = tpu.memref_squeeze %dma_start3A_86 : memref<1x46x128xi32, #tpu.memory_space<hbm>> -> memref<46x128xi32, #tpu.memory_space<hbm>>
        %dma_start3A_88 = arith.constant 0 : i32
        %dma_start3A_89 = arith.constant 0 : i32
        %dma_start3A_90 = tpu.memref_slice %arg8[%dma_start3A_88, %dma_start3A_89] : memref<56x128xi32, #tpu.memory_space<vmem>> -> memref<46x128xi32, #tpu.memory_space<vmem>>
        %dma_start3A_91 = arith.constant 0 : i32
        %dma_start3A_92 = arith.constant 0 : i32
        %dma_start3A_93 = tpu.memref_slice %arg5[%arg1, %dma_start3A_91, %dma_start3A_92] : memref<16x46x128xi32, #tpu.memory_space<hbm>> -> memref<1x46x128xi32, #tpu.memory_space<hbm>>
        %dma_start3A_94 = tpu.memref_squeeze %dma_start3A_93 : memref<1x46x128xi32, #tpu.memory_space<hbm>> -> memref<46x128xi32, #tpu.memory_space<hbm>>
        tpu.enqueue_dma source(%dma_start3A_94 : memref<46x128xi32, #tpu.memory_space<hbm>>) target(%dma_start3A_90 : memref<46x128xi32, #tpu.memory_space<vmem>>) target_semaphore(%run_scoped3A_80 : memref<!tpu.dma_semaphore, #tpu.memory_space<semaphore_mem>>)
        %dma_wait3A_95 = arith.constant 0 : i32
        %dma_wait3A_96 = arith.constant 0 : i32
        %dma_wait3A_97 = tpu.memref_slice %arg8[%dma_wait3A_95, %dma_wait3A_96] : memref<56x128xi32, #tpu.memory_space<vmem>> -> memref<46x128xi32, #tpu.memory_space<vmem>>
        %dma_wait3A_98 = arith.constant 0 : i32
        %dma_wait3A_99 = arith.constant 0 : i32
        %dma_wait3A_100 = tpu.memref_slice %arg5[%arg1, %dma_wait3A_98, %dma_wait3A_99] : memref<16x46x128xi32, #tpu.memory_space<hbm>> -> memref<1x46x128xi32, #tpu.memory_space<hbm>>
        %dma_wait3A_101 = tpu.memref_squeeze %dma_wait3A_100 : memref<1x46x128xi32, #tpu.memory_space<hbm>> -> memref<46x128xi32, #tpu.memory_space<hbm>>
        %dma_wait3A_102 = arith.constant 0 : i32
        %dma_wait3A_103 = arith.constant 0 : i32
        %dma_wait3A_104 = tpu.memref_slice %arg8[%dma_wait3A_102, %dma_wait3A_103] : memref<56x128xi32, #tpu.memory_space<vmem>> -> memref<46x128xi32, #tpu.memory_space<vmem>>
        %dma_wait3A_105 = arith.constant 0 : i32
        %dma_wait3A_106 = arith.constant 0 : i32
        %dma_wait3A_107 = tpu.memref_slice %arg5[%arg1, %dma_wait3A_105, %dma_wait3A_106] : memref<16x46x128xi32, #tpu.memory_space<hbm>> -> memref<1x46x128xi32, #tpu.memory_space<hbm>>
        %dma_wait3A_108 = tpu.memref_squeeze %dma_wait3A_107 : memref<1x46x128xi32, #tpu.memory_space<hbm>> -> memref<46x128xi32, #tpu.memory_space<hbm>>
        tpu.wait_dma2 semaphore(%run_scoped3A_80 : memref<!tpu.dma_semaphore, #tpu.memory_space<semaphore_mem>>) src(%dma_wait3A_108 : memref<46x128xi32, #tpu.memory_space<hbm>>) dst(%dma_wait3A_104 : memref<46x128xi32, #tpu.memory_space<vmem>>)
        tpu.yield
      }) : () -> ()
      "tpu.region"() ({
        %run_scoped3A_80 = tpu.sem_alloc : memref<!tpu.dma_semaphore, #tpu.memory_space<semaphore_mem>>
        %dma_start3A_81 = arith.constant 0 : i32
        %dma_start3A_82 = arith.constant 0 : i32
        %dma_start3A_83 = tpu.memref_slice %arg9[%dma_start3A_81, %dma_start3A_82] : memref<56x128xi32, #tpu.memory_space<vmem>> -> memref<46x128xi32, #tpu.memory_space<vmem>>
        %dma_start3A_84 = arith.constant 0 : i32
        %dma_start3A_85 = arith.constant 0 : i32
        %dma_start3A_86 = tpu.memref_slice %arg6[%arg1, %dma_start3A_84, %dma_start3A_85] : memref<16x46x128xi32, #tpu.memory_space<hbm>> -> memref<1x46x128xi32, #tpu.memory_space<hbm>>
        %dma_start3A_87 = tpu.memref_squeeze %dma_start3A_86 : memref<1x46x128xi32, #tpu.memory_space<hbm>> -> memref<46x128xi32, #tpu.memory_space<hbm>>
        %dma_start3A_88 = arith.constant 0 : i32
        %dma_start3A_89 = arith.constant 0 : i32
        %dma_start3A_90 = tpu.memref_slice %arg9[%dma_start3A_88, %dma_start3A_89] : memref<56x128xi32, #tpu.memory_space<vmem>> -> memref<46x128xi32, #tpu.memory_space<vmem>>
        %dma_start3A_91 = arith.constant 0 : i32
        %dma_start3A_92 = arith.constant 0 : i32
        %dma_start3A_93 = tpu.memref_slice %arg6[%arg1, %dma_start3A_91, %dma_start3A_92] : memref<16x46x128xi32, #tpu.memory_space<hbm>> -> memref<1x46x128xi32, #tpu.memory_space<hbm>>
        %dma_start3A_94 = tpu.memref_squeeze %dma_start3A_93 : memref<1x46x128xi32, #tpu.memory_space<hbm>> -> memref<46x128xi32, #tpu.memory_space<hbm>>
        tpu.enqueue_dma source(%dma_start3A_94 : memref<46x128xi32, #tpu.memory_space<hbm>>) target(%dma_start3A_90 : memref<46x128xi32, #tpu.memory_space<vmem>>) target_semaphore(%run_scoped3A_80 : memref<!tpu.dma_semaphore, #tpu.memory_space<semaphore_mem>>)
        %dma_wait3A_95 = arith.constant 0 : i32
        %dma_wait3A_96 = arith.constant 0 : i32
        %dma_wait3A_97 = tpu.memref_slice %arg9[%dma_wait3A_95, %dma_wait3A_96] : memref<56x128xi32, #tpu.memory_space<vmem>> -> memref<46x128xi32, #tpu.memory_space<vmem>>
        %dma_wait3A_98 = arith.constant 0 : i32
        %dma_wait3A_99 = arith.constant 0 : i32
        %dma_wait3A_100 = tpu.memref_slice %arg6[%arg1, %dma_wait3A_98, %dma_wait3A_99] : memref<16x46x128xi32, #tpu.memory_space<hbm>> -> memref<1x46x128xi32, #tpu.memory_space<hbm>>
        %dma_wait3A_101 = tpu.memref_squeeze %dma_wait3A_100 : memref<1x46x128xi32, #tpu.memory_space<hbm>> -> memref<46x128xi32, #tpu.memory_space<hbm>>
        %dma_wait3A_102 = arith.constant 0 : i32
        %dma_wait3A_103 = arith.constant 0 : i32
        %dma_wait3A_104 = tpu.memref_slice %arg9[%dma_wait3A_102, %dma_wait3A_103] : memref<56x128xi32, #tpu.memory_space<vmem>> -> memref<46x128xi32, #tpu.memory_space<vmem>>
        %dma_wait3A_105 = arith.constant 0 : i32
        %dma_wait3A_106 = arith.constant 0 : i32
        %dma_wait3A_107 = tpu.memref_slice %arg6[%arg1, %dma_wait3A_105, %dma_wait3A_106] : memref<16x46x128xi32, #tpu.memory_space<hbm>> -> memref<1x46x128xi32, #tpu.memory_space<hbm>>
        %dma_wait3A_108 = tpu.memref_squeeze %dma_wait3A_107 : memref<1x46x128xi32, #tpu.memory_space<hbm>> -> memref<46x128xi32, #tpu.memory_space<hbm>>
        tpu.wait_dma2 semaphore(%run_scoped3A_80 : memref<!tpu.dma_semaphore, #tpu.memory_space<semaphore_mem>>) src(%dma_wait3A_108 : memref<46x128xi32, #tpu.memory_space<hbm>>) dst(%dma_wait3A_104 : memref<46x128xi32, #tpu.memory_space<vmem>>)
        tpu.yield
      }) : () -> ()
      %dma_start3A = arith.constant 0 : i32
      %dma_start3A_24 = arith.constant 0 : i32
      %dma_start3A_25 = arith.constant 0 : i32
      %dma_start3A_26 = arith.constant 0 : i32
      %dma_start3A_27 = tpu.memref_slice %arg10[%dma_start3A_24, %dma_start3A_25, %dma_start3A_26] : memref<2x128x128xf32, #tpu.memory_space<vmem>> -> memref<1x128x128xf32, #tpu.memory_space<vmem>>
      %dma_start3A_28 = tpu.memref_squeeze %dma_start3A_27 : memref<1x128x128xf32, #tpu.memory_space<vmem>> -> memref<128x128xf32, #tpu.memory_space<vmem>>
      %dma_start3A_29 = arith.constant 0 : i32
      %dma_start3A_30 = tpu.memref_slice %arg8[%dma_start3A, %dma_start3A_29] : memref<56x128xi32, #tpu.memory_space<vmem>> -> memref<1x128xi32, #tpu.memory_space<vmem>>
      %dma_start3A_31 = tpu.memref_squeeze %dma_start3A_30 : memref<1x128xi32, #tpu.memory_space<vmem>> -> memref<128xi32, #tpu.memory_space<vmem>>
      %dma_start3A_32 = arith.constant 0 : i32
      %dma_start3A_33 = arith.constant 0 : i32
      %dma_start3A_34 = tpu.memref_slice %arg2[%dma_start3A_32, %dma_start3A_33] : memref<10240x128xf32, #tpu.memory_space<hbm>> -> memref<10240x128xf32, #tpu.memory_space<hbm>>
      tpu.enqueue_indirect_dma source(%dma_start3A_34 : memref<10240x128xf32, #tpu.memory_space<hbm>>) target(%dma_start3A_28 : memref<128x128xf32, #tpu.memory_space<vmem>>) offsets(%dma_start3A_31 : memref<128xi32, #tpu.memory_space<vmem>>) semaphore(%arg12 : memref<!tpu.dma_semaphore, #tpu.memory_space<semaphore_mem>>)
      %scan3A_35 = arith.constant 0 : i32
      %scan3A_36 = arith.constant 0 : i32
      %scan3A_37 = arith.constant 22 : i32
      %scan3A_38 = arith.addi %scan3A_36, %scan3A_37 : i32
      %scan3A_39 = arith.constant 1 : i32
      %scan3A_40 = scf.for %scan3A_80 = %scan3A_36 to %scan3A_38 step %scan3A_39 iter_args(%scan3A_81 = %scan3A_35) -> (i32)  : i32 {
        %mul3A_82 = arith.constant 2 : i32
        %mul3A_83 = arith.muli %mul3A_82, %scan3A_80 : i32
        %dma_wait3A_84 = arith.constant 0 : i32
        %dma_wait3A_85 = arith.constant 0 : i32
        %dma_wait3A_86 = arith.constant 0 : i32
        %dma_wait3A_87 = tpu.memref_slice %arg10[%dma_wait3A_84, %dma_wait3A_85, %dma_wait3A_86] : memref<2x128x128xf32, #tpu.memory_space<vmem>> -> memref<1x128x128xf32, #tpu.memory_space<vmem>>
        %dma_wait3A_88 = tpu.memref_squeeze %dma_wait3A_87 : memref<1x128x128xf32, #tpu.memory_space<vmem>> -> memref<128x128xf32, #tpu.memory_space<vmem>>
        %dma_wait3A_89 = arith.constant 0 : i32
        %dma_wait3A_90 = tpu.memref_slice %arg8[%mul3A_83, %dma_wait3A_89] : memref<56x128xi32, #tpu.memory_space<vmem>> -> memref<1x128xi32, #tpu.memory_space<vmem>>
        %dma_wait3A_91 = tpu.memref_squeeze %dma_wait3A_90 : memref<1x128xi32, #tpu.memory_space<vmem>> -> memref<128xi32, #tpu.memory_space<vmem>>
        %dma_wait3A_92 = arith.constant 0 : i32
        %dma_wait3A_93 = arith.constant 0 : i32
        %dma_wait3A_94 = tpu.memref_slice %arg2[%dma_wait3A_92, %dma_wait3A_93] : memref<10240x128xf32, #tpu.memory_space<hbm>> -> memref<10240x128xf32, #tpu.memory_space<hbm>>
        tpu.wait_indirect_dma semaphore(%arg12 : memref<!tpu.dma_semaphore, #tpu.memory_space<semaphore_mem>>) src(%dma_wait3A_94 : memref<10240x128xf32, #tpu.memory_space<hbm>>) dst(%dma_wait3A_88 : memref<128x128xf32, #tpu.memory_space<vmem>>)
        %add3A = arith.constant 1 : i32
        %add3A_95 = arith.addi %mul3A_83, %add3A : i32
        %dma_start3A_96 = arith.constant 1 : i32
        %dma_start3A_97 = arith.constant 0 : i32
        %dma_start3A_98 = arith.constant 0 : i32
        %dma_start3A_99 = tpu.memref_slice %arg10[%dma_start3A_96, %dma_start3A_97, %dma_start3A_98] : memref<2x128x128xf32, #tpu.memory_space<vmem>> -> memref<1x128x128xf32, #tpu.memory_space<vmem>>
        %dma_start3A_100 = tpu.memref_squeeze %dma_start3A_99 : memref<1x128x128xf32, #tpu.memory_space<vmem>> -> memref<128x128xf32, #tpu.memory_space<vmem>>
        %dma_start3A_101 = arith.constant 0 : i32
        %dma_start3A_102 = tpu.memref_slice %arg8[%add3A_95, %dma_start3A_101] : memref<56x128xi32, #tpu.memory_space<vmem>> -> memref<1x128xi32, #tpu.memory_space<vmem>>
        %dma_start3A_103 = tpu.memref_squeeze %dma_start3A_102 : memref<1x128xi32, #tpu.memory_space<vmem>> -> memref<128xi32, #tpu.memory_space<vmem>>
        %dma_start3A_104 = arith.constant 0 : i32
        %dma_start3A_105 = arith.constant 0 : i32
        %dma_start3A_106 = tpu.memref_slice %arg2[%dma_start3A_104, %dma_start3A_105] : memref<10240x128xf32, #tpu.memory_space<hbm>> -> memref<10240x128xf32, #tpu.memory_space<hbm>>
        tpu.enqueue_indirect_dma source(%dma_start3A_106 : memref<10240x128xf32, #tpu.memory_space<hbm>>) target(%dma_start3A_100 : memref<128x128xf32, #tpu.memory_space<vmem>>) offsets(%dma_start3A_103 : memref<128xi32, #tpu.memory_space<vmem>>) semaphore(%arg13 : memref<!tpu.dma_semaphore, #tpu.memory_space<semaphore_mem>>)
        %run_scoped3A_107 = arith.constant 0 : i32
        "tpu.region"() ({
          %run_scoped3A_138 = tpu.sem_alloc : memref<!tpu.dma_semaphore, #tpu.memory_space<semaphore_mem>>
          %dma_start3A_139 = arith.constant 0 : i32
          %dma_start3A_140 = arith.constant 0 : i32
          %dma_start3A_141 = tpu.memref_slice %arg10[%run_scoped3A_107, %dma_start3A_139, %dma_start3A_140] : memref<2x128x128xf32, #tpu.memory_space<vmem>> -> memref<1x128x128xf32, #tpu.memory_space<vmem>>
          %dma_start3A_142 = tpu.memref_squeeze %dma_start3A_141 : memref<1x128x128xf32, #tpu.memory_space<vmem>> -> memref<128x128xf32, #tpu.memory_space<vmem>>
          %dma_start3A_143 = arith.constant 0 : i32
          %dma_start3A_144 = tpu.memref_slice %arg9[%mul3A_83, %dma_start3A_143] : memref<56x128xi32, #tpu.memory_space<vmem>> -> memref<1x128xi32, #tpu.memory_space<vmem>>
          %dma_start3A_145 = tpu.memref_squeeze %dma_start3A_144 : memref<1x128xi32, #tpu.memory_space<vmem>> -> memref<128xi32, #tpu.memory_space<vmem>>
          %dma_start3A_146 = arith.constant 0 : i32
          %dma_start3A_147 = arith.constant 0 : i32
          %dma_start3A_148 = tpu.memref_slice %arg11[%dma_start3A_146, %dma_start3A_147] : memref<10240x128xf32, #tpu.memory_space<vmem_shared>> -> memref<10240x128xf32, #tpu.memory_space<vmem_shared>>
          tpu.enqueue_indirect_dma source(%dma_start3A_142 : memref<128x128xf32, #tpu.memory_space<vmem>>) target(%dma_start3A_148 : memref<10240x128xf32, #tpu.memory_space<vmem_shared>>) offsets(%dma_start3A_145 : memref<128xi32, #tpu.memory_space<vmem>>) semaphore(%run_scoped3A_138 : memref<!tpu.dma_semaphore, #tpu.memory_space<semaphore_mem>>) {add = true}
          %dma_wait3A_149 = arith.constant 0 : i32
          %dma_wait3A_150 = arith.constant 0 : i32
          %dma_wait3A_151 = tpu.memref_slice %arg10[%run_scoped3A_107, %dma_wait3A_149, %dma_wait3A_150] : memref<2x128x128xf32, #tpu.memory_space<vmem>> -> memref<1x128x128xf32, #tpu.memory_space<vmem>>
          %dma_wait3A_152 = tpu.memref_squeeze %dma_wait3A_151 : memref<1x128x128xf32, #tpu.memory_space<vmem>> -> memref<128x128xf32, #tpu.memory_space<vmem>>
          %dma_wait3A_153 = arith.constant 0 : i32
          %dma_wait3A_154 = tpu.memref_slice %arg9[%mul3A_83, %dma_wait3A_153] : memref<56x128xi32, #tpu.memory_space<vmem>> -> memref<1x128xi32, #tpu.memory_space<vmem>>
          %dma_wait3A_155 = tpu.memref_squeeze %dma_wait3A_154 : memref<1x128xi32, #tpu.memory_space<vmem>> -> memref<128xi32, #tpu.memory_space<vmem>>
          %dma_wait3A_156 = arith.constant 0 : i32
          %dma_wait3A_157 = arith.constant 0 : i32
          %dma_wait3A_158 = tpu.memref_slice %arg11[%dma_wait3A_156, %dma_wait3A_157] : memref<10240x128xf32, #tpu.memory_space<vmem_shared>> -> memref<10240x128xf32, #tpu.memory_space<vmem_shared>>
          tpu.wait_indirect_dma semaphore(%run_scoped3A_138 : memref<!tpu.dma_semaphore, #tpu.memory_space<semaphore_mem>>) src(%dma_wait3A_152 : memref<128x128xf32, #tpu.memory_space<vmem>>) dst(%dma_wait3A_158 : memref<10240x128xf32, #tpu.memory_space<vmem_shared>>)
          tpu.yield
        }) : () -> ()
        %mul3A_108 = arith.constant 2 : i32
        %mul3A_109 = arith.muli %mul3A_108, %scan3A_80 : i32
        %add3A_110 = arith.constant 1 : i32
        %add3A_111 = arith.addi %mul3A_109, %add3A_110 : i32
        %dma_wait3A_112 = arith.constant 1 : i32
        %dma_wait3A_113 = arith.constant 0 : i32
        %dma_wait3A_114 = arith.constant 0 : i32
        %dma_wait3A_115 = tpu.memref_slice %arg10[%dma_wait3A_112, %dma_wait3A_113, %dma_wait3A_114] : memref<2x128x128xf32, #tpu.memory_space<vmem>> -> memref<1x128x128xf32, #tpu.memory_space<vmem>>
        %dma_wait3A_116 = tpu.memref_squeeze %dma_wait3A_115 : memref<1x128x128xf32, #tpu.memory_space<vmem>> -> memref<128x128xf32, #tpu.memory_space<vmem>>
        %dma_wait3A_117 = arith.constant 0 : i32
        %dma_wait3A_118 = tpu.memref_slice %arg8[%add3A_111, %dma_wait3A_117] : memref<56x128xi32, #tpu.memory_space<vmem>> -> memref<1x128xi32, #tpu.memory_space<vmem>>
        %dma_wait3A_119 = tpu.memref_squeeze %dma_wait3A_118 : memref<1x128xi32, #tpu.memory_space<vmem>> -> memref<128xi32, #tpu.memory_space<vmem>>
        %dma_wait3A_120 = arith.constant 0 : i32
        %dma_wait3A_121 = arith.constant 0 : i32
        %dma_wait3A_122 = tpu.memref_slice %arg2[%dma_wait3A_120, %dma_wait3A_121] : memref<10240x128xf32, #tpu.memory_space<hbm>> -> memref<10240x128xf32, #tpu.memory_space<hbm>>
        tpu.wait_indirect_dma semaphore(%arg13 : memref<!tpu.dma_semaphore, #tpu.memory_space<semaphore_mem>>) src(%dma_wait3A_122 : memref<10240x128xf32, #tpu.memory_space<hbm>>) dst(%dma_wait3A_116 : memref<128x128xf32, #tpu.memory_space<vmem>>)
        %add3A_123 = arith.constant 1 : i32
        %add3A_124 = arith.addi %add3A_111, %add3A_123 : i32
        %dma_start3A_125 = arith.constant 0 : i32
        %dma_start3A_126 = arith.constant 0 : i32
        %dma_start3A_127 = arith.constant 0 : i32
        %dma_start3A_128 = tpu.memref_slice %arg10[%dma_start3A_125, %dma_start3A_126, %dma_start3A_127] : memref<2x128x128xf32, #tpu.memory_space<vmem>> -> memref<1x128x128xf32, #tpu.memory_space<vmem>>
        %dma_start3A_129 = tpu.memref_squeeze %dma_start3A_128 : memref<1x128x128xf32, #tpu.memory_space<vmem>> -> memref<128x128xf32, #tpu.memory_space<vmem>>
        %dma_start3A_130 = arith.constant 0 : i32
        %dma_start3A_131 = tpu.memref_slice %arg8[%add3A_124, %dma_start3A_130] : memref<56x128xi32, #tpu.memory_space<vmem>> -> memref<1x128xi32, #tpu.memory_space<vmem>>
        %dma_start3A_132 = tpu.memref_squeeze %dma_start3A_131 : memref<1x128xi32, #tpu.memory_space<vmem>> -> memref<128xi32, #tpu.memory_space<vmem>>
        %dma_start3A_133 = arith.constant 0 : i32
        %dma_start3A_134 = arith.constant 0 : i32
        %dma_start3A_135 = tpu.memref_slice %arg2[%dma_start3A_133, %dma_start3A_134] : memref<10240x128xf32, #tpu.memory_space<hbm>> -> memref<10240x128xf32, #tpu.memory_space<hbm>>
        tpu.enqueue_indirect_dma source(%dma_start3A_135 : memref<10240x128xf32, #tpu.memory_space<hbm>>) target(%dma_start3A_129 : memref<128x128xf32, #tpu.memory_space<vmem>>) offsets(%dma_start3A_132 : memref<128xi32, #tpu.memory_space<vmem>>) semaphore(%arg12 : memref<!tpu.dma_semaphore, #tpu.memory_space<semaphore_mem>>)
        %run_scoped3A_136 = arith.constant 1 : i32
        "tpu.region"() ({
          %run_scoped3A_138 = tpu.sem_alloc : memref<!tpu.dma_semaphore, #tpu.memory_space<semaphore_mem>>
          %dma_start3A_139 = arith.constant 0 : i32
          %dma_start3A_140 = arith.constant 0 : i32
          %dma_start3A_141 = tpu.memref_slice %arg10[%run_scoped3A_136, %dma_start3A_139, %dma_start3A_140] : memref<2x128x128xf32, #tpu.memory_space<vmem>> -> memref<1x128x128xf32, #tpu.memory_space<vmem>>
          %dma_start3A_142 = tpu.memref_squeeze %dma_start3A_141 : memref<1x128x128xf32, #tpu.memory_space<vmem>> -> memref<128x128xf32, #tpu.memory_space<vmem>>
          %dma_start3A_143 = arith.constant 0 : i32
          %dma_start3A_144 = tpu.memref_slice %arg9[%add3A_111, %dma_start3A_143] : memref<56x128xi32, #tpu.memory_space<vmem>> -> memref<1x128xi32, #tpu.memory_space<vmem>>
          %dma_start3A_145 = tpu.memref_squeeze %dma_start3A_144 : memref<1x128xi32, #tpu.memory_space<vmem>> -> memref<128xi32, #tpu.memory_space<vmem>>
          %dma_start3A_146 = arith.constant 0 : i32
          %dma_start3A_147 = arith.constant 0 : i32
          %dma_start3A_148 = tpu.memref_slice %arg11[%dma_start3A_146, %dma_start3A_147] : memref<10240x128xf32, #tpu.memory_space<vmem_shared>> -> memref<10240x128xf32, #tpu.memory_space<vmem_shared>>
          tpu.enqueue_indirect_dma source(%dma_start3A_142 : memref<128x128xf32, #tpu.memory_space<vmem>>) target(%dma_start3A_148 : memref<10240x128xf32, #tpu.memory_space<vmem_shared>>) offsets(%dma_start3A_145 : memref<128xi32, #tpu.memory_space<vmem>>) semaphore(%run_scoped3A_138 : memref<!tpu.dma_semaphore, #tpu.memory_space<semaphore_mem>>) {add = true}
          %dma_wait3A_149 = arith.constant 0 : i32
          %dma_wait3A_150 = arith.constant 0 : i32
          %dma_wait3A_151 = tpu.memref_slice %arg10[%run_scoped3A_136, %dma_wait3A_149, %dma_wait3A_150] : memref<2x128x128xf32, #tpu.memory_space<vmem>> -> memref<1x128x128xf32, #tpu.memory_space<vmem>>
          %dma_wait3A_152 = tpu.memref_squeeze %dma_wait3A_151 : memref<1x128x128xf32, #tpu.memory_space<vmem>> -> memref<128x128xf32, #tpu.memory_space<vmem>>
          %dma_wait3A_153 = arith.constant 0 : i32
          %dma_wait3A_154 = tpu.memref_slice %arg9[%add3A_111, %dma_wait3A_153] : memref<56x128xi32, #tpu.memory_space<vmem>> -> memref<1x128xi32, #tpu.memory_space<vmem>>
          %dma_wait3A_155 = tpu.memref_squeeze %dma_wait3A_154 : memref<1x128xi32, #tpu.memory_space<vmem>> -> memref<128xi32, #tpu.memory_space<vmem>>
          %dma_wait3A_156 = arith.constant 0 : i32
          %dma_wait3A_157 = arith.constant 0 : i32
          %dma_wait3A_158 = tpu.memref_slice %arg11[%dma_wait3A_156, %dma_wait3A_157] : memref<10240x128xf32, #tpu.memory_space<vmem_shared>> -> memref<10240x128xf32, #tpu.memory_space<vmem_shared>>
          tpu.wait_indirect_dma semaphore(%run_scoped3A_138 : memref<!tpu.dma_semaphore, #tpu.memory_space<semaphore_mem>>) src(%dma_wait3A_152 : memref<128x128xf32, #tpu.memory_space<vmem>>) dst(%dma_wait3A_158 : memref<10240x128xf32, #tpu.memory_space<vmem_shared>>)
          tpu.yield
        }) : () -> ()
        %scan3A_137 = arith.constant 0 : i32
        scf.yield %scan3A_137 : i32
      }
      %scan3A_41 = arith.constant 22 : i32
      %dma_wait3A = arith.constant 44 : i32
      %dma_wait3A_42 = arith.constant 0 : i32
      %dma_wait3A_43 = arith.constant 0 : i32
      %dma_wait3A_44 = arith.constant 0 : i32
      %dma_wait3A_45 = tpu.memref_slice %arg10[%dma_wait3A_42, %dma_wait3A_43, %dma_wait3A_44] : memref<2x128x128xf32, #tpu.memory_space<vmem>> -> memref<1x128x128xf32, #tpu.memory_space<vmem>>
      %dma_wait3A_46 = tpu.memref_squeeze %dma_wait3A_45 : memref<1x128x128xf32, #tpu.memory_space<vmem>> -> memref<128x128xf32, #tpu.memory_space<vmem>>
      %dma_wait3A_47 = arith.constant 0 : i32
      %dma_wait3A_48 = tpu.memref_slice %arg8[%dma_wait3A, %dma_wait3A_47] : memref<56x128xi32, #tpu.memory_space<vmem>> -> memref<1x128xi32, #tpu.memory_space<vmem>>
      %dma_wait3A_49 = tpu.memref_squeeze %dma_wait3A_48 : memref<1x128xi32, #tpu.memory_space<vmem>> -> memref<128xi32, #tpu.memory_space<vmem>>
      %dma_wait3A_50 = arith.constant 0 : i32
      %dma_wait3A_51 = arith.constant 0 : i32
      %dma_wait3A_52 = tpu.memref_slice %arg2[%dma_wait3A_50, %dma_wait3A_51] : memref<10240x128xf32, #tpu.memory_space<hbm>> -> memref<10240x128xf32, #tpu.memory_space<hbm>>
      tpu.wait_indirect_dma semaphore(%arg12 : memref<!tpu.dma_semaphore, #tpu.memory_space<semaphore_mem>>) src(%dma_wait3A_52 : memref<10240x128xf32, #tpu.memory_space<hbm>>) dst(%dma_wait3A_46 : memref<128x128xf32, #tpu.memory_space<vmem>>)
      %dma_start3A_53 = arith.constant 45 : i32
      %dma_start3A_54 = arith.constant 1 : i32
      %dma_start3A_55 = arith.constant 0 : i32
      %dma_start3A_56 = arith.constant 0 : i32
      %dma_start3A_57 = tpu.memref_slice %arg10[%dma_start3A_54, %dma_start3A_55, %dma_start3A_56] : memref<2x128x128xf32, #tpu.memory_space<vmem>> -> memref<1x128x128xf32, #tpu.memory_space<vmem>>
      %dma_start3A_58 = tpu.memref_squeeze %dma_start3A_57 : memref<1x128x128xf32, #tpu.memory_space<vmem>> -> memref<128x128xf32, #tpu.memory_space<vmem>>
      %dma_start3A_59 = arith.constant 0 : i32
      %dma_start3A_60 = tpu.memref_slice %arg8[%dma_start3A_53, %dma_start3A_59] : memref<56x128xi32, #tpu.memory_space<vmem>> -> memref<1x128xi32, #tpu.memory_space<vmem>>
      %dma_start3A_61 = tpu.memref_squeeze %dma_start3A_60 : memref<1x128xi32, #tpu.memory_space<vmem>> -> memref<128xi32, #tpu.memory_space<vmem>>
      %dma_start3A_62 = arith.constant 0 : i32
      %dma_start3A_63 = arith.constant 0 : i32
      %dma_start3A_64 = tpu.memref_slice %arg2[%dma_start3A_62, %dma_start3A_63] : memref<10240x128xf32, #tpu.memory_space<hbm>> -> memref<10240x128xf32, #tpu.memory_space<hbm>>
      tpu.enqueue_indirect_dma source(%dma_start3A_64 : memref<10240x128xf32, #tpu.memory_space<hbm>>) target(%dma_start3A_58 : memref<128x128xf32, #tpu.memory_space<vmem>>) offsets(%dma_start3A_61 : memref<128xi32, #tpu.memory_space<vmem>>) semaphore(%arg13 : memref<!tpu.dma_semaphore, #tpu.memory_space<semaphore_mem>>)
      %run_scoped3A = arith.constant 0 : i32
      %run_scoped3A_65 = arith.constant 44 : i32
      "tpu.region"() ({
        %run_scoped3A_80 = tpu.sem_alloc : memref<!tpu.dma_semaphore, #tpu.memory_space<semaphore_mem>>
        %dma_start3A_81 = arith.constant 0 : i32
        %dma_start3A_82 = arith.constant 0 : i32
        %dma_start3A_83 = tpu.memref_slice %arg10[%run_scoped3A, %dma_start3A_81, %dma_start3A_82] : memref<2x128x128xf32, #tpu.memory_space<vmem>> -> memref<1x128x128xf32, #tpu.memory_space<vmem>>
        %dma_start3A_84 = tpu.memref_squeeze %dma_start3A_83 : memref<1x128x128xf32, #tpu.memory_space<vmem>> -> memref<128x128xf32, #tpu.memory_space<vmem>>
        %dma_start3A_85 = arith.constant 0 : i32
        %dma_start3A_86 = tpu.memref_slice %arg9[%run_scoped3A_65, %dma_start3A_85] : memref<56x128xi32, #tpu.memory_space<vmem>> -> memref<1x128xi32, #tpu.memory_space<vmem>>
        %dma_start3A_87 = tpu.memref_squeeze %dma_start3A_86 : memref<1x128xi32, #tpu.memory_space<vmem>> -> memref<128xi32, #tpu.memory_space<vmem>>
        %dma_start3A_88 = arith.constant 0 : i32
        %dma_start3A_89 = arith.constant 0 : i32
        %dma_start3A_90 = tpu.memref_slice %arg11[%dma_start3A_88, %dma_start3A_89] : memref<10240x128xf32, #tpu.memory_space<vmem_shared>> -> memref<10240x128xf32, #tpu.memory_space<vmem_shared>>
        tpu.enqueue_indirect_dma source(%dma_start3A_84 : memref<128x128xf32, #tpu.memory_space<vmem>>) target(%dma_start3A_90 : memref<10240x128xf32, #tpu.memory_space<vmem_shared>>) offsets(%dma_start3A_87 : memref<128xi32, #tpu.memory_space<vmem>>) semaphore(%run_scoped3A_80 : memref<!tpu.dma_semaphore, #tpu.memory_space<semaphore_mem>>) {add = true}
        %dma_wait3A_91 = arith.constant 0 : i32
        %dma_wait3A_92 = arith.constant 0 : i32
        %dma_wait3A_93 = tpu.memref_slice %arg10[%run_scoped3A, %dma_wait3A_91, %dma_wait3A_92] : memref<2x128x128xf32, #tpu.memory_space<vmem>> -> memref<1x128x128xf32, #tpu.memory_space<vmem>>
        %dma_wait3A_94 = tpu.memref_squeeze %dma_wait3A_93 : memref<1x128x128xf32, #tpu.memory_space<vmem>> -> memref<128x128xf32, #tpu.memory_space<vmem>>
        %dma_wait3A_95 = arith.constant 0 : i32
        %dma_wait3A_96 = tpu.memref_slice %arg9[%run_scoped3A_65, %dma_wait3A_95] : memref<56x128xi32, #tpu.memory_space<vmem>> -> memref<1x128xi32, #tpu.memory_space<vmem>>
        %dma_wait3A_97 = tpu.memref_squeeze %dma_wait3A_96 : memref<1x128xi32, #tpu.memory_space<vmem>> -> memref<128xi32, #tpu.memory_space<vmem>>
        %dma_wait3A_98 = arith.constant 0 : i32
        %dma_wait3A_99 = arith.constant 0 : i32
        %dma_wait3A_100 = tpu.memref_slice %arg11[%dma_wait3A_98, %dma_wait3A_99] : memref<10240x128xf32, #tpu.memory_space<vmem_shared>> -> memref<10240x128xf32, #tpu.memory_space<vmem_shared>>
        tpu.wait_indirect_dma semaphore(%run_scoped3A_80 : memref<!tpu.dma_semaphore, #tpu.memory_space<semaphore_mem>>) src(%dma_wait3A_94 : memref<128x128xf32, #tpu.memory_space<vmem>>) dst(%dma_wait3A_100 : memref<10240x128xf32, #tpu.memory_space<vmem_shared>>)
        tpu.yield
      }) : () -> ()
      %dma_wait3A_66 = arith.constant 45 : i32
      %dma_wait3A_67 = arith.constant 1 : i32
      %dma_wait3A_68 = arith.constant 0 : i32
      %dma_wait3A_69 = arith.constant 0 : i32
      %dma_wait3A_70 = tpu.memref_slice %arg10[%dma_wait3A_67, %dma_wait3A_68, %dma_wait3A_69] : memref<2x128x128xf32, #tpu.memory_space<vmem>> -> memref<1x128x128xf32, #tpu.memory_space<vmem>>
      %dma_wait3A_71 = tpu.memref_squeeze %dma_wait3A_70 : memref<1x128x128xf32, #tpu.memory_space<vmem>> -> memref<128x128xf32, #tpu.memory_space<vmem>>
      %dma_wait3A_72 = arith.constant 0 : i32
      %dma_wait3A_73 = tpu.memref_slice %arg8[%dma_wait3A_66, %dma_wait3A_72] : memref<56x128xi32, #tpu.memory_space<vmem>> -> memref<1x128xi32, #tpu.memory_space<vmem>>
      %dma_wait3A_74 = tpu.memref_squeeze %dma_wait3A_73 : memref<1x128xi32, #tpu.memory_space<vmem>> -> memref<128xi32, #tpu.memory_space<vmem>>
      %dma_wait3A_75 = arith.constant 0 : i32
      %dma_wait3A_76 = arith.constant 0 : i32
      %dma_wait3A_77 = tpu.memref_slice %arg2[%dma_wait3A_75, %dma_wait3A_76] : memref<10240x128xf32, #tpu.memory_space<hbm>> -> memref<10240x128xf32, #tpu.memory_space<hbm>>
      tpu.wait_indirect_dma semaphore(%arg13 : memref<!tpu.dma_semaphore, #tpu.memory_space<semaphore_mem>>) src(%dma_wait3A_77 : memref<10240x128xf32, #tpu.memory_space<hbm>>) dst(%dma_wait3A_71 : memref<128x128xf32, #tpu.memory_space<vmem>>)
      %run_scoped3A_78 = arith.constant 1 : i32
      %run_scoped3A_79 = arith.constant 45 : i32
      "tpu.region"() ({
        %run_scoped3A_80 = tpu.sem_alloc : memref<!tpu.dma_semaphore, #tpu.memory_space<semaphore_mem>>
        %dma_start3A_81 = arith.constant 0 : i32
        %dma_start3A_82 = arith.constant 0 : i32
        %dma_start3A_83 = tpu.memref_slice %arg10[%run_scoped3A_78, %dma_start3A_81, %dma_start3A_82] : memref<2x128x128xf32, #tpu.memory_space<vmem>> -> memref<1x128x128xf32, #tpu.memory_space<vmem>>
        %dma_start3A_84 = tpu.memref_squeeze %dma_start3A_83 : memref<1x128x128xf32, #tpu.memory_space<vmem>> -> memref<128x128xf32, #tpu.memory_space<vmem>>
        %dma_start3A_85 = arith.constant 0 : i32
        %dma_start3A_86 = tpu.memref_slice %arg9[%run_scoped3A_79, %dma_start3A_85] : memref<56x128xi32, #tpu.memory_space<vmem>> -> memref<1x128xi32, #tpu.memory_space<vmem>>
        %dma_start3A_87 = tpu.memref_squeeze %dma_start3A_86 : memref<1x128xi32, #tpu.memory_space<vmem>> -> memref<128xi32, #tpu.memory_space<vmem>>
        %dma_start3A_88 = arith.constant 0 : i32
        %dma_start3A_89 = arith.constant 0 : i32
        %dma_start3A_90 = tpu.memref_slice %arg11[%dma_start3A_88, %dma_start3A_89] : memref<10240x128xf32, #tpu.memory_space<vmem_shared>> -> memref<10240x128xf32, #tpu.memory_space<vmem_shared>>
        tpu.enqueue_indirect_dma source(%dma_start3A_84 : memref<128x128xf32, #tpu.memory_space<vmem>>) target(%dma_start3A_90 : memref<10240x128xf32, #tpu.memory_space<vmem_shared>>) offsets(%dma_start3A_87 : memref<128xi32, #tpu.memory_space<vmem>>) semaphore(%run_scoped3A_80 : memref<!tpu.dma_semaphore, #tpu.memory_space<semaphore_mem>>) {add = true}
        %dma_wait3A_91 = arith.constant 0 : i32
        %dma_wait3A_92 = arith.constant 0 : i32
        %dma_wait3A_93 = tpu.memref_slice %arg10[%run_scoped3A_78, %dma_wait3A_91, %dma_wait3A_92] : memref<2x128x128xf32, #tpu.memory_space<vmem>> -> memref<1x128x128xf32, #tpu.memory_space<vmem>>
        %dma_wait3A_94 = tpu.memref_squeeze %dma_wait3A_93 : memref<1x128x128xf32, #tpu.memory_space<vmem>> -> memref<128x128xf32, #tpu.memory_space<vmem>>
        %dma_wait3A_95 = arith.constant 0 : i32
        %dma_wait3A_96 = tpu.memref_slice %arg9[%run_scoped3A_79, %dma_wait3A_95] : memref<56x128xi32, #tpu.memory_space<vmem>> -> memref<1x128xi32, #tpu.memory_space<vmem>>
        %dma_wait3A_97 = tpu.memref_squeeze %dma_wait3A_96 : memref<1x128xi32, #tpu.memory_space<vmem>> -> memref<128xi32, #tpu.memory_space<vmem>>
        %dma_wait3A_98 = arith.constant 0 : i32
        %dma_wait3A_99 = arith.constant 0 : i32
        %dma_wait3A_100 = tpu.memref_slice %arg11[%dma_wait3A_98, %dma_wait3A_99] : memref<10240x128xf32, #tpu.memory_space<vmem_shared>> -> memref<10240x128xf32, #tpu.memory_space<vmem_shared>>
        tpu.wait_indirect_dma semaphore(%run_scoped3A_80 : memref<!tpu.dma_semaphore, #tpu.memory_space<semaphore_mem>>) src(%dma_wait3A_94 : memref<128x128xf32, #tpu.memory_space<vmem>>) dst(%dma_wait3A_100 : memref<10240x128xf32, #tpu.memory_space<vmem_shared>>)
        tpu.yield
      }) : () -> ()
    } else {
    }
    %barrier3A_20 = arith.constant 0 : index
    tpu.barrier barrier_id(%barrier3A_20)
    %mul3A = arith.constant 640 : i32
    %mul3A_21 = arith.muli %arg1, %mul3A : i32
    %mul3A_22 = arith.constant 640 : i32
    %mul3A_23 = arith.muli %arg1, %mul3A_22 : i32
    "tpu.region"() ({
      %run_scoped3A = tpu.sem_alloc : memref<!tpu.dma_semaphore, #tpu.memory_space<semaphore_mem>>
      %dma_start3A = arith.constant 0 : i32
      %dma_start3A_24 = tpu.memref_slice %arg7[%arg0, %mul3A_23, %dma_start3A] : memref<2x10240x128xf32, #tpu.memory_space<hbm>> -> memref<1x640x128xf32, #tpu.memory_space<hbm>>
      %dma_start3A_25 = tpu.memref_squeeze %dma_start3A_24 : memref<1x640x128xf32, #tpu.memory_space<hbm>> -> memref<640x128xf32, #tpu.memory_space<hbm>>
      %dma_start3A_26 = arith.constant 0 : i32
      %dma_start3A_27 = tpu.memref_slice %arg11[%mul3A_21, %dma_start3A_26] : memref<10240x128xf32, #tpu.memory_space<vmem_shared>> -> memref<640x128xf32, #tpu.memory_space<vmem_shared>>
      tpu.enqueue_dma source(%dma_start3A_27 : memref<640x128xf32, #tpu.memory_space<vmem_shared>>) target(%dma_start3A_25 : memref<640x128xf32, #tpu.memory_space<hbm>>) target_semaphore(%run_scoped3A : memref<!tpu.dma_semaphore, #tpu.memory_space<semaphore_mem>>)
      %dma_wait3A = arith.constant 0 : i32
      %dma_wait3A_28 = tpu.memref_slice %arg7[%arg0, %mul3A_23, %dma_wait3A] : memref<2x10240x128xf32, #tpu.memory_space<hbm>> -> memref<1x640x128xf32, #tpu.memory_space<hbm>>
      %dma_wait3A_29 = tpu.memref_squeeze %dma_wait3A_28 : memref<1x640x128xf32, #tpu.memory_space<hbm>> -> memref<640x128xf32, #tpu.memory_space<hbm>>
      %dma_wait3A_30 = arith.constant 0 : i32
      %dma_wait3A_31 = tpu.memref_slice %arg11[%mul3A_21, %dma_wait3A_30] : memref<10240x128xf32, #tpu.memory_space<vmem_shared>> -> memref<640x128xf32, #tpu.memory_space<vmem_shared>>
      tpu.wait_dma2 semaphore(%run_scoped3A : memref<!tpu.dma_semaphore, #tpu.memory_space<semaphore_mem>>) src(%dma_wait3A_31 : memref<640x128xf32, #tpu.memory_space<vmem_shared>>) dst(%dma_wait3A_29 : memref<640x128xf32, #tpu.memory_space<hbm>>)
      tpu.yield
    }) : () -> ()
    return
  }
}

module attributes {stable_mosaic.version = 14 : i64} {
  func.func @_scale_body(%arg0: i32, %arg1: memref<2x2048xf32, #tpu.memory_space<vmem>>, %arg2: memref<2048x128xf32, #tpu.memory_space<vmem>>, %arg3: memref<2048x128xf32, #tpu.memory_space<vmem>>) attributes {dimension_semantics = [#tpu.dimension_semantics<arbitrary>], iteration_bounds = array<i64: 5>, scalar_prefetch = 0 : i64, scratch_operands = 0 : i64, tpu.core_type = #tpu.core_type<tc>, window_params = [{transform_indices = @transform_0, window_bounds = array<i64: 2, 2048>}, {transform_indices = @transform_1, window_bounds = array<i64: 2048, 128>}, {transform_indices = @transform_2, window_bounds = array<i64: 2048, 128>}]} {
    %get3A = arith.constant 0 : index
    %get3A_0 = arith.constant 0 : index
    %get3A_1 = vector.load %arg1[%get3A, %get3A_0] : memref<2x2048xf32, #tpu.memory_space<vmem>>, vector<1x2048xf32>
    %get3A_2 = vector.shape_cast %get3A_1 : vector<1x2048xf32> to vector<2048xf32>
    %get3A_3 = arith.constant 1 : index
    %get3A_4 = arith.constant 0 : index
    %get3A_5 = vector.load %arg1[%get3A_3, %get3A_4] : memref<2x2048xf32, #tpu.memory_space<vmem>>, vector<1x2048xf32>
    %get3A_6 = vector.shape_cast %get3A_5 : vector<1x2048xf32> to vector<2048xf32>
    %add3A = arith.addf %get3A_2, %get3A_6 : vector<2048xf32>
    %add3A_7 = arith.constant 1.000000e+00 : f32
    %add3A_8 = vector.broadcast %add3A_7 : f32 to vector<2048xf32>
    %add3A_9 = arith.addf %add3A, %add3A_8 : vector<2048xf32>
    %get3A_10 = arith.constant 0 : index
    %get3A_11 = arith.constant 0 : index
    %get3A_12 = vector.load %arg2[%get3A_10, %get3A_11] : memref<2048x128xf32, #tpu.memory_space<vmem>>, vector<2048x128xf32>
    %rsqrt3A = math.rsqrt %add3A_9 : vector<2048xf32>
    %broadcast_in_dim3A = vector.shape_cast %rsqrt3A : vector<2048xf32> to vector<2048x1xf32>
    %mul3A = vector.broadcast %broadcast_in_dim3A : vector<2048x1xf32> to vector<2048x128xf32>
    %mul3A_13 = arith.mulf %get3A_12, %mul3A : vector<2048x128xf32>
    %swap3A = arith.constant 0 : index
    %swap3A_14 = arith.constant 0 : index
    %swap3A_15 = vector.load %arg3[%swap3A, %swap3A_14] : memref<2048x128xf32, #tpu.memory_space<vmem>>, vector<2048x128xf32>
    tpu.vector_store %arg3[%swap3A, %swap3A_14], %mul3A_13 {strides = array<i32>} : memref<2048x128xf32, #tpu.memory_space<vmem>>, vector<2048x128xf32>,
    return
  }
  func.func @transform_0(%arg0: i32) -> (i32, i32) {
    %c0_i32 = arith.constant 0 : i32
    %c0_i32_0 = arith.constant 0 : i32
    return %c0_i32, %arg0 : i32, i32
  }
  func.func @transform_1(%arg0: i32) -> (i32, i32) {
    %c0_i32 = arith.constant 0 : i32
    %c0_i32_0 = arith.constant 0 : i32
    return %arg0, %c0_i32 : i32, i32
  }
  func.func @transform_2(%arg0: i32) -> (i32, i32) {
    %c0_i32 = arith.constant 0 : i32
    %c0_i32_0 = arith.constant 0 : i32
    return %arg0, %c0_i32 : i32, i32
  }
}

module attributes {stable_mosaic.version = 14 : i64} {
  func.func @_dense_body(%arg0: i32, %arg1: memref<2x512xf32, #tpu.memory_space<vmem>>, %arg2: memref<2x512x128xf32, #tpu.memory_space<vmem>>, %arg3: memref<512x128xf32, #tpu.memory_space<vmem>>, %arg4: memref<512x128xf32, #tpu.memory_space<vmem>>, %arg5: memref<128x128xf32, #tpu.memory_space<vmem>>, %arg6: memref<128x128xf32, #tpu.memory_space<vmem>>, %arg7: memref<128x128xf32, #tpu.memory_space<vmem>>, %arg8: memref<256x128xf32, #tpu.memory_space<vmem>>, %arg9: memref<256x128xf32, #tpu.memory_space<vmem>>, %arg10: memref<256x128xf32, #tpu.memory_space<vmem>>, %arg11: memref<128x128xf32, #tpu.memory_space<vmem>>, %arg12: memref<1x128xf32, #tpu.memory_space<vmem>>, %arg13: memref<1x128xf32, #tpu.memory_space<vmem>>, %arg14: memref<1x128xf32, #tpu.memory_space<vmem>>, %arg15: memref<1x128xf32, #tpu.memory_space<vmem>>, %arg16: memref<1x128xf32, #tpu.memory_space<vmem>>, %arg17: memref<1x128xf32, #tpu.memory_space<vmem>>, %arg18: memref<1x128xf32, #tpu.memory_space<vmem>>, %arg19: memref<512x128xf32, #tpu.memory_space<vmem>>, %arg20: memref<512x128xf32, #tpu.memory_space<vmem>>) attributes {dimension_semantics = [#tpu.dimension_semantics<arbitrary>], iteration_bounds = array<i64: 20>, scalar_prefetch = 0 : i64, scratch_operands = 0 : i64, tpu.core_type = #tpu.core_type<tc>, window_params = [{transform_indices = @transform_0, window_bounds = array<i64: 2, 512>}, {transform_indices = @transform_1, window_bounds = array<i64: 2, 512, 128>}, {transform_indices = @transform_2, window_bounds = array<i64: 512, 128>}, {transform_indices = @transform_3, window_bounds = array<i64: 512, 128>}, {pipeline_mode = #tpu.pipeline_mode<synchronous>, transform_indices = @transform_4, window_bounds = array<i64: 128, 128>}, {pipeline_mode = #tpu.pipeline_mode<synchronous>, transform_indices = @transform_5, window_bounds = array<i64: 128, 128>}, {pipeline_mode = #tpu.pipeline_mode<synchronous>, transform_indices = @transform_6, window_bounds = array<i64: 128, 128>}, {pipeline_mode = #tpu.pipeline_mode<synchronous>, transform_indices = @transform_7, window_bounds = array<i64: 256, 128>}, {pipeline_mode = #tpu.pipeline_mode<synchronous>, transform_indices = @transform_8, window_bounds = array<i64: 256, 128>}, {pipeline_mode = #tpu.pipeline_mode<synchronous>, transform_indices = @transform_9, window_bounds = array<i64: 256, 128>}, {pipeline_mode = #tpu.pipeline_mode<synchronous>, transform_indices = @transform_10, window_bounds = array<i64: 128, 128>}, {pipeline_mode = #tpu.pipeline_mode<synchronous>, transform_indices = @transform_11, window_bounds = array<i64: 1, 128>}, {pipeline_mode = #tpu.pipeline_mode<synchronous>, transform_indices = @transform_12, window_bounds = array<i64: 1, 128>}, {pipeline_mode = #tpu.pipeline_mode<synchronous>, transform_indices = @transform_13, window_bounds = array<i64: 1, 128>}, {pipeline_mode = #tpu.pipeline_mode<synchronous>, transform_indices = @transform_14, window_bounds = array<i64: 1, 128>}, {pipeline_mode = #tpu.pipeline_mode<synchronous>, transform_indices = @transform_15, window_bounds = array<i64: 1, 128>}, {pipeline_mode = #tpu.pipeline_mode<synchronous>, transform_indices = @transform_16, window_bounds = array<i64: 1, 128>}, {pipeline_mode = #tpu.pipeline_mode<synchronous>, transform_indices = @transform_17, window_bounds = array<i64: 1, 128>}, {transform_indices = @transform_18, window_bounds = array<i64: 512, 128>}, {transform_indices = @transform_19, window_bounds = array<i64: 512, 128>}]} {
    %get3A = arith.constant 0 : index
    %get3A_0 = arith.constant 0 : index
    %get3A_1 = vector.load %arg1[%get3A, %get3A_0] : memref<2x512xf32, #tpu.memory_space<vmem>>, vector<1x512xf32>
    %get3A_2 = vector.shape_cast %get3A_1 : vector<1x512xf32> to vector<512xf32>
    %get3A_3 = arith.constant 1 : index
    %get3A_4 = arith.constant 0 : index
    %get3A_5 = vector.load %arg1[%get3A_3, %get3A_4] : memref<2x512xf32, #tpu.memory_space<vmem>>, vector<1x512xf32>
    %get3A_6 = vector.shape_cast %get3A_5 : vector<1x512xf32> to vector<512xf32>
    %add3A = arith.addf %get3A_2, %get3A_6 : vector<512xf32>
    %add3A_7 = arith.constant 1.000000e+00 : f32
    %add3A_8 = vector.broadcast %add3A_7 : f32 to vector<512xf32>
    %add3A_9 = arith.addf %add3A, %add3A_8 : vector<512xf32>
    %rsqrt3A = math.rsqrt %add3A_9 : vector<512xf32>
    %broadcast_in_dim3A = vector.shape_cast %rsqrt3A : vector<512xf32> to vector<512x1xf32>
    %get3A_10 = arith.constant 0 : index
    %get3A_11 = arith.constant 0 : index
    %get3A_12 = arith.constant 0 : index
    %get3A_13 = vector.load %arg2[%get3A_10, %get3A_11, %get3A_12] : memref<2x512x128xf32, #tpu.memory_space<vmem>>, vector<1x512x128xf32>
    %get3A_14 = vector.shape_cast %get3A_13 : vector<1x512x128xf32> to vector<512x128xf32>
    %get3A_15 = arith.constant 1 : index
    %get3A_16 = arith.constant 0 : index
    %get3A_17 = arith.constant 0 : index
    %get3A_18 = vector.load %arg2[%get3A_15, %get3A_16, %get3A_17] : memref<2x512x128xf32, #tpu.memory_space<vmem>>, vector<1x512x128xf32>
    %get3A_19 = vector.shape_cast %get3A_18 : vector<1x512x128xf32> to vector<512x128xf32>
    %add3A_20 = arith.addf %get3A_14, %get3A_19 : vector<512x128xf32>
    %get3A_21 = arith.constant 0 : index
    %get3A_22 = arith.constant 0 : index
    %get3A_23 = vector.load %arg3[%get3A_21, %get3A_22] : memref<512x128xf32, #tpu.memory_space<vmem>>, vector<512x128xf32>
    %add3A_24 = arith.addf %add3A_20, %get3A_23 : vector<512x128xf32>
    %mul3A = vector.broadcast %broadcast_in_dim3A : vector<512x1xf32> to vector<512x128xf32>
    %mul3A_25 = arith.mulf %mul3A, %add3A_24 : vector<512x128xf32>
    %convert_element_type3A = arith.truncf %mul3A_25 : vector<512x128xf32> to vector<512x128xbf16>
    %get3A_26 = arith.constant 0 : index
    %get3A_27 = arith.constant 0 : index
    %get3A_28 = vector.load %arg4[%get3A_26, %get3A_27] : memref<512x128xf32, #tpu.memory_space<vmem>>, vector<512x128xf32>
    %convert_element_type3A_29 = arith.truncf %get3A_28 : vector<512x128xf32> to vector<512x128xbf16>
    %get3A_30 = arith.constant 0 : index
    %get3A_31 = arith.constant 0 : index
    %get3A_32 = vector.load %arg8[%get3A_30, %get3A_31] : memref<256x128xf32, #tpu.memory_space<vmem>>, vector<256x128xf32>
    %get3A_33 = arith.constant 0 : index
    %get3A_34 = arith.constant 0 : index
    %get3A_35 = vector.load %arg9[%get3A_33, %get3A_34] : memref<256x128xf32, #tpu.memory_space<vmem>>, vector<256x128xf32>
    %get3A_36 = arith.constant 0 : index
    %get3A_37 = arith.constant 0 : index
    %get3A_38 = vector.load %arg10[%get3A_36, %get3A_37] : memref<256x128xf32, #tpu.memory_space<vmem>>, vector<256x128xf32>
    %get3A_39 = arith.constant 0 : index
    %get3A_40 = arith.constant 0 : index
    %get3A_41 = vector.load %arg5[%get3A_39, %get3A_40] : memref<128x128xf32, #tpu.memory_space<vmem>>, vector<128x128xf32>
    %convert_element_type3A_42 = arith.truncf %get3A_41 : vector<128x128xf32> to vector<128x128xbf16>
    %dot_general3A = arith.constant dense<0.000000e+00> : vector<512x128xf32>
    %dot_general3A_43 = tpu.matmul %convert_element_type3A, %convert_element_type3A_42, %dot_general3A {dimension_numbers = #tpu.dot_dimension_numbers<[1], [0], [0], [1], [0, 0, 1, 1], [], []>, transpose_lhs_hint = false} : vector<512x128xbf16>, vector<128x128xbf16>, vector<512x128xf32> -> vector<512x128xf32>
    %get3A_44 = arith.constant 0 : index
    %get3A_45 = arith.constant 0 : index
    %get3A_46 = vector.load %arg12[%get3A_44, %get3A_45] : memref<1x128xf32, #tpu.memory_space<vmem>>, vector<1x128xf32>
    %add3A_47 = vector.broadcast %get3A_46 : vector<1x128xf32> to vector<512x128xf32>
    %add3A_48 = arith.addf %dot_general3A_43, %add3A_47 : vector<512x128xf32>
    %convert_element_type3A_49 = arith.truncf %add3A_48 : vector<512x128xf32> to vector<512x128xbf16>
    %slice3A = vector.extract_strided_slice %get3A_32 {offsets = [0, 0], sizes = [128, 128], strides = [1, 1]} : vector<256x128xf32> to vector<128x128xf32>
    %convert_element_type3A_50 = arith.truncf %slice3A : vector<128x128xf32> to vector<128x128xbf16>
    %dot_general3A_51 = arith.constant dense<0.000000e+00> : vector<512x128xf32>
    %dot_general3A_52 = tpu.matmul %convert_element_type3A_49, %convert_element_type3A_50, %dot_general3A_51 {dimension_numbers = #tpu.dot_dimension_numbers<[1], [0], [0], [1], [0, 0, 1, 1], [], []>, transpose_lhs_hint = false} : vector<512x128xbf16>, vector<128x128xbf16>, vector<512x128xf32> -> vector<512x128xf32>
    %slice3A_53 = vector.extract_strided_slice %get3A_32 {offsets = [128, 0], sizes = [128, 128], strides = [1, 1]} : vector<256x128xf32> to vector<128x128xf32>
    %convert_element_type3A_54 = arith.truncf %slice3A_53 : vector<128x128xf32> to vector<128x128xbf16>
    %dot_general3A_55 = arith.constant dense<0.000000e+00> : vector<512x128xf32>
    %dot_general3A_56 = tpu.matmul %convert_element_type3A_29, %convert_element_type3A_54, %dot_general3A_55 {dimension_numbers = #tpu.dot_dimension_numbers<[1], [0], [0], [1], [0, 0, 1, 1], [], []>, transpose_lhs_hint = false} : vector<512x128xbf16>, vector<128x128xbf16>, vector<512x128xf32> -> vector<512x128xf32>
    %add3A_57 = arith.addf %dot_general3A_52, %dot_general3A_56 : vector<512x128xf32>
    %get3A_58 = arith.constant 0 : index
    %get3A_59 = arith.constant 0 : index
    %get3A_60 = vector.load %arg15[%get3A_58, %get3A_59] : memref<1x128xf32, #tpu.memory_space<vmem>>, vector<1x128xf32>
    %add3A_61 = vector.broadcast %get3A_60 : vector<1x128xf32> to vector<512x128xf32>
    %add3A_62 = arith.addf %add3A_57, %add3A_61 : vector<512x128xf32>
    %logistic3A = arith.negf %add3A_62 : vector<512x128xf32>
    %logistic3A_63 = math.exp %logistic3A : vector<512x128xf32>
    %logistic3A_64 = arith.constant 1.000000e+00 : f32
    %logistic3A_65 = vector.broadcast %logistic3A_64 : f32 to vector<512x128xf32>
    %logistic3A_66 = arith.addf %logistic3A_65, %logistic3A_63 : vector<512x128xf32>
    %logistic3A_67 = arith.divf %logistic3A_65, %logistic3A_66 : vector<512x128xf32>
    %get3A_68 = arith.constant 0 : index
    %get3A_69 = arith.constant 0 : index
    %get3A_70 = vector.load %arg6[%get3A_68, %get3A_69] : memref<128x128xf32, #tpu.memory_space<vmem>>, vector<128x128xf32>
    %convert_element_type3A_71 = arith.truncf %get3A_70 : vector<128x128xf32> to vector<128x128xbf16>
    %dot_general3A_72 = arith.constant dense<0.000000e+00> : vector<512x128xf32>
    %dot_general3A_73 = tpu.matmul %convert_element_type3A, %convert_element_type3A_71, %dot_general3A_72 {dimension_numbers = #tpu.dot_dimension_numbers<[1], [0], [0], [1], [0, 0, 1, 1], [], []>, transpose_lhs_hint = false} : vector<512x128xbf16>, vector<128x128xbf16>, vector<512x128xf32> -> vector<512x128xf32>
    %get3A_74 = arith.constant 0 : index
    %get3A_75 = arith.constant 0 : index
    %get3A_76 = vector.load %arg13[%get3A_74, %get3A_75] : memref<1x128xf32, #tpu.memory_space<vmem>>, vector<1x128xf32>
    %add3A_77 = vector.broadcast %get3A_76 : vector<1x128xf32> to vector<512x128xf32>
    %add3A_78 = arith.addf %dot_general3A_73, %add3A_77 : vector<512x128xf32>
    %convert_element_type3A_79 = arith.truncf %add3A_78 : vector<512x128xf32> to vector<512x128xbf16>
    %slice3A_80 = vector.extract_strided_slice %get3A_35 {offsets = [0, 0], sizes = [128, 128], strides = [1, 1]} : vector<256x128xf32> to vector<128x128xf32>
    %convert_element_type3A_81 = arith.truncf %slice3A_80 : vector<128x128xf32> to vector<128x128xbf16>
    %dot_general3A_82 = arith.constant dense<0.000000e+00> : vector<512x128xf32>
    %dot_general3A_83 = tpu.matmul %convert_element_type3A_79, %convert_element_type3A_81, %dot_general3A_82 {dimension_numbers = #tpu.dot_dimension_numbers<[1], [0], [0], [1], [0, 0, 1, 1], [], []>, transpose_lhs_hint = false} : vector<512x128xbf16>, vector<128x128xbf16>, vector<512x128xf32> -> vector<512x128xf32>
    %slice3A_84 = vector.extract_strided_slice %get3A_35 {offsets = [128, 0], sizes = [128, 128], strides = [1, 1]} : vector<256x128xf32> to vector<128x128xf32>
    %convert_element_type3A_85 = arith.truncf %slice3A_84 : vector<128x128xf32> to vector<128x128xbf16>
    %dot_general3A_86 = arith.constant dense<0.000000e+00> : vector<512x128xf32>
    %dot_general3A_87 = tpu.matmul %convert_element_type3A_29, %convert_element_type3A_85, %dot_general3A_86 {dimension_numbers = #tpu.dot_dimension_numbers<[1], [0], [0], [1], [0, 0, 1, 1], [], []>, transpose_lhs_hint = false} : vector<512x128xbf16>, vector<128x128xbf16>, vector<512x128xf32> -> vector<512x128xf32>
    %add3A_88 = arith.addf %dot_general3A_83, %dot_general3A_87 : vector<512x128xf32>
    %get3A_89 = arith.constant 0 : index
    %get3A_90 = arith.constant 0 : index
    %get3A_91 = vector.load %arg16[%get3A_89, %get3A_90] : memref<1x128xf32, #tpu.memory_space<vmem>>, vector<1x128xf32>
    %add3A_92 = vector.broadcast %get3A_91 : vector<1x128xf32> to vector<512x128xf32>
    %add3A_93 = arith.addf %add3A_88, %add3A_92 : vector<512x128xf32>
    %logistic3A_94 = arith.negf %add3A_93 : vector<512x128xf32>
    %logistic3A_95 = math.exp %logistic3A_94 : vector<512x128xf32>
    %logistic3A_96 = arith.constant 1.000000e+00 : f32
    %logistic3A_97 = vector.broadcast %logistic3A_96 : f32 to vector<512x128xf32>
    %logistic3A_98 = arith.addf %logistic3A_97, %logistic3A_95 : vector<512x128xf32>
    %logistic3A_99 = arith.divf %logistic3A_97, %logistic3A_98 : vector<512x128xf32>
    %get3A_100 = arith.constant 0 : index
    %get3A_101 = arith.constant 0 : index
    %get3A_102 = vector.load %arg7[%get3A_100, %get3A_101] : memref<128x128xf32, #tpu.memory_space<vmem>>, vector<128x128xf32>
    %convert_element_type3A_103 = arith.truncf %get3A_102 : vector<128x128xf32> to vector<128x128xbf16>
    %dot_general3A_104 = arith.constant dense<0.000000e+00> : vector<512x128xf32>
    %dot_general3A_105 = tpu.matmul %convert_element_type3A, %convert_element_type3A_103, %dot_general3A_104 {dimension_numbers = #tpu.dot_dimension_numbers<[1], [0], [0], [1], [0, 0, 1, 1], [], []>, transpose_lhs_hint = false} : vector<512x128xbf16>, vector<128x128xbf16>, vector<512x128xf32> -> vector<512x128xf32>
    %get3A_106 = arith.constant 0 : index
    %get3A_107 = arith.constant 0 : index
    %get3A_108 = vector.load %arg14[%get3A_106, %get3A_107] : memref<1x128xf32, #tpu.memory_space<vmem>>, vector<1x128xf32>
    %add3A_109 = vector.broadcast %get3A_108 : vector<1x128xf32> to vector<512x128xf32>
    %add3A_110 = arith.addf %dot_general3A_105, %add3A_109 : vector<512x128xf32>
    %convert_element_type3A_111 = arith.truncf %add3A_110 : vector<512x128xf32> to vector<512x128xbf16>
    %slice3A_112 = vector.extract_strided_slice %get3A_38 {offsets = [0, 0], sizes = [128, 128], strides = [1, 1]} : vector<256x128xf32> to vector<128x128xf32>
    %convert_element_type3A_113 = arith.truncf %slice3A_112 : vector<128x128xf32> to vector<128x128xbf16>
    %dot_general3A_114 = arith.constant dense<0.000000e+00> : vector<512x128xf32>
    %dot_general3A_115 = tpu.matmul %convert_element_type3A_111, %convert_element_type3A_113, %dot_general3A_114 {dimension_numbers = #tpu.dot_dimension_numbers<[1], [0], [0], [1], [0, 0, 1, 1], [], []>, transpose_lhs_hint = false} : vector<512x128xbf16>, vector<128x128xbf16>, vector<512x128xf32> -> vector<512x128xf32>
    %mul3A_116 = arith.mulf %get3A_28, %logistic3A_99 : vector<512x128xf32>
    %convert_element_type3A_117 = arith.truncf %mul3A_116 : vector<512x128xf32> to vector<512x128xbf16>
    %slice3A_118 = vector.extract_strided_slice %get3A_38 {offsets = [128, 0], sizes = [128, 128], strides = [1, 1]} : vector<256x128xf32> to vector<128x128xf32>
    %convert_element_type3A_119 = arith.truncf %slice3A_118 : vector<128x128xf32> to vector<128x128xbf16>
    %dot_general3A_120 = arith.constant dense<0.000000e+00> : vector<512x128xf32>
    %dot_general3A_121 = tpu.matmul %convert_element_type3A_117, %convert_element_type3A_119, %dot_general3A_120 {dimension_numbers = #tpu.dot_dimension_numbers<[1], [0], [0], [1], [0, 0, 1, 1], [], []>, transpose_lhs_hint = false} : vector<512x128xbf16>, vector<128x128xbf16>, vector<512x128xf32> -> vector<512x128xf32>
    %add3A_122 = arith.addf %dot_general3A_115, %dot_general3A_121 : vector<512x128xf32>
    %get3A_123 = arith.constant 0 : index
    %get3A_124 = arith.constant 0 : index
    %get3A_125 = vector.load %arg17[%get3A_123, %get3A_124] : memref<1x128xf32, #tpu.memory_space<vmem>>, vector<1x128xf32>
    %add3A_126 = vector.broadcast %get3A_125 : vector<1x128xf32> to vector<512x128xf32>
    %add3A_127 = arith.addf %add3A_122, %add3A_126 : vector<512x128xf32>
    %tanh3A = math.tanh %add3A_127 : vector<512x128xf32>
    %mul3A_128 = arith.mulf %logistic3A_67, %get3A_28 : vector<512x128xf32>
    %sub3A = arith.constant 1.000000e+00 : f32
    %sub3A_129 = vector.broadcast %sub3A : f32 to vector<512x128xf32>
    %sub3A_130 = arith.subf %sub3A_129, %logistic3A_67 : vector<512x128xf32>
    %mul3A_131 = arith.mulf %sub3A_130, %tanh3A : vector<512x128xf32>
    %add3A_132 = arith.addf %mul3A_128, %mul3A_131 : vector<512x128xf32>
    %swap3A = arith.constant 0 : index
    %swap3A_133 = arith.constant 0 : index
    %swap3A_134 = vector.load %arg20[%swap3A, %swap3A_133] : memref<512x128xf32, #tpu.memory_space<vmem>>, vector<512x128xf32>
    tpu.vector_store %arg20[%swap3A, %swap3A_133], %add3A_132 {strides = array<i32>} : memref<512x128xf32, #tpu.memory_space<vmem>>, vector<512x128xf32>,
    %max3A = arith.constant 0.000000e+00 : f32
    %max3A_135 = vector.broadcast %max3A : f32 to vector<512x128xf32>
    %max3A_136 = arith.maximumf %add3A_132, %max3A_135 : vector<512x128xf32>
    %convert_element_type3A_137 = arith.truncf %max3A_136 : vector<512x128xf32> to vector<512x128xbf16>
    %get3A_138 = arith.constant 0 : index
    %get3A_139 = arith.constant 0 : index
    %get3A_140 = vector.load %arg11[%get3A_138, %get3A_139] : memref<128x128xf32, #tpu.memory_space<vmem>>, vector<128x128xf32>
    %convert_element_type3A_141 = arith.truncf %get3A_140 : vector<128x128xf32> to vector<128x128xbf16>
    %dot_general3A_142 = arith.constant dense<0.000000e+00> : vector<512x128xf32>
    %dot_general3A_143 = tpu.matmul %convert_element_type3A_137, %convert_element_type3A_141, %dot_general3A_142 {dimension_numbers = #tpu.dot_dimension_numbers<[1], [0], [0], [1], [0, 0, 1, 1], [], []>, transpose_lhs_hint = false} : vector<512x128xbf16>, vector<128x128xbf16>, vector<512x128xf32> -> vector<512x128xf32>
    %get3A_144 = arith.constant 0 : index
    %get3A_145 = arith.constant 0 : index
    %get3A_146 = vector.load %arg18[%get3A_144, %get3A_145] : memref<1x128xf32, #tpu.memory_space<vmem>>, vector<1x128xf32>
    %add3A_147 = vector.broadcast %get3A_146 : vector<1x128xf32> to vector<512x128xf32>
    %add3A_148 = arith.addf %dot_general3A_143, %add3A_147 : vector<512x128xf32>
    %swap3A_149 = arith.constant 0 : index
    %swap3A_150 = arith.constant 0 : index
    %swap3A_151 = vector.load %arg19[%swap3A_149, %swap3A_150] : memref<512x128xf32, #tpu.memory_space<vmem>>, vector<512x128xf32>
    tpu.vector_store %arg19[%swap3A_149, %swap3A_150], %add3A_148 {strides = array<i32>} : memref<512x128xf32, #tpu.memory_space<vmem>>, vector<512x128xf32>,
    return
  }
  func.func @transform_0(%arg0: i32) -> (i32, i32) {
    %c0_i32 = arith.constant 0 : i32
    %c0_i32_0 = arith.constant 0 : i32
    return %c0_i32, %arg0 : i32, i32
  }
  func.func @transform_1(%arg0: i32) -> (i32, i32, i32) {
    %c0_i32 = arith.constant 0 : i32
    %c0_i32_0 = arith.constant 0 : i32
    %c0_i32_1 = arith.constant 0 : i32
    return %c0_i32, %arg0, %c0_i32_0 : i32, i32, i32
  }
  func.func @transform_2(%arg0: i32) -> (i32, i32) {
    %c0_i32 = arith.constant 0 : i32
    %c0_i32_0 = arith.constant 0 : i32
    return %arg0, %c0_i32 : i32, i32
  }
  func.func @transform_3(%arg0: i32) -> (i32, i32) {
    %c0_i32 = arith.constant 0 : i32
    %c0_i32_0 = arith.constant 0 : i32
    return %arg0, %c0_i32 : i32, i32
  }
  func.func @transform_4(%arg0: i32) -> (i32, i32) {
    %c0_i32 = arith.constant 0 : i32
    %c0_i32_0 = arith.constant 0 : i32
    %c0_i32_1 = arith.constant 0 : i32
    return %c0_i32, %c0_i32_0 : i32, i32
  }
  func.func @transform_5(%arg0: i32) -> (i32, i32) {
    %c0_i32 = arith.constant 0 : i32
    %c0_i32_0 = arith.constant 0 : i32
    %c0_i32_1 = arith.constant 0 : i32
    return %c0_i32, %c0_i32_0 : i32, i32
  }
  func.func @transform_6(%arg0: i32) -> (i32, i32) {
    %c0_i32 = arith.constant 0 : i32
    %c0_i32_0 = arith.constant 0 : i32
    %c0_i32_1 = arith.constant 0 : i32
    return %c0_i32, %c0_i32_0 : i32, i32
  }
  func.func @transform_7(%arg0: i32) -> (i32, i32) {
    %c0_i32 = arith.constant 0 : i32
    %c0_i32_0 = arith.constant 0 : i32
    %c0_i32_1 = arith.constant 0 : i32
    return %c0_i32, %c0_i32_0 : i32, i32
  }
  func.func @transform_8(%arg0: i32) -> (i32, i32) {
    %c0_i32 = arith.constant 0 : i32
    %c0_i32_0 = arith.constant 0 : i32
    %c0_i32_1 = arith.constant 0 : i32
    return %c0_i32, %c0_i32_0 : i32, i32
  }
  func.func @transform_9(%arg0: i32) -> (i32, i32) {
    %c0_i32 = arith.constant 0 : i32
    %c0_i32_0 = arith.constant 0 : i32
    %c0_i32_1 = arith.constant 0 : i32
    return %c0_i32, %c0_i32_0 : i32, i32
  }
  func.func @transform_10(%arg0: i32) -> (i32, i32) {
    %c0_i32 = arith.constant 0 : i32
    %c0_i32_0 = arith.constant 0 : i32
    %c0_i32_1 = arith.constant 0 : i32
    return %c0_i32, %c0_i32_0 : i32, i32
  }
  func.func @transform_11(%arg0: i32) -> (i32, i32) {
    %c0_i32 = arith.constant 0 : i32
    %c0_i32_0 = arith.constant 0 : i32
    %c0_i32_1 = arith.constant 0 : i32
    return %c0_i32, %c0_i32_0 : i32, i32
  }
  func.func @transform_12(%arg0: i32) -> (i32, i32) {
    %c0_i32 = arith.constant 0 : i32
    %c0_i32_0 = arith.constant 0 : i32
    %c0_i32_1 = arith.constant 0 : i32
    return %c0_i32, %c0_i32_0 : i32, i32
  }
  func.func @transform_13(%arg0: i32) -> (i32, i32) {
    %c0_i32 = arith.constant 0 : i32
    %c0_i32_0 = arith.constant 0 : i32
    %c0_i32_1 = arith.constant 0 : i32
    return %c0_i32, %c0_i32_0 : i32, i32
  }
  func.func @transform_14(%arg0: i32) -> (i32, i32) {
    %c0_i32 = arith.constant 0 : i32
    %c0_i32_0 = arith.constant 0 : i32
    %c0_i32_1 = arith.constant 0 : i32
    return %c0_i32, %c0_i32_0 : i32, i32
  }
  func.func @transform_15(%arg0: i32) -> (i32, i32) {
    %c0_i32 = arith.constant 0 : i32
    %c0_i32_0 = arith.constant 0 : i32
    %c0_i32_1 = arith.constant 0 : i32
    return %c0_i32, %c0_i32_0 : i32, i32
  }
  func.func @transform_16(%arg0: i32) -> (i32, i32) {
    %c0_i32 = arith.constant 0 : i32
    %c0_i32_0 = arith.constant 0 : i32
    %c0_i32_1 = arith.constant 0 : i32
    return %c0_i32, %c0_i32_0 : i32, i32
  }
  func.func @transform_17(%arg0: i32) -> (i32, i32) {
    %c0_i32 = arith.constant 0 : i32
    %c0_i32_0 = arith.constant 0 : i32
    %c0_i32_1 = arith.constant 0 : i32
    return %c0_i32, %c0_i32_0 : i32, i32
  }
  func.func @transform_18(%arg0: i32) -> (i32, i32) {
    %c0_i32 = arith.constant 0 : i32
    %c0_i32_0 = arith.constant 0 : i32
    return %arg0, %c0_i32 : i32, i32
  }
  func.func @transform_19(%arg0: i32) -> (i32, i32) {
    %c0_i32 = arith.constant 0 : i32
    %c0_i32_0 = arith.constant 0 : i32
    return %arg0, %c0_i32 : i32, i32
  }
}

</mosaic_0001>

<sc_bundles>
// kernel: kernel.6.cloned.1.call-start
scs
__scs_entry_jumppad:
0x0: {  	(pc) =	sbr.rel $0x88, $3  }
0x1: {  	(tag) =	ssettag $0x0;
	lr =	simm.s32 $0x1  }
0x2: {  	[smem:$0x3F8F] =	sst lr;
	_ =	strace $0xD0000000  }
0x3: {  	_ = 	snop  }
0x4: {  	_ = 	snop  }
0x5: {  	_ = 	snop  }
0x6: {  	_ = 	snop  }
0x7: {  	_ = 	snop  }
__scs_overlays_trampoline_lowered:
0x8: {  	[smem:$0x3F9E] =	sst s0  }
0x9: {  	[smem:$0x3F9F] =	sst s1  }
0xa: {  	[smem:$0x3FA0] =	sst s2  }
0xb: {  	[smem:$0x3FA1] =	sst s3  }
0xc: {  	[smem:$0x3FA2] =	sst s4  }
0xd: {  	[smem:$0x3FA3] =	sst s5  }
0xe: {  	[smem:$0x3FA4] =	sst s6  }
0xf: {  	[smem:$0x3FA5] =	sst s7  }
0x10: {  	[smem:$0x3FA6] =	sst s8  }
0x11: {  	[smem:$0x3FA7] =	sst s9;
	s0 =	simm.s32 @!p0 $0x0  }
0x12: {  	s1 =	sld [smem:$0x3F8D];
	s0 =	simm.s32 @p0 $0x1  }
0x13: {  	[smem:$0x3FA8] =	sst s0;
	s0 =	simm.s32 @!p1 $0x0  }
0x14: {  	s2 =	sld [smem:$0x3F8C];
	s0 =	simm.s32 @p1 $0x1  }
0x15: {  	[smem:$0x3FA9] =	sst s0;
	s0 =	simm.s32 @!p2 $0x0  }
0x16: {  	s3 =	sld [smem:$0x3FDB];
	s0 =	simm.s32 @p2 $0x1  }
0x17: {  	s4 =	simm.s32 $0x1BF5;
	[smem:$0x3FAB] =	sst s0  }
0x18: {  	s0 =	sld [smem:$0x3F8E];
	_ =	swait.ge [sflag:s4], $0x0  }
0x19: {  	s7 =	sld [smem:$0x3F8F]  }
0x1a: {  	s8 =	sadd.s32 $0xFFFFE003, lr  }
0x1b: {  	s9 =	sadd.s32 $0xFFFFFEF7, lr;
	s5 =	simm.s32 $0xFFFFFFFF;
	p2 =	slt.u32 s8, $0xFFFFF086  }
0x1c: {  	p1 =	slt.u32 s9, $0xF7A;
	s5 =	simm.s32 @!p2 $0x0  }
0x1d: {  	s5 =	simm.s32 @p1 $0x1;
	p0 =	seq.s32 s7, s2  }
0x1e: {  	s7 =	smul.u32 @!p0 $0xF7A, s2;
	p2 =	seq.s32 @!p0 s5, $0x0  }
0x1f: {  	s9 =	smul.u32 $0xF7A, s1;
	s8 =	simm.s32 @!p0 $0x1BF5;
	p2 =	por !p2, p0  }
0x20: {  	[sflag:s8] =	ssyncset.s32 @!p0 $0xFFFFF086;
	s6 =	sadd.s32 @!p0 s3, s7;
	s7 =	simm.s32 @!p0 $0x108  }
0x21: {  	s3 =	sadd.s32 s3, s9;
	s6 =	sadd.s32 @!p0 $0x88, s6;
	s7 =	simm.s32 @p2 $0x1082  }
0x22: {  	[simem:s7], [sflag:s8] =	dma.local @!p0 [hbm:s6], $0xF7A  }
0x23: {  	s9 =	sor.u32 $0xD0000000, s2;
	s6 =	simm.s32 $0x108;
	_ =	swait.ge @!p0 [sflag:s8], $0x0  }
0x24: {  	s3 =	sadd.s32 $0x88, s3;
	s6 =	simm.s32 @!p1 $0x1082;
	[sflag:s4] =	ssyncset.s32 $0xFFFFF086  }
0x25: {  	[simem:s6], [sflag:s4] =	dma.local [hbm:s3], $0xF7A  }
0x26: {  	[smem:$0x3F8F] =	sst s1;
	(tag) =	ssettag s2;
	_ =	strace s9  }
0x27: {  	s1 =	sld [smem:$0x3F9F]  }
0x28: {  	s2 =	sld [smem:$0x3FA0]  }
0x29: {  	s4 =	sld [smem:$0x3FA2]  }
0x2a: {  	p0 =	seq.s32 s5, $0x0;
	s5 =	sld [smem:$0x3FA3]  }
0x2b: {  	s6 =	sld [smem:$0x3FA4]  }
0x2c: {  	s7 =	sld [smem:$0x3FA5]  }
0x2d: {  	s3 =	simm.s32 $0x108;
	s8 =	sld [smem:$0x3FA6]  }
0x2e: {  	s3 =	simm.s32 @!p0 $0x1082;
	s9 =	sld [smem:$0x3FA7]  }
0x2f: {  	lr =	sadd.s32 s0, s3;
	s0 =	sld [smem:$0x3F9E]  }
0x30: {  	s3 =	sld [smem:$0x3FA1]  }
0x31: {  	[smem:$0x3FAA] =	sst s10  }
0x32: {  	s10 =	sld [smem:$0x3FA8];
	_ =	sdelay $0x3  }
0x33: {  	p0 =	seq.s32 s10, $0x1;
	s10 =	sld [smem:$0x3FAA];
	_ =	sdelay $0x3  }
0x34: {  	[smem:$0x3FAA] =	sst s10  }
0x35: {  	s10 =	sld [smem:$0x3FA9];
	_ =	sdelay $0x3  }
0x36: {  	p1 =	seq.s32 s10, $0x1;
	s10 =	sld [smem:$0x3FAA];
	_ =	sdelay $0x3  }
0x37: {  	[smem:$0x3FAA] =	sst s10  }
0x38: {  	s10 =	sld [smem:$0x3FAB]  }
0x39: {  	_ = 	snop;
	(pc) =	sbr.ind lr, $3  }
0x3a: {  	_ = 	snop  }
0x3b: {  	_ = 	snop  }
0x3c: {  	p2 =	seq.s32 s10, $0x1;
	s10 =	sld [smem:$0x3FAA]  }
0x3d: {  	_ =	shalt  }
0x3e: {  	_ =	shalt  }
0x3f: {  	_ =	shalt  }
0x40: {  	_ =	shalt  }
0x41: {  	_ =	shalt  }
0x42: {  	_ =	shalt  }
0x43: {  	_ =	shalt  }
0x44: {  	_ =	shalt  }
0x45: {  	_ =	shalt  }
0x46: {  	_ =	shalt  }
0x47: {  	_ =	shalt  }
0x48: {  	_ =	shalt  }
0x49: {  	_ =	shalt  }
0x4a: {  	_ =	shalt  }
0x4b: {  	_ =	shalt  }
0x4c: {  	_ =	shalt  }
0x4d: {  	_ =	shalt  }
0x4e: {  	_ =	shalt  }
0x4f: {  	_ =	shalt  }
0x50: {  	_ =	shalt  }
0x51: {  	_ =	shalt  }
0x52: {  	_ =	shalt  }
0x53: {  	_ =	shalt  }
0x54: {  	_ =	shalt  }
0x55: {  	_ =	shalt  }
0x56: {  	_ =	shalt  }
0x57: {  	_ =	shalt  }
0x58: {  	_ =	shalt  }
0x59: {  	_ =	shalt  }
0x5a: {  	_ =	shalt  }
0x5b: {  	_ =	shalt  }
0x5c: {  	_ =	shalt  }
0x5d: {  	_ =	shalt  }
0x5e: {  	_ =	shalt  }
0x5f: {  	_ =	shalt  }
0x60: {  	_ =	shalt  }
0x61: {  	_ =	shalt  }
0x62: {  	_ =	shalt  }
0x63: {  	_ =	shalt  }
0x64: {  	_ =	shalt  }
0x65: {  	_ =	shalt  }
0x66: {  	_ =	shalt  }
0x67: {  	_ =	shalt  }
0x68: {  	_ =	shalt  }
0x69: {  	_ =	shalt  }
0x6a: {  	_ =	shalt  }
0x6b: {  	_ =	shalt  }
0x6c: {  	_ =	shalt  }
0x6d: {  	_ =	shalt  }
0x6e: {  	_ =	shalt  }
0x6f: {  	_ =	shalt  }
0x70: {  	_ =	shalt  }
0x71: {  	_ =	shalt  }
0x72: {  	_ =	shalt  }
0x73: {  	_ =	shalt  }
0x74: {  	_ =	shalt  }
0x75: {  	_ =	shalt  }
0x76: {  	_ =	shalt  }
0x77: {  	_ =	shalt  }
0x78: {  	_ =	shalt  }
0x79: {  	_ =	shalt  }
0x7a: {  	_ =	shalt  }
0x7b: {  	_ =	shalt  }
0x7c: {  	_ =	shalt  }
0x7d: {  	_ =	shalt  }
0x7e: {  	_ =	shalt  }
0x7f: {  	_ =	shalt  }
0x80: {  	_ =	shalt  }
0x81: {  	_ =	shalt  }
0x82: {  	_ =	shalt  }
0x83: {  	_ =	shalt  }
0x84: {  	_ =	shalt  }
0x85: {  	_ =	shalt  }
0x86: {  	_ =	shalt  }
0x87: {  	_ =	shalt  }
.Lfunc_end0:
.L_simem_size_0:
called_computation_lowered:
.L_overlay_start_0:
0x88: {  	s2 =	sld [smem:$0x3FD9]  }
0x89: {  	s3 =	sld [smem:$0x3FFE];
	_ =	sdelay $0x1  }
0x8a: {  	s1 =	srdreg.scid  }
0x8b: {  	s0 =	sand.u32 $0x1, s1  }
0x8c: {  	s14 =	sshll.u32 s0, $0xA;
	s2 =	sadd.s32 s3, s2  }
0x8d: {  	s2 =	sadd.s32 s2, s14  }
0x8e: {  	[smem:$0x3FB6] =	sst s2  }
0x8f: {  	_ = 	snop  }
0x90: {  	s2 =	sld [smem:$0x3FD0];
	_ =	sdelay $0x2  }
0x91: {  	s15 =	simm.s32 $0xA;
	s4 =	simm.s32 $0x10  }
0x92: {  	[smem:s4], [sflag:s15] =	dma.local [hbm:s2], $0x1  }
0x93: {  	_ =	swait.eq [sflag:s15], $0x1  }
0x94: {  	[sflag:s15] =	ssyncset.done $0x0  }
0x95: {  	[sflag:s15] =	ssyncadd.s32 $0xFFFFFFFF  }
0x96: {  	s16 =	sld [smem:$0x11];
	(tm) =	ssettm $0x1  }
0x97: {  	s17 =	sld [smem:$0x3FFB];
	_ =	sdelay $0x3  }
0x98: {  	_ =	strace s17  }
0x99: {  	s3 =	sld [smem:$0x3FFC];
	_ =	sdelay $0x3  }
0x9a: {  	_ =	strace s3  }
0x9b: {  	s3 =	sld [smem:$0x3FFD];
	_ =	sdelay $0x3  }
0x9c: {  	_ =	strace s3  }
0x9d: {  	_ =	strace $0x8FFFFFFF  }
0x9e: {  	s18 =	sld [smem:$0x3FDB];
	_ =	sdelay $0x1  }
0x9f: {  	s19 =	simm.s32 $_scs_section_size  }
0xa0: {  	s5 =	simm.s32 $_size__tile_overlayer_lowered;
	s6 =	simm.s32 $_tile_overlayer_lowered  }
0xa1: {  	s22 =	simm.s32 $0x1BFF;
	s21 =	sshll.u32 s6, $0x1;
	s3 =	sadd.s32 s19, s18  }
0xa2: {  	s7 =	simm.s32 $0x0;
	s20 =	sshll.u32 s5, $0x1;
	s5 =	sadd.s32 s21, s3  }
0xa3: {  	[timem:s7], [sflag:s22] =	dma.local [hbm:s5], s20  }
0xa4: {  	_ =	swait.ge [sflag:s22], s20  }
0xa5: {  	s4 =	ssub.s32 $0x0, s20;
	[sflag:s22] =	ssyncset.done $0x0  }
0xa6: {  	[sflag:s22] =	ssyncadd.s32 s4;
	_ =	sdelay $0x1  }
0xa7: {  	s23 =	simm.s32 $0x1B8B  }
0xa8: {  	_ =	swait.ge [sflag:s23], $0x1  }
0xa9: {  	[sflag:s23] =	ssyncset.done $0x0  }
0xaa: {  	s25 =	simm.s32 $0x1B8E;
	s24 =	sld [smem:$0x3FFE];
	[sflag:s23] =	ssyncadd.s32 $0xFFFFFFFF  }
0xab: {  	s26 =	simm.s32 $execute0_lowered;
	[smem:$0x3FD2] =	sst s25  }
0xac: {  	s5 =	sshll.u32 s26, $0x1;
	_ =	strace $0x80000046;
	[dreg:$0x1] =	wrdreg $0xFFFFFFFF  }
0xad: {  	s28 =	simm.s32 $_size_execute0_lowered;
	s3 =	sadd.s32 s3, s5;
	[dreg:$0x0] =	wrdreg $0x0  }
0xae: {  	s5 =	sshll.u32 s28, $0x1;
	[dreg:$0x2] =	wrdreg s3  }
0xaf: {  	[dreg:$0x3] =	wrdreg s5  }
0xb0: {  	[dreg:$0x4] =	wrdreg $0xC0  }
0xb1: {  	_ =	task [dreg:s7], $0x5FFFF  }
0xb2: {  	[dreg:$0x1] =	wrdreg $0xFFFFFFFF  }
0xb3: {  	[dreg:$0x0] =	wrdreg $0x60  }
0xb4: {  	[dreg:$0x2] =	wrdreg s16  }
0xb5: {  	[dreg:$0x3] =	wrdreg s24  }
0xb6: {  	[dreg:$0x4] =	wrdreg $0x3B000  }
0xb7: {  	[dreg:$0x5] =	wrdreg $0x9  }
0xb8: {  	_ =	task.clear_ibuf [dreg:s7], $0x6FFFF;
	_ =	strace $0x90000046  }
0xb9: {  	s29 =	simm.s32 $0x9;
	_ =	strace $0x80000048  }
0xba: {  	_ =	swait.ge [sflag:s29], $0x1  }
0xbb: {  	[sflag:s29] =	ssyncadd.s32 $0xFFFFFFFF  }
0xbc: {  	_ =	strace $0x90000048  }
0xbd: {  	_ =	sfence  }
0xbe: {  	s30 =	sld [smem:$0x0];
	_ =	sdelay $0x2  }
0xbf: {  	s31 =	sshll.u32 s1, $0xD;
	s1 =	sshrl.u32 s1, $0x2  }
0xc0: {  	s3 =	sand.u32 $0x4000, s31;
	s1 =	sadd.s32 s1, s30  }
0xc1: {  	s0 =	sor.u32 s3, s0;
	s1 =	sshll.u32 s1, $0x11  }
0xc2: {  	s0 =	sor.u32 s1, s0  }
0xc3: {  	s0 =	sadd.s32 $0x8F2B, s0  }
0xc4: {  	[sflag:s0] =	ssyncadd.remote.s32 $0x1  }
0xc5: {  	_ =	sfence.sel $0xFFFF  }
0xc6: {  	[dreg:$0x0] =	wrdreg $0xFFFFFFFF;
	(pc) =	sbr.abs _section_cstart, $3  }
0xc7: {  	[dreg:$0x1] =	wrdreg $0xFFFFFFFF  }
0xc8: {  	_ =	task.clear_ibuf [dreg:s7], $0x2FFFF;
	_ =	strace $0x9FFFFFFF  }
0xc9: {  	(tm) =	ssettm $0x7FFFFFFF  }
tec
execute0_lowered:
.L_overlay_start_1:
0x0: {  	(tag) =	ssettag $0x1  }
0x1: {  	s5 =	rddreg [dreg:$0x0]  }
0x2: {  	s4 =	rddreg [dreg:$0x1]  }
0x3: {  	s2 =	rddreg [dreg:$0x2];
	s1 =	stileid.u32  }
0x4: {  	s0 =	rddreg [dreg:$0x3];
	s6 =	smul.u32 $0x300, s1  }
0x5: {  	s3 =	simm.s32 $0x0;
	s7 =	srdreg.scid;
	s8 =	smul.u32 $0x500, s1  }
0x6: {  	s15 =	simm.s32 $0x20;
	s16 =	simm.s32 $0x10;
	s10 =	smul.u32 $0xA00, s1  }
0x7: {  	[smem:$0x7FF] =	sst s3;
	s7 =	sand.u32 $0x1, s7;
	s12 =	smul.u32 $0x700, s1  }
0x8: {  	s13 =	sshll.u32 s1, $0x6;
	_ =	strace $0x80000047;
	s9 =	sshll.u32 s7, $0x7  }
0x9: {  	s30 =	ssub.s32 $0x2, s7;
	p0 =	seq.s32 s7, $0x1;
	s13 =	sor.u32 $0x1C01, s13  }
0xa: {  	s6 =	sadd.s32 s6, s4;
	s8 =	sor.u32 s9, s8;
	s11 =	sshrl.u32 s30, $0x1  }
.Ltmp0:
0xb: {  	s31 =	sshrl.u32 s10, $0x2;
	s5 =	sadd.s32 s5, s12;
	(pc) =	sbr.rel .LBB2_1-.Ltmp0, $4  }
0xc: {  	s10 =	simm.s32 $0x1;
	s12 =	simm.s32 $0x3800;
	s8 =	sshrl.u32 s8, $0x3  }
0xd: {  	s9 =	ssub.s32 s30, s11;
	s6 =	sadd.s32 $0x3E00, s6;
	s8 =	sadd.s32 s8, s4  }
0xe: {  	s11 =	simm.s32 $0x80;
	s4 =	sadd.s32 s31, s2;
	s7 =	sadd.s32 $0x6E00, s8  }
0xf: {  	v0 =	vimm.f32 $0.0e+00;
	v1 =	vimm.f32 $1.000000000e+00;
	s8 =	smax.u32 s9, $0x1;
	s9 =	simm.s32 $0x3880;
	s14 =	sshrl.u32 s4, $0x3  }
.LBB2_7:
0x10: {  	[sflag:s10] =	ssyncadd.s32 $0xFFFFFF80  }
.LBB2_8:
0x11: {  	s3 =	sadd.s32 $0x1, s3  }
0x12: {  	p1 =	sne.s32 s3, s8  }
.Ltmp1:
0x13: {  	[bflag:$0x0] =	sbarrier.arrive $0xFFFF;
	(pc) =	sbr.rel @!p1 .LBB2_9-.Ltmp1, $4  }
0x14: {  	[hbm:s7@s15], [sflag:s13] =	dma.strided [spmem:s14@s16], $0x50, s10, $0x10   }
0x15: {  	_ =	swait.ge [sflag:s10], $0x50  }
0x16: {  	[sflag:s10] =	ssyncset.done $0x0  }
0x17: {  	[sflag:s10] =	ssyncadd.s32 $0xFFFFFFB0  }
.LBB2_1:
0x18: {  	[tilespmem:$0x3880] =	vst v0  }
0x19: {  	[tilespmem:$0x3890] =	vst v0  }
0x1a: {  	[tilespmem:$0x38A0] =	vst v0  }
0x1b: {  	[tilespmem:$0x38B0] =	vst v0  }
0x1c: {  	[tilespmem:$0x38C0] =	vst v0  }
0x1d: {  	[tilespmem:$0x38D0] =	vst v0  }
0x1e: {  	[tilespmem:$0x38E0] =	vst v0  }
0x1f: {  	[tilespmem:$0x38F0] =	vst v0  }
0x20: {  	[tilespmem:$0x3900] =	vst v0  }
0x21: {  	[tilespmem:$0x3910] =	vst v0  }
0x22: {  	[tilespmem:$0x3920] =	vst v0  }
0x23: {  	[tilespmem:$0x3930] =	vst v0  }
0x24: {  	[tilespmem:$0x3940] =	vst v0  }
0x25: {  	[tilespmem:$0x3950] =	vst v0  }
0x26: {  	[tilespmem:$0x3960] =	vst v0  }
0x27: {  	[tilespmem:$0x3970] =	vst v0  }
0x28: {  	[tilespmem:$0x3980] =	vst v0  }
0x29: {  	[tilespmem:$0x3990] =	vst v0  }
0x2a: {  	[tilespmem:$0x39A0] =	vst v0  }
0x2b: {  	[tilespmem:$0x39B0] =	vst v0  }
0x2c: {  	[tilespmem:$0x39C0] =	vst v0  }
0x2d: {  	[tilespmem:$0x39D0] =	vst v0  }
0x2e: {  	[tilespmem:$0x39E0] =	vst v0  }
0x2f: {  	[tilespmem:$0x39F0] =	vst v0  }
0x30: {  	[tilespmem:$0x3A00] =	vst v0  }
0x31: {  	[tilespmem:$0x3A10] =	vst v0  }
0x32: {  	[tilespmem:$0x3A20] =	vst v0  }
0x33: {  	[tilespmem:$0x3A30] =	vst v0  }
0x34: {  	[tilespmem:$0x3A40] =	vst v0  }
0x35: {  	[tilespmem:$0x3A50] =	vst v0  }
0x36: {  	[tilespmem:$0x3A60] =	vst v0  }
0x37: {  	[tilespmem:$0x3A70] =	vst v0  }
0x38: {  	[tilespmem:$0x3A80] =	vst v0  }
0x39: {  	[tilespmem:$0x3A90] =	vst v0  }
0x3a: {  	[tilespmem:$0x3AA0] =	vst v0  }
0x3b: {  	[tilespmem:$0x3AB0] =	vst v0  }
0x3c: {  	[tilespmem:$0x3AC0] =	vst v0  }
0x3d: {  	[tilespmem:$0x3AD0] =	vst v0  }
0x3e: {  	[tilespmem:$0x3AE0] =	vst v0  }
0x3f: {  	[tilespmem:$0x3AF0] =	vst v0  }
0x40: {  	[tilespmem:$0x3800] =	vst v1  }
0x41: {  	[tilespmem:$0x3810] =	vst v1  }
0x42: {  	[tilespmem:$0x3820] =	vst v1  }
0x43: {  	[tilespmem:$0x3830] =	vst v1  }
0x44: {  	[tilespmem:$0x3840] =	vst v1  }
0x45: {  	[tilespmem:$0x3850] =	vst v1  }
0x46: {  	[tilespmem:$0x3860] =	vst v1  }
.Ltmp2:
0x47: {  	[tilespmem:$0x3870] =	vst v1;
	(pc) =	sbr.rel @!p0 .LBB2_2-.Ltmp2, $4  }
0x48: {  	[spmem:s4] =	stream.linear.scatter [tilespmem:s9], [sflag:$0x1], $0x280, $0x38;
	[tilespmem:$0x3D80] =	vst v63  }
0x49: {  	_ =	swait.ge [sflag:s10], $0x280  }
0x4a: {  	[sflag:s10] =	ssyncset.done $0x0  }
0x4b: {  	s17 =	simm.s32 $0x0;
	[sflag:s10] =	ssyncadd.s32 $0xFFFFFD80  }
0x4c: {  	[tilespmem:s17], [sflag:$0x1] =	stream.linear.gather [hbm4b:s6+s17], $0x1700, $0x38;
	[tilespmem:$0x3D80] =	vst v63  }
0x4d: {  	_ =	swait.ge [sflag:s10], $0x1700  }
0x4e: {  	[sflag:s10] =	ssyncset.done $0x0  }
0x4f: {  	[sflag:s10] =	ssyncadd.s32 $0xFFFFE900  }
0x50: {  	s31 =	simm.s32 $0x0;
	[bflag:$0x0] =	sbarrier.arrive $0xFFFF  }
0x51: {  	[spmem:s2] =	stream.indirect.scatter.add.f32 [tilespmem:s12], [sflag:$0x1], $0x1, s31, s11, $0xb8;
	[tilespmem:$0x3D80] =	vst v63  }
0x52: {  	_ =	swait.ge [sflag:s10], $0x80  }
0x53: {  	s17 =	simm.s32 $0x200;
	[sflag:s10] =	ssyncset.done $0x0  }
.LBB2_6:
0x54: {  	s18 =	sshra.s32 s17, $0x2;
	[sflag:s10] =	ssyncadd.s32 $0xFFFFFF80;
	p1 =	sne.s32 s17, $0x5A00  }
0x55: {  	[spmem:s2] =	stream.indirect.scatter.add.f32 [tilespmem:s12], [sflag:$0x1], $0x1, s18, s11, $0xb8;
	[tilespmem:$0x3D80] =	vst v63  }
.Ltmp3:
0x56: {  	_ = 	snop;
	(pc) =	sbr.rel @p1 .LBB2_6-.Ltmp3, $4  }
0x57: {  	_ = 	snop  }
0x58: {  	s17 =	sadd.s32 $0x200, s17  }
0x59: {  	_ =	swait.ge [sflag:s10], $0x80  }
0x5a: {  	[sflag:s10] =	ssyncset.done $0x0  }
.Ltmp4:
0x5b: {  	_ = 	snop;
	(pc) =	sbr.rel .LBB2_7-.Ltmp4, $1  }
0x5c: {  	_ =	sdelay $0x3  }
.LBB2_2:
0x5d: {  	[tilespmem:s17], [sflag:$0x1] =	stream.linear.gather [hbm4b:s5+s17], $0x3800, $0x38;
	[tilespmem:$0x3D80] =	vst v63  }
0x5e: {  	_ =	swait.ge [sflag:s10], $0x3800  }
0x5f: {  	[sflag:s10] =	ssyncset.done $0x0  }
0x60: {  	[sflag:s10] =	ssyncadd.s32 $0xFFFFC800  }
0x61: {  	s31 =	simm.s32 $0x0;
	[bflag:$0x0] =	sbarrier.arrive $0xFFFF  }
0x62: {  	[spmem:s2] =	stream.indirect.scatter.add.f32 [tilespmem:s12], [sflag:$0x1], $0x1, s31, s11, $0xb8;
	[tilespmem:$0x3D80] =	vst v63  }
0x63: {  	_ =	swait.ge [sflag:s10], $0x80  }
0x64: {  	s17 =	simm.s32 $0x200;
	[sflag:s10] =	ssyncset.done $0x0  }
.LBB2_3:
0x65: {  	s18 =	sshra.s32 s17, $0x2;
	[sflag:s10] =	ssyncadd.s32 $0xFFFFFF80;
	p1 =	seq.s32 s17, $0xDE00  }
0x66: {  	[spmem:s2] =	stream.indirect.scatter.add.f32 [tilespmem:s12], [sflag:$0x1], $0x1, s18, s11, $0xb8;
	[tilespmem:$0x3D80] =	vst v63  }
.Ltmp5:
0x67: {  	_ = 	snop;
	(pc) =	sbr.rel @!p1 .LBB2_3-.Ltmp5, $4  }
0x68: {  	_ = 	snop  }
0x69: {  	s17 =	sadd.s32 $0x200, s17  }
0x6a: {  	_ =	swait.ge [sflag:s10], $0x80  }
0x6b: {  	[sflag:s10] =	ssyncset.done $0x0  }
.Ltmp6:
0x6c: {  	(pc) =	sbr.rel .LBB2_8-.Ltmp6, $2  }
0x6d: {  	_ =	sdelay $0x2  }
0x6e: {  	[sflag:s10] =	ssyncadd.s32 $0xFFFFFF80  }
.LBB2_9:
0x6f: {  	_ =	sfence.sel $0x180000  }
0x70: {  	[bflag:$0x0] =	sbarrier.arrive $0xFFFF  }
0x71: {  	p0 =	sne.s32 s1, $0x0;
	_ =	strace $0x90000047  }
0x72: {  	s0 =	sadd.s32 @!p0 $0x100000, s0;
	[bflag:$0x2] =	sbarrier.arrive $0xFFFF  }
0x73: {  	[sflag:s0] =	ssyncadd.tile.s32 @!p0 $0x1;
	_ =	shalt  }
.Lfunc_end2:
_tile_overlayer_lowered:
.L_overlay_start_2:
0x74: {  	(tag) =	ssettag $0x2  }
0x75: {  	s0 =	rddreg [dreg:$0x0];
	s2 =	stileid.u32  }
0x76: {  	s1 =	rddreg [dreg:$0x1];
	p0 =	sne.s32 s2, $0x0  }
0x77: {  	s3 =	rddreg [dreg:$0x2];
	[bflag:$0x3] =	sbarrier.arrive $0xFFFF;
	s2 =	simm.s32 @!p0 $0x1C01  }
0x78: {  	[timem:s3], [sflag:s2] =	dma.local @!p0 [hbm:s0], s1  }
0x79: {  	s0 =	simm.s32 @!p0 $0x1  }
0x7a: {  	_ =	swait.ge @!p0 [sflag:s0], s1  }
0x7b: {  	s1 =	ssub.s32 @!p0 $0x0, s1;
	[sflag:s0] =	ssyncset.done @!p0 $0x0  }
0x7c: {  	[sflag:s0] =	ssyncadd.s32 @!p0 s1  }
0x7d: {  	[bflag:$0x3] =	sbarrier.arrive $0xFFFF  }
0x7e: {  	_ =	shalt  }

// kernel: kernel.9.cloned.1.call-start
scs
__scs_entry_jumppad:
0x0: {  	(pc) =	sbr.rel $0x88, $3  }
0x1: {  	(tag) =	ssettag $0x0;
	lr =	simm.s32 $0x1  }
0x2: {  	[smem:$0x3F8F] =	sst lr;
	_ =	strace $0xD0000000  }
0x3: {  	_ = 	snop  }
0x4: {  	_ = 	snop  }
0x5: {  	_ = 	snop  }
0x6: {  	_ = 	snop  }
0x7: {  	_ = 	snop  }
__scs_overlays_trampoline_lowered:
0x8: {  	[smem:$0x3F9E] =	sst s0  }
0x9: {  	[smem:$0x3F9F] =	sst s1  }
0xa: {  	[smem:$0x3FA0] =	sst s2  }
0xb: {  	[smem:$0x3FA1] =	sst s3  }
0xc: {  	[smem:$0x3FA2] =	sst s4  }
0xd: {  	[smem:$0x3FA3] =	sst s5  }
0xe: {  	[smem:$0x3FA4] =	sst s6  }
0xf: {  	[smem:$0x3FA5] =	sst s7  }
0x10: {  	[smem:$0x3FA6] =	sst s8  }
0x11: {  	[smem:$0x3FA7] =	sst s9;
	s0 =	simm.s32 @!p0 $0x0  }
0x12: {  	s1 =	sld [smem:$0x3F8D];
	s0 =	simm.s32 @p0 $0x1  }
0x13: {  	[smem:$0x3FA8] =	sst s0;
	s0 =	simm.s32 @!p1 $0x0  }
0x14: {  	s2 =	sld [smem:$0x3F8C];
	s0 =	simm.s32 @p1 $0x1  }
0x15: {  	[smem:$0x3FA9] =	sst s0;
	s0 =	simm.s32 @!p2 $0x0  }
0x16: {  	s3 =	sld [smem:$0x3FDB];
	s0 =	simm.s32 @p2 $0x1  }
0x17: {  	s4 =	simm.s32 $0x1BF5;
	[smem:$0x3FAB] =	sst s0  }
0x18: {  	s0 =	sld [smem:$0x3F8E];
	_ =	swait.ge [sflag:s4], $0x0  }
0x19: {  	s7 =	sld [smem:$0x3F8F]  }
0x1a: {  	s8 =	sadd.s32 $0xFFFFE003, lr  }
0x1b: {  	s9 =	sadd.s32 $0xFFFFFEF7, lr;
	s5 =	simm.s32 $0xFFFFFFFF;
	p2 =	slt.u32 s8, $0xFFFFF086  }
0x1c: {  	p1 =	slt.u32 s9, $0xF7A;
	s5 =	simm.s32 @!p2 $0x0  }
0x1d: {  	s5 =	simm.s32 @p1 $0x1;
	p0 =	seq.s32 s7, s2  }
0x1e: {  	s7 =	smul.u32 @!p0 $0xF7A, s2;
	p2 =	seq.s32 @!p0 s5, $0x0  }
0x1f: {  	s9 =	smul.u32 $0xF7A, s1;
	s8 =	simm.s32 @!p0 $0x1BF5;
	p2 =	por !p2, p0  }
0x20: {  	[sflag:s8] =	ssyncset.s32 @!p0 $0xFFFFF086;
	s6 =	sadd.s32 @!p0 s3, s7;
	s7 =	simm.s32 @!p0 $0x108  }
0x21: {  	s3 =	sadd.s32 s3, s9;
	s6 =	sadd.s32 @!p0 $0x88, s6;
	s7 =	simm.s32 @p2 $0x1082  }
0x22: {  	[simem:s7], [sflag:s8] =	dma.local @!p0 [hbm:s6], $0xF7A  }
0x23: {  	s9 =	sor.u32 $0xD0000000, s2;
	s6 =	simm.s32 $0x108;
	_ =	swait.ge @!p0 [sflag:s8], $0x0  }
0x24: {  	s3 =	sadd.s32 $0x88, s3;
	s6 =	simm.s32 @!p1 $0x1082;
	[sflag:s4] =	ssyncset.s32 $0xFFFFF086  }
0x25: {  	[simem:s6], [sflag:s4] =	dma.local [hbm:s3], $0xF7A  }
0x26: {  	[smem:$0x3F8F] =	sst s1;
	(tag) =	ssettag s2;
	_ =	strace s9  }
0x27: {  	s1 =	sld [smem:$0x3F9F]  }
0x28: {  	s2 =	sld [smem:$0x3FA0]  }
0x29: {  	s4 =	sld [smem:$0x3FA2]  }
0x2a: {  	p0 =	seq.s32 s5, $0x0;
	s5 =	sld [smem:$0x3FA3]  }
0x2b: {  	s6 =	sld [smem:$0x3FA4]  }
0x2c: {  	s7 =	sld [smem:$0x3FA5]  }
0x2d: {  	s3 =	simm.s32 $0x108;
	s8 =	sld [smem:$0x3FA6]  }
0x2e: {  	s3 =	simm.s32 @!p0 $0x1082;
	s9 =	sld [smem:$0x3FA7]  }
0x2f: {  	lr =	sadd.s32 s0, s3;
	s0 =	sld [smem:$0x3F9E]  }
0x30: {  	s3 =	sld [smem:$0x3FA1]  }
0x31: {  	[smem:$0x3FAA] =	sst s10  }
0x32: {  	s10 =	sld [smem:$0x3FA8];
	_ =	sdelay $0x3  }
0x33: {  	p0 =	seq.s32 s10, $0x1;
	s10 =	sld [smem:$0x3FAA];
	_ =	sdelay $0x3  }
0x34: {  	[smem:$0x3FAA] =	sst s10  }
0x35: {  	s10 =	sld [smem:$0x3FA9];
	_ =	sdelay $0x3  }
0x36: {  	p1 =	seq.s32 s10, $0x1;
	s10 =	sld [smem:$0x3FAA];
	_ =	sdelay $0x3  }
0x37: {  	[smem:$0x3FAA] =	sst s10  }
0x38: {  	s10 =	sld [smem:$0x3FAB]  }
0x39: {  	_ = 	snop;
	(pc) =	sbr.ind lr, $3  }
0x3a: {  	_ = 	snop  }
0x3b: {  	_ = 	snop  }
0x3c: {  	p2 =	seq.s32 s10, $0x1;
	s10 =	sld [smem:$0x3FAA]  }
0x3d: {  	_ =	shalt  }
0x3e: {  	_ =	shalt  }
0x3f: {  	_ =	shalt  }
0x40: {  	_ =	shalt  }
0x41: {  	_ =	shalt  }
0x42: {  	_ =	shalt  }
0x43: {  	_ =	shalt  }
0x44: {  	_ =	shalt  }
0x45: {  	_ =	shalt  }
0x46: {  	_ =	shalt  }
0x47: {  	_ =	shalt  }
0x48: {  	_ =	shalt  }
0x49: {  	_ =	shalt  }
0x4a: {  	_ =	shalt  }
0x4b: {  	_ =	shalt  }
0x4c: {  	_ =	shalt  }
0x4d: {  	_ =	shalt  }
0x4e: {  	_ =	shalt  }
0x4f: {  	_ =	shalt  }
0x50: {  	_ =	shalt  }
0x51: {  	_ =	shalt  }
0x52: {  	_ =	shalt  }
0x53: {  	_ =	shalt  }
0x54: {  	_ =	shalt  }
0x55: {  	_ =	shalt  }
0x56: {  	_ =	shalt  }
0x57: {  	_ =	shalt  }
0x58: {  	_ =	shalt  }
0x59: {  	_ =	shalt  }
0x5a: {  	_ =	shalt  }
0x5b: {  	_ =	shalt  }
0x5c: {  	_ =	shalt  }
0x5d: {  	_ =	shalt  }
0x5e: {  	_ =	shalt  }
0x5f: {  	_ =	shalt  }
0x60: {  	_ =	shalt  }
0x61: {  	_ =	shalt  }
0x62: {  	_ =	shalt  }
0x63: {  	_ =	shalt  }
0x64: {  	_ =	shalt  }
0x65: {  	_ =	shalt  }
0x66: {  	_ =	shalt  }
0x67: {  	_ =	shalt  }
0x68: {  	_ =	shalt  }
0x69: {  	_ =	shalt  }
0x6a: {  	_ =	shalt  }
0x6b: {  	_ =	shalt  }
0x6c: {  	_ =	shalt  }
0x6d: {  	_ =	shalt  }
0x6e: {  	_ =	shalt  }
0x6f: {  	_ =	shalt  }
0x70: {  	_ =	shalt  }
0x71: {  	_ =	shalt  }
0x72: {  	_ =	shalt  }
0x73: {  	_ =	shalt  }
0x74: {  	_ =	shalt  }
0x75: {  	_ =	shalt  }
0x76: {  	_ =	shalt  }
0x77: {  	_ =	shalt  }
0x78: {  	_ =	shalt  }
0x79: {  	_ =	shalt  }
0x7a: {  	_ =	shalt  }
0x7b: {  	_ =	shalt  }
0x7c: {  	_ =	shalt  }
0x7d: {  	_ =	shalt  }
0x7e: {  	_ =	shalt  }
0x7f: {  	_ =	shalt  }
0x80: {  	_ =	shalt  }
0x81: {  	_ =	shalt  }
0x82: {  	_ =	shalt  }
0x83: {  	_ =	shalt  }
0x84: {  	_ =	shalt  }
0x85: {  	_ =	shalt  }
0x86: {  	_ =	shalt  }
0x87: {  	_ =	shalt  }
.Lfunc_end0:
.L_simem_size_0:
called_computation.1_lowered:
.L_overlay_start_0:
0x88: {  	s2 =	sld [smem:$0x3FD9]  }
0x89: {  	s3 =	sld [smem:$0x3FFE];
	_ =	sdelay $0x1  }
0x8a: {  	s1 =	srdreg.scid  }
0x8b: {  	s0 =	sand.u32 $0x1, s1  }
0x8c: {  	s14 =	sshll.u32 s0, $0xA;
	s2 =	sadd.s32 s3, s2  }
0x8d: {  	s2 =	sadd.s32 s2, s14  }
0x8e: {  	[smem:$0x3FB6] =	sst s2  }
0x8f: {  	_ = 	snop  }
0x90: {  	s2 =	sld [smem:$0x3FD0];
	_ =	sdelay $0x2  }
0x91: {  	s15 =	simm.s32 $0xA;
	s4 =	simm.s32 $0x10  }
0x92: {  	[smem:s4], [sflag:s15] =	dma.local [hbm:s2], $0x1  }
0x93: {  	_ =	swait.eq [sflag:s15], $0x1  }
0x94: {  	[sflag:s15] =	ssyncset.done $0x0  }
0x95: {  	s16 =	sld [smem:$0x10];
	[sflag:s15] =	ssyncadd.s32 $0xFFFFFFFF  }
0x96: {  	s17 =	sld [smem:$0x11];
	(tm) =	ssettm $0x1  }
0x97: {  	s18 =	sld [smem:$0x3FFB];
	_ =	sdelay $0x3  }
0x98: {  	_ =	strace s18  }
0x99: {  	s4 =	sld [smem:$0x3FFC];
	_ =	sdelay $0x3  }
0x9a: {  	_ =	strace s4  }
0x9b: {  	s4 =	sld [smem:$0x3FFD];
	_ =	sdelay $0x3  }
0x9c: {  	_ =	strace s4  }
0x9d: {  	_ =	strace $0x8FFFFFFF  }
0x9e: {  	s19 =	sld [smem:$0x3FDB];
	_ =	sdelay $0x1  }
0x9f: {  	s5 =	simm.s32 $_scs_section_size  }
0xa0: {  	s6 =	simm.s32 $_size__tile_overlayer_lowered;
	s7 =	simm.s32 $_tile_overlayer_lowered  }
0xa1: {  	s22 =	simm.s32 $0x1BFF;
	s21 =	sshll.u32 s7, $0x1;
	s4 =	sadd.s32 s5, s19  }
0xa2: {  	s8 =	simm.s32 $0x0;
	s20 =	sshll.u32 s6, $0x1;
	s6 =	sadd.s32 s21, s4  }
0xa3: {  	[timem:s8], [sflag:s22] =	dma.local [hbm:s6], s20  }
0xa4: {  	_ =	swait.ge [sflag:s22], s20  }
0xa5: {  	s5 =	ssub.s32 $0x0, s20;
	[sflag:s22] =	ssyncset.done $0x0  }
0xa6: {  	[sflag:s22] =	ssyncadd.s32 s5;
	_ =	sdelay $0x1  }
0xa7: {  	s23 =	simm.s32 $0x1B8B  }
0xa8: {  	_ =	swait.ge [sflag:s23], $0x1  }
0xa9: {  	[sflag:s23] =	ssyncset.done $0x0  }
0xaa: {  	s25 =	simm.s32 $0x1B8E;
	s24 =	sld [smem:$0x3FFE];
	[sflag:s23] =	ssyncadd.s32 $0xFFFFFFFF  }
0xab: {  	s26 =	simm.s32 $execute0_lowered;
	[smem:$0x3FD2] =	sst s25  }
0xac: {  	s6 =	sshll.u32 s26, $0x1;
	_ =	strace $0x80000049;
	[dreg:$0x1] =	wrdreg $0xFFFFFFFF  }
0xad: {  	s28 =	simm.s32 $_size_execute0_lowered;
	s4 =	sadd.s32 s4, s6;
	[dreg:$0x0] =	wrdreg $0x0  }
0xae: {  	s6 =	sshll.u32 s28, $0x1;
	[dreg:$0x2] =	wrdreg s4  }
0xaf: {  	[dreg:$0x3] =	wrdreg s6  }
0xb0: {  	[dreg:$0x4] =	wrdreg $0xC0  }
0xb1: {  	_ =	task [dreg:s8], $0x5FFFF  }
0xb2: {  	[dreg:$0x1] =	wrdreg $0xFFFFFFFF  }
0xb3: {  	[dreg:$0x0] =	wrdreg $0x60  }
0xb4: {  	[dreg:$0x2] =	wrdreg s24  }
0xb5: {  	[dreg:$0x3] =	wrdreg s16  }
0xb6: {  	[dreg:$0x4] =	wrdreg s17  }
0xb7: {  	[dreg:$0x5] =	wrdreg $0xB8000  }
0xb8: {  	[dreg:$0x6] =	wrdreg $0x9  }
0xb9: {  	_ =	task.clear_ibuf [dreg:s8], $0x7FFFF;
	_ =	strace $0x90000049  }
0xba: {  	s29 =	simm.s32 $0x9;
	_ =	strace $0x8000004B  }
0xbb: {  	_ =	swait.ge [sflag:s29], $0x1  }
0xbc: {  	[sflag:s29] =	ssyncadd.s32 $0xFFFFFFFF  }
0xbd: {  	_ =	strace $0x9000004B  }
0xbe: {  	_ =	sfence  }
0xbf: {  	s30 =	sld [smem:$0x0];
	_ =	sdelay $0x2  }
0xc0: {  	s31 =	sshll.u32 s1, $0xD;
	s1 =	sshrl.u32 s1, $0x2  }
0xc1: {  	s3 =	sand.u32 $0x4000, s31;
	s1 =	sadd.s32 s1, s30  }
0xc2: {  	s0 =	sor.u32 s3, s0;
	s1 =	sshll.u32 s1, $0x11  }
0xc3: {  	s0 =	sor.u32 s1, s0  }
0xc4: {  	s0 =	sadd.s32 $0x8F2B, s0  }
0xc5: {  	[sflag:s0] =	ssyncadd.remote.s32 $0x1  }
0xc6: {  	_ =	sfence.sel $0xFFFF  }
0xc7: {  	[dreg:$0x0] =	wrdreg $0xFFFFFFFF;
	(pc) =	sbr.abs _section_cstart, $3  }
0xc8: {  	[dreg:$0x1] =	wrdreg $0xFFFFFFFF  }
0xc9: {  	_ =	task.clear_ibuf [dreg:s8], $0x2FFFF;
	_ =	strace $0x9FFFFFFF  }
0xca: {  	(tm) =	ssettm $0x7FFFFFFF  }
0xcb: {  	_ =	shalt  }
tec
execute0_lowered:
.L_overlay_start_1:
0x0: {  	(tag) =	ssettag $0x1  }
0x1: {  	s5 =	rddreg [dreg:$0x0]  }
0x2: {  	s8 =	rddreg [dreg:$0x1]  }
0x3: {  	s9 =	rddreg [dreg:$0x2];
	s0 =	stileid.u32  }
0x4: {  	s1 =	srdreg.scid;
	s2 =	rddreg [dreg:$0x3];
	s3 =	simm.s32 $0x0  }
0x5: {  	s18 =	simm.s32 $0x3800;
	s19 =	simm.s32 $0x3;
	s6 =	smul.u32 $0x300, s0  }
0x6: {  	s20 =	simm.s32 $0x1C00;
	s21 =	simm.s32 $0x80;
	s11 =	smul.u32 $0x14000, s0  }
0x7: {  	s22 =	simm.s32 $0x1;
	s28 =	simm.s32 $0x3780;
	s24 =	smul.u32 $0x50000, s0  }
0x8: {  	s7 =	sand.u32 $0x1, s1;
	s1 =	rddreg [dreg:$0x4];
	s13 =	smul.u32 $0x3800, s0  }
0x9: {  	[smem:$0x7FF] =	sst s3;
	s4 =	sadd.s32 $0xA800, s5;
	s10 =	smul.u32 $0x140000, s7  }
0xa: {  	_ =	strace $0x8000004A;
	s25 =	ssub.s32 $0x2, s7;
	p0 =	seq.s32 s7, $0x1  }
0xb: {  	s12 =	sadd.s32 s6, s5;
	s26 =	sshrl.u32 s25, $0x1;
	s29 =	sshrl.u32 s24, $0x2  }
0xc: {  	s30 =	sshrl.u32 s13, $0x3;
	s24 =	simm.s32 $0x2;
	s23 =	sadd.s32 s11, s10  }
0xd: {  	s15 =	ssub.s32 s25, s26;
	s31 =	sadd.s32 $0x380, s30;
	s7 =	sadd.s32 s9, s30  }
0xe: {  	s10 =	sadd.s32 $0x7800, s12;
	s11 =	sadd.s32 $0x3E00, s12;
	s25 =	simm.s32 $0x1B80  }
.Ltmp0:
0xf: {  	s26 =	simm.s32 $0x3700;
	s6 =	sshrl.u32 s23, $0x3;
	(pc) =	sbr.rel .LBB2_1-.Ltmp0, $4  }
0x10: {  	s9 =	sadd.s32 s9, s31;
	s13 =	smax.u32 s15, $0x1;
	s23 =	simm.s32 $0x7800  }
0x11: {  	s14 =	sadd.s32 s6, s5;
	s5 =	sadd.s32 s29, s2;
	s6 =	sadd.s32 s8, s30  }
0x12: {  	s8 =	sadd.s32 s8, s31;
	s12 =	sadd.s32 $0x32800, s14;
	s14 =	sadd.s32 $0x4000, s5  }
0x13: {  	v0 =	vimm.f32 $0.0e+00;
	s15 =	sadd.s32 $0x8000, s5;
	s16 =	sadd.s32 $0xC000, s5;
	s17 =	sadd.s32 $0x10000, s5  }
.LBB2_12:
0x14: {  	_ =	swait.ge [sflag:s22], $0x4000  }
0x15: {  	[sflag:s22] =	ssyncset.done $0x0  }
0x16: {  	[sflag:s22] =	ssyncadd.s32 $0xFFFFC000  }
0x17: {  	[tilespmem:s23], [sflag:$0x2] =	stream.indirect.gather [hbm4b:s4+s21], $0x80, s31, s21, $0xb8;
	[tilespmem:$0x1F800] =	vst v63  }
0x18: {  	_ = 	snop  }
0x19: {  	[spmem:s2] =	stream.indirect.scatter.add.f32 [tilespmem:s18], [sflag:$0x3], $0x80, s30, s21, $0xb8;
	[tilespmem:$0x1F800] =	vst v63  }
0x1a: {  	_ =	swait.ge [sflag:s19], $0x4000  }
0x1b: {  	[sflag:s19] =	ssyncset.done $0x0  }
0x1c: {  	[sflag:s19] =	ssyncadd.s32 $0xFFFFC000  }
0x1d: {  	_ =	swait.ge [sflag:s24], $0x4000  }
0x1e: {  	[sflag:s24] =	ssyncset.done $0x0  }
0x1f: {  	[sflag:s24] =	ssyncadd.s32 $0xFFFFC000  }
0x20: {  	[spmem:s2] =	stream.indirect.scatter.add.f32 [tilespmem:s23], [sflag:$0x3], $0x80, s29, s21, $0xb8;
	[tilespmem:$0x1F800] =	vst v63  }
0x21: {  	s3 =	sadd.s32 $0x1, s3;
	_ =	swait.ge [sflag:s19], $0x4000  }
0x22: {  	p1 =	sne.s32 s3, s13;
	[sflag:s19] =	ssyncset.done $0x0  }
0x23: {  	s31 =	sshrl.u32 s5, $0x3;
	s30 =	sshll.u32 s0, $0x6;
	[sflag:s19] =	ssyncadd.s32 $0xFFFFC000  }
.Ltmp1:
0x24: {  	s29 =	sor.u32 $0x1C03, s30;
	[bflag:$0x0] =	sbarrier.arrive $0xFFFF;
	(pc) =	sbr.rel @!p1 .LBB2_13-.Ltmp1, $4  }
0x25: {  	[hbm:s12], [sflag:s29] =	dma.local [spmem:s31], $0x2800  }
0x26: {  	_ =	swait.ge [sflag:s19], $0x2800  }
0x27: {  	[sflag:s19] =	ssyncset.done $0x0  }
0x28: {  	[sflag:s19] =	ssyncadd.s32 $0xFFFFD800  }
.LBB2_1:
0x29: {  	s29 =	simm.s32 $0x0;
	s30 =	simm.s32 $0x200  }
.LBB2_2:
0x2a: {  	p1 =	sne.s32 s30, $0xFE00;
	[tilespmem:s29+$0x3870] =	vst v0  }
0x2b: {  	[tilespmem:s29+$0x3800] =	vst v0  }
0x2c: {  	[tilespmem:s29+$0x3810] =	vst v0  }
.Ltmp2:
0x2d: {  	[tilespmem:s29+$0x3820] =	vst v0;
	(pc) =	sbr.rel @p1 .LBB2_2-.Ltmp2, $4  }
0x2e: {  	[tilespmem:s29+$0x3830] =	vst v0  }
0x2f: {  	[tilespmem:s29+$0x3840] =	vst v0  }
0x30: {  	[tilespmem:s29+$0x3850] =	vst v0  }
0x31: {  	[tilespmem:s29+$0x3860] =	vst v0;
	s29 =	sshra.s32 s30, $0x2;
	s30 =	sadd.s32 $0x200, s30  }
0x32: {  	[tilespmem:s29+$0x3870] =	vst v0  }
0x33: {  	[tilespmem:s29+$0x3800] =	vst v0  }
0x34: {  	[tilespmem:s29+$0x3810] =	vst v0  }
0x35: {  	[tilespmem:s29+$0x3820] =	vst v0  }
0x36: {  	[tilespmem:s29+$0x3830] =	vst v0  }
0x37: {  	[tilespmem:s29+$0x3840] =	vst v0  }
0x38: {  	[tilespmem:s29+$0x3850] =	vst v0  }
0x39: {  	[tilespmem:s29+$0x3860] =	vst v0  }
0x3a: {  	[spmem:s5] =	stream.linear.scatter [tilespmem:s18], [sflag:$0x3], $0x4000, $0x38;
	[tilespmem:$0x1F800] =	vst v63  }
0x3b: {  	_ =	swait.ge [sflag:s19], $0x4000  }
0x3c: {  	[sflag:s19] =	ssyncset.done $0x0  }
0x3d: {  	[sflag:s19] =	ssyncadd.s32 $0xFFFFC000  }
0x3e: {  	[spmem:s14] =	stream.linear.scatter [tilespmem:s18], [sflag:$0x3], $0x4000, $0x38;
	[tilespmem:$0x1F800] =	vst v63  }
0x3f: {  	_ =	swait.ge [sflag:s19], $0x4000  }
0x40: {  	[sflag:s19] =	ssyncset.done $0x0  }
0x41: {  	[sflag:s19] =	ssyncadd.s32 $0xFFFFC000  }
0x42: {  	[spmem:s15] =	stream.linear.scatter [tilespmem:s18], [sflag:$0x3], $0x4000, $0x38;
	[tilespmem:$0x1F800] =	vst v63  }
0x43: {  	_ =	swait.ge [sflag:s19], $0x4000  }
0x44: {  	[sflag:s19] =	ssyncset.done $0x0  }
0x45: {  	[sflag:s19] =	ssyncadd.s32 $0xFFFFC000  }
0x46: {  	[spmem:s16] =	stream.linear.scatter [tilespmem:s18], [sflag:$0x3], $0x4000, $0x38;
	[tilespmem:$0x1F800] =	vst v63  }
0x47: {  	_ =	swait.ge [sflag:s19], $0x4000  }
0x48: {  	[sflag:s19] =	ssyncset.done $0x0  }
0x49: {  	[sflag:s19] =	ssyncadd.s32 $0xFFFFC000  }
0x4a: {  	[spmem:s17] =	stream.linear.scatter [tilespmem:s18], [sflag:$0x3], $0x4000, $0x38;
	[tilespmem:$0x1F800] =	vst v63  }
.Ltmp3:
0x4b: {  	_ =	swait.ge [sflag:s19], $0x4000;
	(pc) =	sbr.rel @!p0 .LBB2_4-.Ltmp3, $4  }
0x4c: {  	[sflag:s19] =	ssyncset.done $0x0  }
0x4d: {  	[sflag:s19] =	ssyncadd.s32 $0xFFFFC000  }
0x4e: {  	[bflag:$0x0] =	sbarrier.arrive $0xFFFF  }
0x4f: {  	s29 =	simm.s32 $0x0  }
0x50: {  	[tilespmem:s29], [sflag:$0x3] =	stream.linear.gather [hbm4b:s10+s29], $0x1700, $0x38;
	[tilespmem:$0x1F800] =	vst v63  }
0x51: {  	_ =	swait.ge [sflag:s19], $0x1700  }
0x52: {  	[sflag:s19] =	ssyncset.done $0x0  }
0x53: {  	[sflag:s19] =	ssyncadd.s32 $0xFFFFE900  }
0x54: {  	[tilespmem:s20], [sflag:$0x3] =	stream.linear.gather [hbm4b:s11+s29], $0x1700, $0x38;
	[tilespmem:$0x1F800] =	vst v63  }
0x55: {  	_ =	swait.ge [sflag:s19], $0x1700  }
0x56: {  	[sflag:s19] =	ssyncset.done $0x0  }
0x57: {  	[sflag:s19] =	ssyncadd.s32 $0xFFFFE900  }
0x58: {  	[tilespmem:s18], [sflag:$0x1] =	stream.indirect.gather [hbm4b:s4+s21], $0x80, s29, s21, $0xb8;
	[tilespmem:$0x1F800] =	vst v63  }
.LBB2_10:
0x59: {  	_ =	swait.ge [sflag:s22], $0x4000  }
0x5a: {  	s30 =	sshra.s32 s29, $0x2;
	[sflag:s22] =	ssyncset.done $0x0  }
0x5b: {  	s31 =	sadd.s32 $0x80, s30;
	[sflag:s22] =	ssyncadd.s32 $0xFFFFC000  }
0x5c: {  	[tilespmem:s23], [sflag:$0x2] =	stream.indirect.gather [hbm4b:s4+s21], $0x80, s31, s21, $0xb8;
	[tilespmem:$0x1F800] =	vst v63  }
0x5d: {  	s31 =	sadd.s32 $0x1C00, s30  }
0x5e: {  	[spmem:s2] =	stream.indirect.scatter.add.f32 [tilespmem:s18], [sflag:$0x3], $0x80, s31, s21, $0xb8;
	[tilespmem:$0x1F800] =	vst v63  }
0x5f: {  	_ =	swait.ge [sflag:s19], $0x4000  }
0x60: {  	[sflag:s19] =	ssyncset.done $0x0  }
0x61: {  	[sflag:s19] =	ssyncadd.s32 $0xFFFFC000  }
0x62: {  	_ =	swait.ge [sflag:s24], $0x4000  }
0x63: {  	[sflag:s24] =	ssyncset.done $0x0  }
0x64: {  	p1 =	sne.s32 s29, $0x5400;
	s31 =	sadd.s32 $0x100, s30;
	[sflag:s24] =	ssyncadd.s32 $0xFFFFC000  }
0x65: {  	[tilespmem:s18], [sflag:$0x1] =	stream.indirect.gather [hbm4b:s4+s21], $0x80, s31, s21, $0xb8;
	[tilespmem:$0x1F800] =	vst v63  }
.Ltmp4:
0x66: {  	s30 =	sadd.s32 $0x1C80, s30;
	(pc) =	sbr.rel @p1 .LBB2_10-.Ltmp4, $4  }
0x67: {  	[spmem:s2] =	stream.indirect.scatter.add.f32 [tilespmem:s23], [sflag:$0x3], $0x80, s30, s21, $0xb8;
	[tilespmem:$0x1F800] =	vst v63  }
0x68: {  	_ =	swait.ge [sflag:s19], $0x4000  }
0x69: {  	[sflag:s19] =	ssyncset.done $0x0  }
0x6a: {  	s29 =	sadd.s32 $0x400, s29;
	[sflag:s19] =	ssyncadd.s32 $0xFFFFC000  }
.Ltmp5:
0x6b: {  	(pc) =	sbr.rel .LBB2_12-.Ltmp5, $2  }
0x6c: {  	_ =	sdelay $0x2  }
0x6d: {  	s29 =	simm.s32 $0x3280;
	s30 =	simm.s32 $0x3200;
	s31 =	simm.s32 $0x1680  }
.LBB2_4:
0x6e: {  	[tilespmem:s29], [sflag:$0x3] =	stream.linear.gather [hbm4b:s6+s29], $0x1C00, $0x38;
	[tilespmem:$0x1F800] =	vst v63  }
0x6f: {  	_ =	swait.ge [sflag:s19], $0x1C00  }
0x70: {  	[sflag:s19] =	ssyncset.done $0x0  }
0x71: {  	[sflag:s19] =	ssyncadd.s32 $0xFFFFE400  }
0x72: {  	[tilespmem:s20], [sflag:$0x3] =	stream.linear.gather [hbm4b:s7+s29], $0x1C00, $0x38;
	[tilespmem:$0x1F800] =	vst v63  }
0x73: {  	_ =	swait.ge [sflag:s19], $0x1C00  }
0x74: {  	[sflag:s19] =	ssyncset.done $0x0  }
0x75: {  	[sflag:s19] =	ssyncadd.s32 $0xFFFFE400  }
0x76: {  	[tilespmem:s18], [sflag:$0x1] =	stream.indirect.gather [hbm4b:s4+s21], $0x80, s29, s21, $0xb8;
	[tilespmem:$0x1F800] =	vst v63  }
0x77: {  	_ =	swait.ge [sflag:s22], $0x4000  }
0x78: {  	[sflag:s22] =	ssyncset.done $0x0  }
0x79: {  	s29 =	simm.s32 $0x80;
	[sflag:s22] =	ssyncadd.s32 $0xFFFFC000  }
0x7a: {  	[tilespmem:s23], [sflag:$0x2] =	stream.indirect.gather [hbm4b:s4+s21], $0x80, s29, s21, $0xb8;
	[tilespmem:$0x1F800] =	vst v63  }
0x7b: {  	s29 =	simm.s32 $0x1C00  }
0x7c: {  	[spmem:s2] =	stream.indirect.scatter.add.f32 [tilespmem:s18], [sflag:$0x3], $0x80, s29, s21, $0xb8;
	[tilespmem:$0x1F800] =	vst v63  }
0x7d: {  	_ =	swait.ge [sflag:s19], $0x4000  }
0x7e: {  	[sflag:s19] =	ssyncset.done $0x0  }
0x7f: {  	[sflag:s19] =	ssyncadd.s32 $0xFFFFC000  }
0x80: {  	_ =	swait.ge [sflag:s24], $0x4000  }
0x81: {  	[sflag:s24] =	ssyncset.done $0x0  }
0x82: {  	s29 =	simm.s32 $0x100;
	[sflag:s24] =	ssyncadd.s32 $0xFFFFC000  }
0x83: {  	[tilespmem:s18], [sflag:$0x1] =	stream.indirect.gather [hbm4b:s4+s21], $0x80, s29, s21, $0xb8;
	[tilespmem:$0x1F800] =	vst v63  }
0x84: {  	s29 =	simm.s32 $0x1C80  }
0x85: {  	[spmem:s2] =	stream.indirect.scatter.add.f32 [tilespmem:s23], [sflag:$0x3], $0x80, s29, s21, $0xb8;
	[tilespmem:$0x1F800] =	vst v63  }
0x86: {  	_ =	swait.ge [sflag:s19], $0x4000  }
0x87: {  	s29 =	simm.s32 $0x400;
	[sflag:s19] =	ssyncset.done $0x0  }
.LBB2_5:
0x88: {  	p1 =	sne.s32 s29, $0x6800  }
0x89: {  	[sflag:s19] =	ssyncadd.s32 $0xFFFFC000;
	s30 =	smov.u32 s29;
	s29 =	sadd.s32 $0x400, s29  }
0x8a: {  	_ = 	snop  }
0x8b: {  	_ =	swait.ge [sflag:s22], $0x4000  }
0x8c: {  	s30 =	sshra.s32 s30, $0x2;
	[sflag:s22] =	ssyncset.done $0x0  }
0x8d: {  	s31 =	sadd.s32 $0x80, s30;
	[sflag:s22] =	ssyncadd.s32 $0xFFFFC000  }
0x8e: {  	[tilespmem:s23], [sflag:$0x2] =	stream.indirect.gather [hbm4b:s4+s21], $0x80, s31, s21, $0xb8;
	[tilespmem:$0x1F800] =	vst v63  }
0x8f: {  	s31 =	sadd.s32 $0x1C00, s30  }
0x90: {  	[spmem:s2] =	stream.indirect.scatter.add.f32 [tilespmem:s18], [sflag:$0x3], $0x80, s31, s21, $0xb8;
	[tilespmem:$0x1F800] =	vst v63  }
0x91: {  	_ =	swait.ge [sflag:s19], $0x4000  }
0x92: {  	[sflag:s19] =	ssyncset.done $0x0  }
0x93: {  	[sflag:s19] =	ssyncadd.s32 $0xFFFFC000  }
0x94: {  	_ =	swait.ge [sflag:s24], $0x4000  }
0x95: {  	[sflag:s24] =	ssyncset.done $0x0  }
0x96: {  	s31 =	sadd.s32 $0x100, s30;
	[sflag:s24] =	ssyncadd.s32 $0xFFFFC000  }
0x97: {  	[tilespmem:s18], [sflag:$0x1] =	stream.indirect.gather [hbm4b:s4+s21], $0x80, s31, s21, $0xb8;
	[tilespmem:$0x1F800] =	vst v63  }
.Ltmp6:
0x98: {  	_ = 	snop;
	(pc) =	sbr.rel @p1 .LBB2_5-.Ltmp6, $4  }
0x99: {  	s30 =	sadd.s32 $0x1C80, s30  }
0x9a: {  	[spmem:s2] =	stream.indirect.scatter.add.f32 [tilespmem:s23], [sflag:$0x3], $0x80, s30, s21, $0xb8;
	[tilespmem:$0x1F800] =	vst v63  }
0x9b: {  	_ =	swait.ge [sflag:s19], $0x4000  }
0x9c: {  	[sflag:s19] =	ssyncset.done $0x0  }
0x9d: {  	[sflag:s19] =	ssyncadd.s32 $0xFFFFC000  }
0x9e: {  	_ =	swait.ge [sflag:s22], $0x4000  }
0x9f: {  	[sflag:s22] =	ssyncset.done $0x0  }
0xa0: {  	[sflag:s22] =	ssyncadd.s32 $0xFFFFC000  }
0xa1: {  	[tilespmem:s23], [sflag:$0x2] =	stream.indirect.gather [hbm4b:s4+s21], $0x80, s25, s21, $0xb8;
	[tilespmem:$0x1F800] =	vst v63  }
0xa2: {  	_ = 	snop  }
0xa3: {  	[spmem:s2] =	stream.indirect.scatter.add.f32 [tilespmem:s18], [sflag:$0x3], $0x80, s26, s21, $0xb8;
	[tilespmem:$0x1F800] =	vst v63  }
0xa4: {  	_ =	swait.ge [sflag:s19], $0x4000  }
0xa5: {  	[sflag:s19] =	ssyncset.done $0x0  }
0xa6: {  	[sflag:s19] =	ssyncadd.s32 $0xFFFFC000  }
0xa7: {  	_ =	swait.ge [sflag:s24], $0x4000  }
0xa8: {  	[sflag:s24] =	ssyncset.done $0x0  }
0xa9: {  	[sflag:s24] =	ssyncadd.s32 $0xFFFFC000  }
0xaa: {  	[spmem:s2] =	stream.indirect.scatter.add.f32 [tilespmem:s23], [sflag:$0x3], $0x80, s28, s21, $0xb8;
	[tilespmem:$0x1F800] =	vst v63  }
0xab: {  	_ =	swait.ge [sflag:s19], $0x4000  }
0xac: {  	[sflag:s19] =	ssyncset.done $0x0  }
0xad: {  	s29 =	simm.s32 $0x0;
	[sflag:s19] =	ssyncadd.s32 $0xFFFFC000  }
0xae: {  	[tilespmem:s29], [sflag:$0x3] =	stream.linear.gather [hbm4b:s8+s29], $0x1C00, $0x38;
	[tilespmem:$0x1F800] =	vst v63  }
0xaf: {  	_ =	swait.ge [sflag:s19], $0x1C00  }
0xb0: {  	[sflag:s19] =	ssyncset.done $0x0  }
0xb1: {  	[sflag:s19] =	ssyncadd.s32 $0xFFFFE400  }
0xb2: {  	[tilespmem:s20], [sflag:$0x3] =	stream.linear.gather [hbm4b:s9+s29], $0x1C00, $0x38;
	[tilespmem:$0x1F800] =	vst v63  }
0xb3: {  	_ =	swait.ge [sflag:s19], $0x1C00  }
0xb4: {  	[sflag:s19] =	ssyncset.done $0x0  }
0xb5: {  	[sflag:s19] =	ssyncadd.s32 $0xFFFFE400  }
0xb6: {  	[tilespmem:s18], [sflag:$0x1] =	stream.indirect.gather [hbm4b:s4+s21], $0x80, s29, s21, $0xb8;
	[tilespmem:$0x1F800] =	vst v63  }
.LBB2_7:
0xb7: {  	_ =	swait.ge [sflag:s22], $0x4000  }
0xb8: {  	s30 =	sshra.s32 s29, $0x2;
	[sflag:s22] =	ssyncset.done $0x0  }
0xb9: {  	s31 =	sadd.s32 $0x80, s30;
	[sflag:s22] =	ssyncadd.s32 $0xFFFFC000  }
0xba: {  	[tilespmem:s23], [sflag:$0x2] =	stream.indirect.gather [hbm4b:s4+s21], $0x80, s31, s21, $0xb8;
	[tilespmem:$0x1F800] =	vst v63  }
0xbb: {  	s31 =	sadd.s32 $0x1C00, s30  }
0xbc: {  	[spmem:s2] =	stream.indirect.scatter.add.f32 [tilespmem:s18], [sflag:$0x3], $0x80, s31, s21, $0xb8;
	[tilespmem:$0x1F800] =	vst v63  }
0xbd: {  	_ =	swait.ge [sflag:s19], $0x4000  }
0xbe: {  	[sflag:s19] =	ssyncset.done $0x0  }
0xbf: {  	[sflag:s19] =	ssyncadd.s32 $0xFFFFC000  }
0xc0: {  	_ =	swait.ge [sflag:s24], $0x4000  }
0xc1: {  	[sflag:s24] =	ssyncset.done $0x0  }
0xc2: {  	p1 =	seq.s32 s29, $0x6800;
	s31 =	sadd.s32 $0x100, s30;
	[sflag:s24] =	ssyncadd.s32 $0xFFFFC000  }
0xc3: {  	[tilespmem:s18], [sflag:$0x1] =	stream.indirect.gather [hbm4b:s4+s21], $0x80, s31, s21, $0xb8;
	[tilespmem:$0x1F800] =	vst v63  }
.Ltmp7:
0xc4: {  	s30 =	sadd.s32 $0x1C80, s30;
	(pc) =	sbr.rel @!p1 .LBB2_7-.Ltmp7, $4  }
0xc5: {  	[spmem:s2] =	stream.indirect.scatter.add.f32 [tilespmem:s23], [sflag:$0x3], $0x80, s30, s21, $0xb8;
	[tilespmem:$0x1F800] =	vst v63  }
0xc6: {  	_ =	swait.ge [sflag:s19], $0x4000  }
0xc7: {  	[sflag:s19] =	ssyncset.done $0x0  }
0xc8: {  	s29 =	sadd.s32 $0x400, s29;
	[sflag:s19] =	ssyncadd.s32 $0xFFFFC000  }
.Ltmp8:
0xc9: {  	(pc) =	sbr.rel .LBB2_12-.Ltmp8, $2  }
0xca: {  	_ =	sdelay $0x2  }
0xcb: {  	s29 =	simm.s32 $0x3780;
	s30 =	simm.s32 $0x3700;
	s31 =	simm.s32 $0x1B80  }
.LBB2_13:
0xcc: {  	_ =	sfence.sel $0x180000  }
0xcd: {  	[bflag:$0x0] =	sbarrier.arrive $0xFFFF  }
0xce: {  	p0 =	sne.s32 s0, $0x0;
	_ =	strace $0x9000004A  }
0xcf: {  	s0 =	sadd.s32 @!p0 $0x100000, s1;
	[bflag:$0x2] =	sbarrier.arrive $0xFFFF  }
0xd0: {  	[sflag:s0] =	ssyncadd.tile.s32 @!p0 $0x1;
	_ =	shalt  }
.Lfunc_end2:
_tile_overlayer_lowered:
.L_overlay_start_2:
0xd1: {  	(tag) =	ssettag $0x2  }
0xd2: {  	s0 =	rddreg [dreg:$0x0];
	s2 =	stileid.u32  }
0xd3: {  	s1 =	rddreg [dreg:$0x1];
	p0 =	sne.s32 s2, $0x0  }
0xd4: {  	s3 =	rddreg [dreg:$0x2];
	[bflag:$0x3] =	sbarrier.arrive $0xFFFF;
	s2 =	simm.s32 @!p0 $0x1C03  }
0xd5: {  	[timem:s3], [sflag:s2] =	dma.local @!p0 [hbm:s0], s1  }
0xd6: {  	s0 =	simm.s32 @!p0 $0x3  }
0xd7: {  	_ =	swait.ge @!p0 [sflag:s0], s1  }
0xd8: {  	s1 =	ssub.s32 @!p0 $0x0, s1;
	[sflag:s0] =	ssyncset.done @!p0 $0x0  }
0xd9: {  	[sflag:s0] =	ssyncadd.s32 @!p0 s1  }
0xda: {  	[bflag:$0x3] =	sbarrier.arrive $0xFFFF  }
0xdb: {  	_ =	shalt  }

</sc_bundles>
